<compile_context>
chip_gen: v7x
topology: tpu7x:2x2x1
jax: 0.10.2.dev20260603
libtpu: 0.0.44.dev20260713+nightly
codegen_flags: <defaults>
</compile_context>

<pallas_src>
import jax
import jax.numpy as jnp
from jax import lax
from jax.experimental import pallas as pl

C_IN = 64
MEM = 128
NCLS = 27
MAPW = 128
H = 128
W = 128
M = MAPW * MAPW
EPS = 1e-5



def _gru_body(x_ref, h_ref, m_ref, wih_ref, whh_ref, bi_ref, bh_ref, o_ref):
    x = x_ref[...]
    h = h_ref[...]
    gi = jnp.dot(x, wih_ref[...], preferred_element_type=jnp.float32) + bi_ref[...]
    gh = jnp.dot(h, whh_ref[...], preferred_element_type=jnp.float32) + bh_ref[...]
    ir, iz, inn = gi[:, :MEM], gi[:, MEM:2 * MEM], gi[:, 2 * MEM:]
    hr, hz, hn = gh[:, :MEM], gh[:, MEM:2 * MEM], gh[:, 2 * MEM:]
    r = jax.nn.sigmoid(ir + hr)
    z = jax.nn.sigmoid(iz + hz)
    n = jnp.tanh(inn + r * hn)
    new = (1.0 - z) * n + z * h
    o_ref[...] = jnp.where(m_ref[...] > 0, new, h)


def _gru_update(gathered, state, m, wih_t, whh_t, bi, bh):
    BM = 2048
    grid = (M // BM,)
    return pl.pallas_call(
        _gru_body,
        grid=grid,
        in_specs=[
            pl.BlockSpec((BM, C_IN), lambda i: (i, 0)),
            pl.BlockSpec((BM, MEM), lambda i: (i, 0)),
            pl.BlockSpec((BM, 1), lambda i: (i, 0)),
            pl.BlockSpec((C_IN, 3 * MEM), lambda i: (0, 0)),
            pl.BlockSpec((MEM, 3 * MEM), lambda i: (0, 0)),
            pl.BlockSpec((1, 3 * MEM), lambda i: (0, 0)),
            pl.BlockSpec((1, 3 * MEM), lambda i: (0, 0)),
        ],
        out_specs=pl.BlockSpec((BM, MEM), lambda i: (i, 0)),
        out_shape=jax.ShapeDtypeStruct((M, MEM), jnp.float32),
    )(gathered, state, m, wih_t, whh_t, bi, bh)



def _make_conv_body(K, Wp, HWp, cout):
    def body(x_ref, w_ref, o_ref):
        def tap(k, acc):
            dy = k // K
            dx = k % K
            off = dy * Wp + dx
            xw = x_ref[pl.ds(off, HWp), :]
            wk = w_ref[pl.ds(k, 1), :, :][0]
            return acc + jnp.dot(xw, wk, preferred_element_type=jnp.float32)
        o_ref[...] = lax.fori_loop(0, K * K, tap,
                                   jnp.zeros((HWp, cout), jnp.float32))
    return body


def _make_bn_body(cnt, has_bn, relu):
    def body(a_ref, g_ref, b_ref, o_ref):
        acc = a_ref[...]
        if has_bn:
            inv = 1.0 / cnt
            mu = jnp.sum(acc, axis=0, keepdims=True) * inv
            d = acc - mu
            var = jnp.sum(d * d, axis=0, keepdims=True) * inv
            y = d * lax.rsqrt(var + EPS) * g_ref[...] + b_ref[...]
        else:
            y = acc + b_ref[...]
        o_ref[...] = jnp.maximum(y, 0.0) if relu else y
    return body


def _conv_bn(x, w, g, b, K, relu=True, has_bn=True):
    p = (K - 1) // 2
    Wp = W + 2 * p
    cout = w.shape[2]
    if p:
        Hp = H + 2 * p + 1
        xp = jnp.pad(x, ((p, p + 1), (p, p), (0, 0)))
        xf = xp.reshape(Hp * Wp, x.shape[2])
    else:
        xf = x.reshape(H * W, x.shape[2])
    HWp = H * Wp
    acc = pl.pallas_call(
        _make_conv_body(K, Wp, HWp, cout),
        out_shape=jax.ShapeDtypeStruct((HWp, cout), jnp.float32),
    )(xf, w)
    if p:
        val = acc.reshape(H, Wp, cout)[:, :W, :].reshape(H * W, cout)
    else:
        val = acc
    out = pl.pallas_call(
        _make_bn_body(float(H * W), has_bn, relu),
        out_shape=jax.ShapeDtypeStruct((H * W, cout), jnp.float32),
    )(val, g, b)
    return out.reshape(H, W, cout)


def _prep_w(w):
    kh, kw = w.shape[2], w.shape[3]
    return jnp.transpose(w, (2, 3, 1, 0)).reshape(kh * kw, w.shape[1], w.shape[0])


def kernel(features, proj_wtm, mask_outliers, heights, map_height, map_width, params):
    p = params
    N = features.shape[2] * features.shape[3]
    wih_t = jnp.transpose(p['gru_Wih'])
    whh_t = jnp.transpose(p['gru_Whh'])
    bi = p['gru_bih'].reshape(1, -1)
    bh = p['gru_bhh'].reshape(1, -1)

    state = jnp.zeros((M, MEM), jnp.float32)
    height_map = jnp.zeros((M,), jnp.float32)
    idx_n = jnp.arange(N, dtype=jnp.int32)
    for t in range(features.shape[0]):
        inl = (~mask_outliers[t]).reshape(-1)
        wtm = proj_wtm[t].astype(jnp.int32)
        x0 = wtm[:, :, 0].reshape(-1)
        y0 = jnp.clip(wtm[:, :, 1].reshape(-1), 0, map_height - 1)
        flat = (map_width * y0 + x0).astype(jnp.int32)
        h = jnp.where(inl, heights[t].reshape(-1) + 1000.0, -jnp.inf)
        seg_max = jax.ops.segment_max(h, flat, num_segments=M)
        m = (seg_max > height_map).astype(jnp.float32).reshape(M, 1)
        cand = jnp.where(h >= seg_max[flat], idx_n, jnp.int32(-1))
        arg = jnp.full((M,), -1, jnp.int32).at[flat].max(cand)
        height_map = jnp.maximum(height_map, seg_max)
        gathered = features[t].reshape(C_IN, N)[:, jnp.clip(arg, 0)].T
        state = _gru_update(gathered, state, m, wih_t, whh_t, bi, bh)

    mem = state.reshape(MAPW, MAPW, MEM)
    ones27 = jnp.ones((1, NCLS), jnp.float32)
    x = _conv_bn(mem, _prep_w(p['c1_w']), p['bn1_g'].reshape(1, -1), p['bn1_b'].reshape(1, -1), 7)
    x = _conv_bn(x, _prep_w(p['c2_w']), p['bn2_g'].reshape(1, -1), p['bn2_b'].reshape(1, -1), 3)
    x = _conv_bn(x, _prep_w(p['c3_w']), p['bn3_g'].reshape(1, -1), p['bn3_b'].reshape(1, -1), 3)
    y = _conv_bn(x, _prep_w(p['r1_w']), p['rbn1_g'].reshape(1, -1), p['rbn1_b'].reshape(1, -1), 1)
    y = _conv_bn(y, _prep_w(p['r2_w']), p['rbn2_g'].reshape(1, -1), p['rbn2_b'].reshape(1, -1), 3)
    y = _conv_bn(y, _prep_w(p['r3_w']), p['rbn3_g'].reshape(1, -1), p['rbn3_b'].reshape(1, -1), 1, relu=False)
    x = jax.nn.relu(y + x)
    x = _conv_bn(x, _prep_w(p['o1_w']), p['obn1_g'].reshape(1, -1), p['obn1_b'].reshape(1, -1), 3)
    x = _conv_bn(x, _prep_w(p['o2_w']), ones27, p['o2_b'].reshape(1, -1), 1, relu=False, has_bn=False)
    return jnp.transpose(x, (2, 0, 1))[None]

# --- scband reference (transcript-rebuilt; emitter-appended) ---
"""Pipeline reference for scband-aux-smnet-15255723835830 (READ-ONLY COPY).

The authoritative reference and input builder live on the scoring server;
editing this copy changes nothing except your own understanding.
"""

import jax, jax.numpy as jnp
import numpy as np
from jax import lax

T = 2
C_IN = 64
MEM = 128
NCLS = 27
IMG_H = 480
IMG_W = 640
MAP = 128


def setup_inputs(seed: int = 0):
    key = jax.random.key(seed)
    ks = list(jax.random.split(key, 40))

    def rn(i, shape, s=0.05):
        return jax.random.normal(ks[i], shape, dtype=jnp.float32) * s

    params = {
        'gru_Wih': rn(4, (3 * MEM, C_IN), 0.01),
        'gru_Whh': rn(5, (3 * MEM, MEM), 0.01),
        'gru_bih': rn(6, (3 * MEM,), 0.01),
        'gru_bhh': jnp.zeros((3 * MEM,), jnp.float32),
        'c1_w': rn(7, (128, MEM, 7, 7)), 'bn1_g': jnp.ones((128,), jnp.float32), 'bn1_b': jnp.zeros((128,), jnp.float32),
        'c2_w': rn(8, (64, 128, 3, 3)), 'bn2_g': jnp.ones((64,), jnp.float32), 'bn2_b': jnp.zeros((64,), jnp.float32),
        'c3_w': rn(9, (48, 64, 3, 3)), 'bn3_g': jnp.ones((48,), jnp.float32), 'bn3_b': jnp.zeros((48,), jnp.float32),
        'r1_w': rn(10, (32, 48, 1, 1)), 'rbn1_g': jnp.ones((32,), jnp.float32), 'rbn1_b': jnp.zeros((32,), jnp.float32),
        'r2_w': rn(11, (32, 32, 3, 3)), 'rbn2_g': jnp.ones((32,), jnp.float32), 'rbn2_b': jnp.zeros((32,), jnp.float32),
        'r3_w': rn(12, (48, 32, 1, 1)), 'rbn3_g': jnp.ones((48,), jnp.float32), 'rbn3_b': jnp.zeros((48,), jnp.float32),
        'o1_w': rn(13, (48, 48, 3, 3)), 'obn1_g': jnp.ones((48,), jnp.float32), 'obn1_b': jnp.zeros((48,), jnp.float32),
        'o2_w': rn(14, (NCLS, 48, 1, 1)), 'o2_b': jnp.zeros((NCLS,), jnp.float32),
    }
    return {
        'features': jax.random.normal(ks[0], (T, C_IN, IMG_H, IMG_W), dtype=jnp.float32),
        'proj_wtm': jax.random.randint(ks[1], (T, IMG_H, IMG_W, 2), 0, MAP),
        'mask_outliers': jax.random.randint(ks[2], (T, IMG_H, IMG_W), 0, 2).astype(bool),
        'heights': jax.random.uniform(ks[3], (T, IMG_H, IMG_W), dtype=jnp.float32),
        'map_height': MAP,
        'map_width': MAP,
        'params': params,
    }


def _bn(x, g, b, eps=1e-5):
    mu = x.mean(axis=(0, 2, 3), keepdims=True)
    var = x.var(axis=(0, 2, 3), keepdims=True)
    xh = (x - mu) / jnp.sqrt(var + eps)
    return xh * g.reshape(1, -1, 1, 1) + b.reshape(1, -1, 1, 1)


def _conv(x, w, pad):
    return lax.conv_general_dilated(x, w, (1, 1), [(pad, pad), (pad, pad)], dimension_numbers=('NCHW', 'OIHW', 'NCHW'))


def _gru(x, h, Wih, Whh, bih, bhh):
    gi = x @ Wih.T + bih
    gh = h @ Whh.T + bhh
    ir, iz, inn = jnp.split(gi, 3, axis=1)
    hr, hz, hn = jnp.split(gh, 3, axis=1)
    r = jax.nn.sigmoid(ir + hr)
    z = jax.nn.sigmoid(iz + hz)
    n = jnp.tanh(inn + r * hn)
    return (1.0 - z) * n + z * h


def _decoder(x, p):
    x = jax.nn.relu(_bn(_conv(x, p['c1_w'], 3), p['bn1_g'], p['bn1_b']))
    x = jax.nn.relu(_bn(_conv(x, p['c2_w'], 1), p['bn2_g'], p['bn2_b']))
    x = jax.nn.relu(_bn(_conv(x, p['c3_w'], 1), p['bn3_g'], p['bn3_b']))
    y = jax.nn.relu(_bn(_conv(x, p['r1_w'], 0), p['rbn1_g'], p['rbn1_b']))
    y = jax.nn.relu(_bn(_conv(y, p['r2_w'], 1), p['rbn2_g'], p['rbn2_b']))
    y = _bn(_conv(y, p['r3_w'], 0), p['rbn3_g'], p['rbn3_b'])
    x = jax.nn.relu(y + x)
    x = jax.nn.relu(_bn(_conv(x, p['o1_w'], 1), p['obn1_g'], p['obn1_b']))
    x = _conv(x, p['o2_w'], 0) + p['o2_b'].reshape(1, -1, 1, 1)
    return x


def _forward(features, heights, params, proj_wtm, mask_outliers, map_height, map_width):
    M = MAP * MAP
    N = IMG_H * IMG_W
    state = jnp.zeros((M, MEM), jnp.float32)
    height_map = jnp.zeros((M,), jnp.float32)
    for t in range(features.shape[0]):
        inl = (~mask_outliers[t]).reshape(-1)
        wtm = proj_wtm[t].astype(jnp.int32)
        x0 = wtm[:, :, 0].reshape(-1)
        y0 = jnp.clip(wtm[:, :, 1].reshape(-1), 0, map_height - 1)
        flat = (map_width * y0 + x0).astype(jnp.int32)
        h = jnp.where(inl, heights[t].reshape(-1) + 1000.0, -jnp.inf)
        seg_max = jax.ops.segment_max(h, flat, num_segments=M)
        m = seg_max > height_map
        cand = jnp.where(h >= seg_max[flat], jnp.arange(N, dtype=jnp.int32), jnp.int32(-1))
        arg = jnp.full((M,), -1, jnp.int32).at[flat].max(cand)
        height_map = jnp.maximum(height_map, seg_max)
        feat = jnp.transpose(features[t], (1, 2, 0)).reshape(N, C_IN)
        gathered = feat[jnp.clip(arg, 0), :]
        new_state = _gru(gathered, state, params['gru_Wih'], params['gru_Whh'], params['gru_bih'], params['gru_bhh'])
        state = jnp.where(m[:, None], new_state, state)
    memory = jnp.transpose(state.reshape(MAP, MAP, MEM), (2, 0, 1))[None]
    return _decoder(memory, params)


def reference(features, proj_wtm, mask_outliers, heights, map_height, map_width, params):
    return _forward(features, heights, params, proj_wtm, mask_outliers, map_height, map_width)

if __name__ == "__main__":
    import jax
    _d = setup_inputs()
    print(jax.jit(kernel)(*tuple(_d.values())))

</pallas_src>

<mosaic_0001>
module attributes {stable_mosaic.version = 14 : i64} {
  func.func @_gru_body(%arg0: i32, %arg1: memref<2048x64xf32, #tpu.memory_space<vmem>>, %arg2: memref<2048x128xf32, #tpu.memory_space<vmem>>, %arg3: memref<2048x1xf32, #tpu.memory_space<vmem>>, %arg4: memref<64x384xf32, #tpu.memory_space<vmem>>, %arg5: memref<128x384xf32, #tpu.memory_space<vmem>>, %arg6: memref<1x384xf32, #tpu.memory_space<vmem>>, %arg7: memref<1x384xf32, #tpu.memory_space<vmem>>, %arg8: memref<2048x128xf32, #tpu.memory_space<vmem>>) attributes {dimension_semantics = [#tpu.dimension_semantics<arbitrary>], iteration_bounds = array<i64: 8>, scalar_prefetch = 0 : i64, scratch_operands = 0 : i64, tpu.core_type = #tpu.core_type<tc>, window_params = [{transform_indices = @transform_0, window_bounds = array<i64: 2048, 64>}, {transform_indices = @transform_1, window_bounds = array<i64: 2048, 128>}, {transform_indices = @transform_2, window_bounds = array<i64: 2048, 1>}, {pipeline_mode = #tpu.pipeline_mode<synchronous>, transform_indices = @transform_3, window_bounds = array<i64: 64, 384>}, {pipeline_mode = #tpu.pipeline_mode<synchronous>, transform_indices = @transform_4, window_bounds = array<i64: 128, 384>}, {pipeline_mode = #tpu.pipeline_mode<synchronous>, transform_indices = @transform_5, window_bounds = array<i64: 1, 384>}, {pipeline_mode = #tpu.pipeline_mode<synchronous>, transform_indices = @transform_6, window_bounds = array<i64: 1, 384>}, {transform_indices = @transform_7, window_bounds = array<i64: 2048, 128>}]} {
    %get3A = arith.constant 0 : index
    %get3A_0 = arith.constant 0 : index
    %get3A_1 = vector.load %arg1[%get3A, %get3A_0] : memref<2048x64xf32, #tpu.memory_space<vmem>>, vector<2048x64xf32>
    %get3A_2 = arith.constant 0 : index
    %get3A_3 = arith.constant 0 : index
    %get3A_4 = vector.load %arg2[%get3A_2, %get3A_3] : memref<2048x128xf32, #tpu.memory_space<vmem>>, vector<2048x128xf32>
    %get3A_5 = arith.constant 0 : index
    %get3A_6 = arith.constant 0 : index
    %get3A_7 = vector.load %arg4[%get3A_5, %get3A_6] : memref<64x384xf32, #tpu.memory_space<vmem>>, vector<64x384xf32>
    %dot_general3A = arith.constant dense<0.000000e+00> : vector<2048x384xf32>
    %dot_general3A_8 = tpu.matmul %get3A_1, %get3A_7, %dot_general3A {dimension_numbers = #tpu.dot_dimension_numbers<[1], [0], [0], [1], [0, 0, 1, 1], [], []>, transpose_lhs_hint = false} : vector<2048x64xf32>, vector<64x384xf32>, vector<2048x384xf32> -> vector<2048x384xf32>
    %get3A_9 = arith.constant 0 : index
    %get3A_10 = arith.constant 0 : index
    %get3A_11 = vector.load %arg6[%get3A_9, %get3A_10] : memref<1x384xf32, #tpu.memory_space<vmem>>, vector<1x384xf32>
    %add3A = vector.broadcast %get3A_11 : vector<1x384xf32> to vector<2048x384xf32>
    %add3A_12 = arith.addf %dot_general3A_8, %add3A : vector<2048x384xf32>
    %get3A_13 = arith.constant 0 : index
    %get3A_14 = arith.constant 0 : index
    %get3A_15 = vector.load %arg5[%get3A_13, %get3A_14] : memref<128x384xf32, #tpu.memory_space<vmem>>, vector<128x384xf32>
    %dot_general3A_16 = arith.constant dense<0.000000e+00> : vector<2048x384xf32>
    %dot_general3A_17 = tpu.matmul %get3A_4, %get3A_15, %dot_general3A_16 {dimension_numbers = #tpu.dot_dimension_numbers<[1], [0], [0], [1], [0, 0, 1, 1], [], []>, transpose_lhs_hint = false} : vector<2048x128xf32>, vector<128x384xf32>, vector<2048x384xf32> -> vector<2048x384xf32>
    %get3A_18 = arith.constant 0 : index
    %get3A_19 = arith.constant 0 : index
    %get3A_20 = vector.load %arg7[%get3A_18, %get3A_19] : memref<1x384xf32, #tpu.memory_space<vmem>>, vector<1x384xf32>
    %add3A_21 = vector.broadcast %get3A_20 : vector<1x384xf32> to vector<2048x384xf32>
    %add3A_22 = arith.addf %dot_general3A_17, %add3A_21 : vector<2048x384xf32>
    %slice3A = vector.extract_strided_slice %add3A_12 {offsets = [0, 0], sizes = [2048, 128], strides = [1, 1]} : vector<2048x384xf32> to vector<2048x128xf32>
    %slice3A_23 = vector.extract_strided_slice %add3A_12 {offsets = [0, 128], sizes = [2048, 128], strides = [1, 1]} : vector<2048x384xf32> to vector<2048x128xf32>
    %slice3A_24 = vector.extract_strided_slice %add3A_12 {offsets = [0, 256], sizes = [2048, 128], strides = [1, 1]} : vector<2048x384xf32> to vector<2048x128xf32>
    %slice3A_25 = vector.extract_strided_slice %add3A_22 {offsets = [0, 0], sizes = [2048, 128], strides = [1, 1]} : vector<2048x384xf32> to vector<2048x128xf32>
    %slice3A_26 = vector.extract_strided_slice %add3A_22 {offsets = [0, 128], sizes = [2048, 128], strides = [1, 1]} : vector<2048x384xf32> to vector<2048x128xf32>
    %slice3A_27 = vector.extract_strided_slice %add3A_22 {offsets = [0, 256], sizes = [2048, 128], strides = [1, 1]} : vector<2048x384xf32> to vector<2048x128xf32>
    %add3A_28 = arith.addf %slice3A, %slice3A_25 : vector<2048x128xf32>
    %logistic3A = arith.negf %add3A_28 : vector<2048x128xf32>
    %logistic3A_29 = math.exp %logistic3A : vector<2048x128xf32>
    %logistic3A_30 = arith.constant 1.000000e+00 : f32
    %logistic3A_31 = vector.broadcast %logistic3A_30 : f32 to vector<2048x128xf32>
    %logistic3A_32 = arith.addf %logistic3A_31, %logistic3A_29 : vector<2048x128xf32>
    %logistic3A_33 = arith.divf %logistic3A_31, %logistic3A_32 : vector<2048x128xf32>
    %add3A_34 = arith.addf %slice3A_23, %slice3A_26 : vector<2048x128xf32>
    %logistic3A_35 = arith.negf %add3A_34 : vector<2048x128xf32>
    %logistic3A_36 = math.exp %logistic3A_35 : vector<2048x128xf32>
    %logistic3A_37 = arith.constant 1.000000e+00 : f32
    %logistic3A_38 = vector.broadcast %logistic3A_37 : f32 to vector<2048x128xf32>
    %logistic3A_39 = arith.addf %logistic3A_38, %logistic3A_36 : vector<2048x128xf32>
    %logistic3A_40 = arith.divf %logistic3A_38, %logistic3A_39 : vector<2048x128xf32>
    %mul3A = arith.mulf %logistic3A_33, %slice3A_27 : vector<2048x128xf32>
    %add3A_41 = arith.addf %slice3A_24, %mul3A : vector<2048x128xf32>
    %tanh3A = math.tanh %add3A_41 : vector<2048x128xf32>
    %sub3A = arith.constant 1.000000e+00 : f32
    %sub3A_42 = vector.broadcast %sub3A : f32 to vector<2048x128xf32>
    %sub3A_43 = arith.subf %sub3A_42, %logistic3A_40 : vector<2048x128xf32>
    %mul3A_44 = arith.mulf %sub3A_43, %tanh3A : vector<2048x128xf32>
    %mul3A_45 = arith.mulf %logistic3A_40, %get3A_4 : vector<2048x128xf32>
    %add3A_46 = arith.addf %mul3A_44, %mul3A_45 : vector<2048x128xf32>
    %get3A_47 = arith.constant 0 : index
    %get3A_48 = arith.constant 0 : index
    %get3A_49 = vector.load %arg3[%get3A_47, %get3A_48] : memref<2048x1xf32, #tpu.memory_space<vmem>>, vector<2048x1xf32>
    %gt3A = arith.constant 0.000000e+00 : f32
    %gt3A_50 = vector.broadcast %gt3A : f32 to vector<2048x1xf32>
    %gt3A_51 = arith.cmpf ogt, %get3A_49, %gt3A_50 : vector<2048x1xf32>
    %broadcast_in_dim3A = vector.shape_cast %gt3A_51 : vector<2048x1xi1> to vector<2048x1xi1>
    %broadcast_in_dim3A_52 = vector.broadcast %broadcast_in_dim3A : vector<2048x1xi1> to vector<2048x128xi1>
    %select_n3A = arith.select %broadcast_in_dim3A_52, %add3A_46, %get3A_4 : vector<2048x128xi1>, vector<2048x128xf32>
    %swap3A = arith.constant 0 : index
    %swap3A_53 = arith.constant 0 : index
    %swap3A_54 = vector.load %arg8[%swap3A, %swap3A_53] : memref<2048x128xf32, #tpu.memory_space<vmem>>, vector<2048x128xf32>
    tpu.vector_store %arg8[%swap3A, %swap3A_53], %select_n3A {strides = array<i32>} : memref<2048x128xf32, #tpu.memory_space<vmem>>, vector<2048x128xf32>,
    return
  }
  func.func @transform_0(%arg0: i32) -> (i32, i32) {
    %c0_i32 = arith.constant 0 : i32
    %c0_i32_0 = arith.constant 0 : i32
    return %arg0, %c0_i32 : i32, i32
  }
  func.func @transform_1(%arg0: i32) -> (i32, i32) {
    %c0_i32 = arith.constant 0 : i32
    %c0_i32_0 = arith.constant 0 : i32
    return %arg0, %c0_i32 : i32, i32
  }
  func.func @transform_2(%arg0: i32) -> (i32, i32) {
    %c0_i32 = arith.constant 0 : i32
    %c0_i32_0 = arith.constant 0 : i32
    return %arg0, %c0_i32 : i32, i32
  }
  func.func @transform_3(%arg0: i32) -> (i32, i32) {
    %c0_i32 = arith.constant 0 : i32
    %c0_i32_0 = arith.constant 0 : i32
    %c0_i32_1 = arith.constant 0 : i32
    return %c0_i32, %c0_i32_0 : i32, i32
  }
  func.func @transform_4(%arg0: i32) -> (i32, i32) {
    %c0_i32 = arith.constant 0 : i32
    %c0_i32_0 = arith.constant 0 : i32
    %c0_i32_1 = arith.constant 0 : i32
    return %c0_i32, %c0_i32_0 : i32, i32
  }
  func.func @transform_5(%arg0: i32) -> (i32, i32) {
    %c0_i32 = arith.constant 0 : i32
    %c0_i32_0 = arith.constant 0 : i32
    %c0_i32_1 = arith.constant 0 : i32
    return %c0_i32, %c0_i32_0 : i32, i32
  }
  func.func @transform_6(%arg0: i32) -> (i32, i32) {
    %c0_i32 = arith.constant 0 : i32
    %c0_i32_0 = arith.constant 0 : i32
    %c0_i32_1 = arith.constant 0 : i32
    return %c0_i32, %c0_i32_0 : i32, i32
  }
  func.func @transform_7(%arg0: i32) -> (i32, i32) {
    %c0_i32 = arith.constant 0 : i32
    %c0_i32_0 = arith.constant 0 : i32
    return %arg0, %c0_i32 : i32, i32
  }
}

module attributes {stable_mosaic.version = 14 : i64} {
  func.func @body(%arg0: memref<18090x128xf32, #tpu.memory_space<vmem>>, %arg1: memref<49x128x128xf32, #tpu.memory_space<vmem>>, %arg2: memref<17152x128xf32, #tpu.memory_space<vmem>>) attributes {dimension_semantics = [], scalar_prefetch = 0 : i64, scratch_operands = 0 : i64, tpu.core_type = #tpu.core_type<tc>} {
    %broadcast_in_dim3A = arith.constant 0.000000e+00 : f32
    %broadcast_in_dim3A_0 = vector.broadcast %broadcast_in_dim3A : f32 to vector<17152x128xf32>
    %scan3A = arith.constant 0 : i32
    %scan3A_1 = arith.constant 49 : i32
    %scan3A_2 = arith.addi %scan3A, %scan3A_1 : i32
    %scan3A_3 = arith.constant 1 : i32
    %scan3A_4 = scf.for %scan3A_8 = %scan3A to %scan3A_2 step %scan3A_3 iter_args(%scan3A_9 = %broadcast_in_dim3A_0) -> (vector<17152x128xf32>)  : i32 {
      %jit3A = arith.constant 7 : i32
      %div3A = arith.divsi %scan3A_8, %jit3A : i32
      %sign3A = arith.constant 0 : i32
      %sign3A_10 = arith.cmpi sgt, %scan3A_8, %sign3A : i32
      %sign3A_11 = arith.extui %sign3A_10 : i1 to i32
      %sign3A_12 = arith.constant 0 : i32
      %sign3A_13 = arith.cmpi slt, %scan3A_8, %sign3A_12 : i32
      %sign3A_14 = arith.extui %sign3A_13 : i1 to i32
      %sign3A_15 = arith.subi %sign3A_11, %sign3A_14 : i32
      %sign3A_16 = arith.constant 0 : i32
      %sign3A_17 = arith.cmpi sgt, %jit3A, %sign3A_16 : i32
      %sign3A_18 = arith.extui %sign3A_17 : i1 to i32
      %sign3A_19 = arith.constant 0 : i32
      %sign3A_20 = arith.cmpi slt, %jit3A, %sign3A_19 : i32
      %sign3A_21 = arith.extui %sign3A_20 : i1 to i32
      %sign3A_22 = arith.subi %sign3A_18, %sign3A_21 : i32
      %ne3A = arith.cmpi ne, %sign3A_15, %sign3A_22 : i32
      %rem3A = arith.remsi %scan3A_8, %jit3A : i32
      %ne3A_23 = arith.constant 0 : i32
      %ne3A_24 = arith.cmpi ne, %rem3A, %ne3A_23 : i32
      %and3A = arith.andi %ne3A, %ne3A_24 : i1
      %sub3A = arith.constant 1 : i32
      %sub3A_25 = arith.subi %div3A, %sub3A : i32
      %select_n3A = arith.select %and3A, %sub3A_25, %div3A : i32
      %jit3A_26 = arith.constant 7 : i32
      %eq3A = arith.constant 0 : i32
      %eq3A_27 = arith.cmpi eq, %jit3A_26, %eq3A : i32
      %jit3A_28 = arith.constant 1 : i32
      %select_n3A_29 = arith.select %eq3A_27, %jit3A_28, %jit3A_26 : i32
      %rem3A_30 = arith.remsi %scan3A_8, %select_n3A_29 : i32
      %ne3A_31 = arith.constant 0 : i32
      %ne3A_32 = arith.cmpi ne, %rem3A_30, %ne3A_31 : i32
      %lt3A = arith.constant 0 : i32
      %lt3A_33 = arith.cmpi slt, %rem3A_30, %lt3A : i32
      %lt3A_34 = arith.constant 0 : i32
      %lt3A_35 = arith.cmpi slt, %select_n3A_29, %lt3A_34 : i32
      %ne3A_36 = arith.xori %lt3A_33, %lt3A_35 : i1
      %and3A_37 = arith.andi %ne3A_36, %ne3A_32 : i1
      %add3A = arith.addi %rem3A_30, %select_n3A_29 : i32
      %select_n3A_38 = arith.select %and3A_37, %add3A, %rem3A_30 : i32
      %mul3A = arith.constant 134 : i32
      %mul3A_39 = arith.muli %select_n3A, %mul3A : i32
      %add3A_40 = arith.addi %mul3A_39, %select_n3A_38 : i32
      %get3A = arith.index_cast %add3A_40 : i32 to index
      %get3A_41 = arith.constant 0 : index
      %get3A_42 = vector.load %arg0[%get3A, %get3A_41] : memref<18090x128xf32, #tpu.memory_space<vmem>>, vector<17152x128xf32>
      %get3A_43 = arith.index_cast %scan3A_8 : i32 to index
      %get3A_44 = arith.constant 0 : index
      %get3A_45 = arith.constant 0 : index
      %get3A_46 = vector.load %arg1[%get3A_43, %get3A_44, %get3A_45] : memref<49x128x128xf32, #tpu.memory_space<vmem>>, vector<1x128x128xf32>
      %squeeze3A = vector.shape_cast %get3A_46 : vector<1x128x128xf32> to vector<128x128xf32>
      %dot_general3A = arith.constant dense<0.000000e+00> : vector<17152x128xf32>
      %dot_general3A_47 = tpu.matmul %get3A_42, %squeeze3A, %dot_general3A {dimension_numbers = #tpu.dot_dimension_numbers<[1], [0], [0], [1], [0, 0, 1, 1], [], []>, transpose_lhs_hint = false} : vector<17152x128xf32>, vector<128x128xf32>, vector<17152x128xf32> -> vector<17152x128xf32>
      %add3A_48 = arith.addf %scan3A_9, %dot_general3A_47 : vector<17152x128xf32>
      scf.yield %add3A_48 : vector<17152x128xf32>
    }
    %scan3A_5 = arith.constant 49 : i32
    %swap3A = arith.constant 0 : index
    %swap3A_6 = arith.constant 0 : index
    %swap3A_7 = vector.load %arg2[%swap3A, %swap3A_6] : memref<17152x128xf32, #tpu.memory_space<vmem>>, vector<17152x128xf32>
    tpu.vector_store %arg2[%swap3A, %swap3A_6], %scan3A_4 {strides = array<i32>} : memref<17152x128xf32, #tpu.memory_space<vmem>>, vector<17152x128xf32>,
    return
  }
}

module attributes {stable_mosaic.version = 14 : i64} {
  func.func @body(%arg0: memref<16384x128xf32, #tpu.memory_space<vmem>>, %arg1: memref<1x128xf32, #tpu.memory_space<vmem>>, %arg2: memref<1x128xf32, #tpu.memory_space<vmem>>, %arg3: memref<16384x128xf32, #tpu.memory_space<vmem>>) attributes {dimension_semantics = [], scalar_prefetch = 0 : i64, scratch_operands = 0 : i64, tpu.core_type = #tpu.core_type<tc>} {
    %get3A = arith.constant 0 : index
    %get3A_0 = arith.constant 0 : index
    %get3A_1 = vector.load %arg0[%get3A, %get3A_0] : memref<16384x128xf32, #tpu.memory_space<vmem>>, vector<16384x128xf32>
    %reduce_sum3A = arith.constant dense<0.000000e+00> : vector<128xf32>
    %reduce_sum3A_2 = vector.multi_reduction <add>, %get3A_1, %reduce_sum3A [0] : vector<16384x128xf32> to vector<128xf32>
    %broadcast_in_dim3A = vector.shape_cast %reduce_sum3A_2 : vector<128xf32> to vector<1x128xf32>
    %mul3A = arith.constant 6.10351563E-5 : f32
    %mul3A_3 = vector.broadcast %mul3A : f32 to vector<1x128xf32>
    %mul3A_4 = arith.mulf %broadcast_in_dim3A, %mul3A_3 : vector<1x128xf32>
    %sub3A = vector.broadcast %mul3A_4 : vector<1x128xf32> to vector<16384x128xf32>
    %sub3A_5 = arith.subf %get3A_1, %sub3A : vector<16384x128xf32>
    %mul3A_6 = arith.mulf %sub3A_5, %sub3A_5 : vector<16384x128xf32>
    %reduce_sum3A_7 = arith.constant dense<0.000000e+00> : vector<128xf32>
    %reduce_sum3A_8 = vector.multi_reduction <add>, %mul3A_6, %reduce_sum3A_7 [0] : vector<16384x128xf32> to vector<128xf32>
    %broadcast_in_dim3A_9 = vector.shape_cast %reduce_sum3A_8 : vector<128xf32> to vector<1x128xf32>
    %mul3A_10 = arith.constant 6.10351563E-5 : f32
    %mul3A_11 = vector.broadcast %mul3A_10 : f32 to vector<1x128xf32>
    %mul3A_12 = arith.mulf %broadcast_in_dim3A_9, %mul3A_11 : vector<1x128xf32>
    %add3A = arith.constant 9.99999974E-6 : f32
    %add3A_13 = vector.broadcast %add3A : f32 to vector<1x128xf32>
    %add3A_14 = arith.addf %mul3A_12, %add3A_13 : vector<1x128xf32>
    %rsqrt3A = math.rsqrt %add3A_14 : vector<1x128xf32>
    %mul3A_15 = vector.broadcast %rsqrt3A : vector<1x128xf32> to vector<16384x128xf32>
    %mul3A_16 = arith.mulf %sub3A_5, %mul3A_15 : vector<16384x128xf32>
    %get3A_17 = arith.constant 0 : index
    %get3A_18 = arith.constant 0 : index
    %get3A_19 = vector.load %arg1[%get3A_17, %get3A_18] : memref<1x128xf32, #tpu.memory_space<vmem>>, vector<1x128xf32>
    %mul3A_20 = vector.broadcast %get3A_19 : vector<1x128xf32> to vector<16384x128xf32>
    %mul3A_21 = arith.mulf %mul3A_16, %mul3A_20 : vector<16384x128xf32>
    %get3A_22 = arith.constant 0 : index
    %get3A_23 = arith.constant 0 : index
    %get3A_24 = vector.load %arg2[%get3A_22, %get3A_23] : memref<1x128xf32, #tpu.memory_space<vmem>>, vector<1x128xf32>
    %add3A_25 = vector.broadcast %get3A_24 : vector<1x128xf32> to vector<16384x128xf32>
    %add3A_26 = arith.addf %mul3A_21, %add3A_25 : vector<16384x128xf32>
    %max3A = arith.constant 0.000000e+00 : f32
    %max3A_27 = vector.broadcast %max3A : f32 to vector<16384x128xf32>
    %max3A_28 = arith.maximumf %add3A_26, %max3A_27 : vector<16384x128xf32>
    %swap3A = arith.constant 0 : index
    %swap3A_29 = arith.constant 0 : index
    %swap3A_30 = vector.load %arg3[%swap3A, %swap3A_29] : memref<16384x128xf32, #tpu.memory_space<vmem>>, vector<16384x128xf32>
    tpu.vector_store %arg3[%swap3A, %swap3A_29], %max3A_28 {strides = array<i32>} : memref<16384x128xf32, #tpu.memory_space<vmem>>, vector<16384x128xf32>,
    return
  }
}

module attributes {stable_mosaic.version = 14 : i64} {
  func.func @body(%arg0: memref<17030x128xf32, #tpu.memory_space<vmem>>, %arg1: memref<9x128x64xf32, #tpu.memory_space<vmem>>, %arg2: memref<16640x64xf32, #tpu.memory_space<vmem>>) attributes {dimension_semantics = [], scalar_prefetch = 0 : i64, scratch_operands = 0 : i64, tpu.core_type = #tpu.core_type<tc>} {
    %broadcast_in_dim3A = arith.constant 0.000000e+00 : f32
    %broadcast_in_dim3A_0 = vector.broadcast %broadcast_in_dim3A : f32 to vector<16640x64xf32>
    %scan3A = arith.constant 0 : i32
    %scan3A_1 = arith.constant 9 : i32
    %scan3A_2 = arith.addi %scan3A, %scan3A_1 : i32
    %scan3A_3 = arith.constant 1 : i32
    %scan3A_4 = scf.for %scan3A_8 = %scan3A to %scan3A_2 step %scan3A_3 iter_args(%scan3A_9 = %broadcast_in_dim3A_0) -> (vector<16640x64xf32>)  : i32 {
      %jit3A = arith.constant 3 : i32
      %div3A = arith.divsi %scan3A_8, %jit3A : i32
      %sign3A = arith.constant 0 : i32
      %sign3A_10 = arith.cmpi sgt, %scan3A_8, %sign3A : i32
      %sign3A_11 = arith.extui %sign3A_10 : i1 to i32
      %sign3A_12 = arith.constant 0 : i32
      %sign3A_13 = arith.cmpi slt, %scan3A_8, %sign3A_12 : i32
      %sign3A_14 = arith.extui %sign3A_13 : i1 to i32
      %sign3A_15 = arith.subi %sign3A_11, %sign3A_14 : i32
      %sign3A_16 = arith.constant 0 : i32
      %sign3A_17 = arith.cmpi sgt, %jit3A, %sign3A_16 : i32
      %sign3A_18 = arith.extui %sign3A_17 : i1 to i32
      %sign3A_19 = arith.constant 0 : i32
      %sign3A_20 = arith.cmpi slt, %jit3A, %sign3A_19 : i32
      %sign3A_21 = arith.extui %sign3A_20 : i1 to i32
      %sign3A_22 = arith.subi %sign3A_18, %sign3A_21 : i32
      %ne3A = arith.cmpi ne, %sign3A_15, %sign3A_22 : i32
      %rem3A = arith.remsi %scan3A_8, %jit3A : i32
      %ne3A_23 = arith.constant 0 : i32
      %ne3A_24 = arith.cmpi ne, %rem3A, %ne3A_23 : i32
      %and3A = arith.andi %ne3A, %ne3A_24 : i1
      %sub3A = arith.constant 1 : i32
      %sub3A_25 = arith.subi %div3A, %sub3A : i32
      %select_n3A = arith.select %and3A, %sub3A_25, %div3A : i32
      %jit3A_26 = arith.constant 3 : i32
      %eq3A = arith.constant 0 : i32
      %eq3A_27 = arith.cmpi eq, %jit3A_26, %eq3A : i32
      %jit3A_28 = arith.constant 1 : i32
      %select_n3A_29 = arith.select %eq3A_27, %jit3A_28, %jit3A_26 : i32
      %rem3A_30 = arith.remsi %scan3A_8, %select_n3A_29 : i32
      %ne3A_31 = arith.constant 0 : i32
      %ne3A_32 = arith.cmpi ne, %rem3A_30, %ne3A_31 : i32
      %lt3A = arith.constant 0 : i32
      %lt3A_33 = arith.cmpi slt, %rem3A_30, %lt3A : i32
      %lt3A_34 = arith.constant 0 : i32
      %lt3A_35 = arith.cmpi slt, %select_n3A_29, %lt3A_34 : i32
      %ne3A_36 = arith.xori %lt3A_33, %lt3A_35 : i1
      %and3A_37 = arith.andi %ne3A_36, %ne3A_32 : i1
      %add3A = arith.addi %rem3A_30, %select_n3A_29 : i32
      %select_n3A_38 = arith.select %and3A_37, %add3A, %rem3A_30 : i32
      %mul3A = arith.constant 130 : i32
      %mul3A_39 = arith.muli %select_n3A, %mul3A : i32
      %add3A_40 = arith.addi %mul3A_39, %select_n3A_38 : i32
      %get3A = arith.index_cast %add3A_40 : i32 to index
      %get3A_41 = arith.constant 0 : index
      %get3A_42 = vector.load %arg0[%get3A, %get3A_41] : memref<17030x128xf32, #tpu.memory_space<vmem>>, vector<16640x128xf32>
      %get3A_43 = arith.index_cast %scan3A_8 : i32 to index
      %get3A_44 = arith.constant 0 : index
      %get3A_45 = arith.constant 0 : index
      %get3A_46 = vector.load %arg1[%get3A_43, %get3A_44, %get3A_45] : memref<9x128x64xf32, #tpu.memory_space<vmem>>, vector<1x128x64xf32>
      %squeeze3A = vector.shape_cast %get3A_46 : vector<1x128x64xf32> to vector<128x64xf32>
      %dot_general3A = arith.constant dense<0.000000e+00> : vector<16640x64xf32>
      %dot_general3A_47 = tpu.matmul %get3A_42, %squeeze3A, %dot_general3A {dimension_numbers = #tpu.dot_dimension_numbers<[1], [0], [0], [1], [0, 0, 1, 1], [], []>, transpose_lhs_hint = false} : vector<16640x128xf32>, vector<128x64xf32>, vector<16640x64xf32> -> vector<16640x64xf32>
      %add3A_48 = arith.addf %scan3A_9, %dot_general3A_47 : vector<16640x64xf32>
      scf.yield %add3A_48 : vector<16640x64xf32>
    }
    %scan3A_5 = arith.constant 9 : i32
    %swap3A = arith.constant 0 : index
    %swap3A_6 = arith.constant 0 : index
    %swap3A_7 = vector.load %arg2[%swap3A, %swap3A_6] : memref<16640x64xf32, #tpu.memory_space<vmem>>, vector<16640x64xf32>
    tpu.vector_store %arg2[%swap3A, %swap3A_6], %scan3A_4 {strides = array<i32>} : memref<16640x64xf32, #tpu.memory_space<vmem>>, vector<16640x64xf32>,
    return
  }
}

module attributes {stable_mosaic.version = 14 : i64} {
  func.func @body(%arg0: memref<16384x64xf32, #tpu.memory_space<vmem>>, %arg1: memref<1x64xf32, #tpu.memory_space<vmem>>, %arg2: memref<1x64xf32, #tpu.memory_space<vmem>>, %arg3: memref<16384x64xf32, #tpu.memory_space<vmem>>) attributes {dimension_semantics = [], scalar_prefetch = 0 : i64, scratch_operands = 0 : i64, tpu.core_type = #tpu.core_type<tc>} {
    %get3A = arith.constant 0 : index
    %get3A_0 = arith.constant 0 : index
    %get3A_1 = vector.load %arg0[%get3A, %get3A_0] : memref<16384x64xf32, #tpu.memory_space<vmem>>, vector<16384x64xf32>
    %reduce_sum3A = arith.constant dense<0.000000e+00> : vector<64xf32>
    %reduce_sum3A_2 = vector.multi_reduction <add>, %get3A_1, %reduce_sum3A [0] : vector<16384x64xf32> to vector<64xf32>
    %broadcast_in_dim3A = vector.shape_cast %reduce_sum3A_2 : vector<64xf32> to vector<1x64xf32>
    %mul3A = arith.constant 6.10351563E-5 : f32
    %mul3A_3 = vector.broadcast %mul3A : f32 to vector<1x64xf32>
    %mul3A_4 = arith.mulf %broadcast_in_dim3A, %mul3A_3 : vector<1x64xf32>
    %sub3A = vector.broadcast %mul3A_4 : vector<1x64xf32> to vector<16384x64xf32>
    %sub3A_5 = arith.subf %get3A_1, %sub3A : vector<16384x64xf32>
    %mul3A_6 = arith.mulf %sub3A_5, %sub3A_5 : vector<16384x64xf32>
    %reduce_sum3A_7 = arith.constant dense<0.000000e+00> : vector<64xf32>
    %reduce_sum3A_8 = vector.multi_reduction <add>, %mul3A_6, %reduce_sum3A_7 [0] : vector<16384x64xf32> to vector<64xf32>
    %broadcast_in_dim3A_9 = vector.shape_cast %reduce_sum3A_8 : vector<64xf32> to vector<1x64xf32>
    %mul3A_10 = arith.constant 6.10351563E-5 : f32
    %mul3A_11 = vector.broadcast %mul3A_10 : f32 to vector<1x64xf32>
    %mul3A_12 = arith.mulf %broadcast_in_dim3A_9, %mul3A_11 : vector<1x64xf32>
    %add3A = arith.constant 9.99999974E-6 : f32
    %add3A_13 = vector.broadcast %add3A : f32 to vector<1x64xf32>
    %add3A_14 = arith.addf %mul3A_12, %add3A_13 : vector<1x64xf32>
    %rsqrt3A = math.rsqrt %add3A_14 : vector<1x64xf32>
    %mul3A_15 = vector.broadcast %rsqrt3A : vector<1x64xf32> to vector<16384x64xf32>
    %mul3A_16 = arith.mulf %sub3A_5, %mul3A_15 : vector<16384x64xf32>
    %get3A_17 = arith.constant 0 : index
    %get3A_18 = arith.constant 0 : index
    %get3A_19 = vector.load %arg1[%get3A_17, %get3A_18] : memref<1x64xf32, #tpu.memory_space<vmem>>, vector<1x64xf32>
    %mul3A_20 = vector.broadcast %get3A_19 : vector<1x64xf32> to vector<16384x64xf32>
    %mul3A_21 = arith.mulf %mul3A_16, %mul3A_20 : vector<16384x64xf32>
    %get3A_22 = arith.constant 0 : index
    %get3A_23 = arith.constant 0 : index
    %get3A_24 = vector.load %arg2[%get3A_22, %get3A_23] : memref<1x64xf32, #tpu.memory_space<vmem>>, vector<1x64xf32>
    %add3A_25 = vector.broadcast %get3A_24 : vector<1x64xf32> to vector<16384x64xf32>
    %add3A_26 = arith.addf %mul3A_21, %add3A_25 : vector<16384x64xf32>
    %max3A = arith.constant 0.000000e+00 : f32
    %max3A_27 = vector.broadcast %max3A : f32 to vector<16384x64xf32>
    %max3A_28 = arith.maximumf %add3A_26, %max3A_27 : vector<16384x64xf32>
    %swap3A = arith.constant 0 : index
    %swap3A_29 = arith.constant 0 : index
    %swap3A_30 = vector.load %arg3[%swap3A, %swap3A_29] : memref<16384x64xf32, #tpu.memory_space<vmem>>, vector<16384x64xf32>
    tpu.vector_store %arg3[%swap3A, %swap3A_29], %max3A_28 {strides = array<i32>} : memref<16384x64xf32, #tpu.memory_space<vmem>>, vector<16384x64xf32>,
    return
  }
}

module attributes {stable_mosaic.version = 14 : i64} {
  func.func @body(%arg0: memref<17030x64xf32, #tpu.memory_space<vmem>>, %arg1: memref<9x64x48xf32, #tpu.memory_space<vmem>>, %arg2: memref<16640x48xf32, #tpu.memory_space<vmem>>) attributes {dimension_semantics = [], scalar_prefetch = 0 : i64, scratch_operands = 0 : i64, tpu.core_type = #tpu.core_type<tc>} {
    %broadcast_in_dim3A = arith.constant 0.000000e+00 : f32
    %broadcast_in_dim3A_0 = vector.broadcast %broadcast_in_dim3A : f32 to vector<16640x48xf32>
    %scan3A = arith.constant 0 : i32
    %scan3A_1 = arith.constant 9 : i32
    %scan3A_2 = arith.addi %scan3A, %scan3A_1 : i32
    %scan3A_3 = arith.constant 1 : i32
    %scan3A_4 = scf.for %scan3A_8 = %scan3A to %scan3A_2 step %scan3A_3 iter_args(%scan3A_9 = %broadcast_in_dim3A_0) -> (vector<16640x48xf32>)  : i32 {
      %jit3A = arith.constant 3 : i32
      %div3A = arith.divsi %scan3A_8, %jit3A : i32
      %sign3A = arith.constant 0 : i32
      %sign3A_10 = arith.cmpi sgt, %scan3A_8, %sign3A : i32
      %sign3A_11 = arith.extui %sign3A_10 : i1 to i32
      %sign3A_12 = arith.constant 0 : i32
      %sign3A_13 = arith.cmpi slt, %scan3A_8, %sign3A_12 : i32
      %sign3A_14 = arith.extui %sign3A_13 : i1 to i32
      %sign3A_15 = arith.subi %sign3A_11, %sign3A_14 : i32
      %sign3A_16 = arith.constant 0 : i32
      %sign3A_17 = arith.cmpi sgt, %jit3A, %sign3A_16 : i32
      %sign3A_18 = arith.extui %sign3A_17 : i1 to i32
      %sign3A_19 = arith.constant 0 : i32
      %sign3A_20 = arith.cmpi slt, %jit3A, %sign3A_19 : i32
      %sign3A_21 = arith.extui %sign3A_20 : i1 to i32
      %sign3A_22 = arith.subi %sign3A_18, %sign3A_21 : i32
      %ne3A = arith.cmpi ne, %sign3A_15, %sign3A_22 : i32
      %rem3A = arith.remsi %scan3A_8, %jit3A : i32
      %ne3A_23 = arith.constant 0 : i32
      %ne3A_24 = arith.cmpi ne, %rem3A, %ne3A_23 : i32
      %and3A = arith.andi %ne3A, %ne3A_24 : i1
      %sub3A = arith.constant 1 : i32
      %sub3A_25 = arith.subi %div3A, %sub3A : i32
      %select_n3A = arith.select %and3A, %sub3A_25, %div3A : i32
      %jit3A_26 = arith.constant 3 : i32
      %eq3A = arith.constant 0 : i32
      %eq3A_27 = arith.cmpi eq, %jit3A_26, %eq3A : i32
      %jit3A_28 = arith.constant 1 : i32
      %select_n3A_29 = arith.select %eq3A_27, %jit3A_28, %jit3A_26 : i32
      %rem3A_30 = arith.remsi %scan3A_8, %select_n3A_29 : i32
      %ne3A_31 = arith.constant 0 : i32
      %ne3A_32 = arith.cmpi ne, %rem3A_30, %ne3A_31 : i32
      %lt3A = arith.constant 0 : i32
      %lt3A_33 = arith.cmpi slt, %rem3A_30, %lt3A : i32
      %lt3A_34 = arith.constant 0 : i32
      %lt3A_35 = arith.cmpi slt, %select_n3A_29, %lt3A_34 : i32
      %ne3A_36 = arith.xori %lt3A_33, %lt3A_35 : i1
      %and3A_37 = arith.andi %ne3A_36, %ne3A_32 : i1
      %add3A = arith.addi %rem3A_30, %select_n3A_29 : i32
      %select_n3A_38 = arith.select %and3A_37, %add3A, %rem3A_30 : i32
      %mul3A = arith.constant 130 : i32
      %mul3A_39 = arith.muli %select_n3A, %mul3A : i32
      %add3A_40 = arith.addi %mul3A_39, %select_n3A_38 : i32
      %get3A = arith.index_cast %add3A_40 : i32 to index
      %get3A_41 = arith.constant 0 : index
      %get3A_42 = vector.load %arg0[%get3A, %get3A_41] : memref<17030x64xf32, #tpu.memory_space<vmem>>, vector<16640x64xf32>
      %get3A_43 = arith.index_cast %scan3A_8 : i32 to index
      %get3A_44 = arith.constant 0 : index
      %get3A_45 = arith.constant 0 : index
      %get3A_46 = vector.load %arg1[%get3A_43, %get3A_44, %get3A_45] : memref<9x64x48xf32, #tpu.memory_space<vmem>>, vector<1x64x48xf32>
      %squeeze3A = vector.shape_cast %get3A_46 : vector<1x64x48xf32> to vector<64x48xf32>
      %dot_general3A = arith.constant dense<0.000000e+00> : vector<16640x48xf32>
      %dot_general3A_47 = tpu.matmul %get3A_42, %squeeze3A, %dot_general3A {dimension_numbers = #tpu.dot_dimension_numbers<[1], [0], [0], [1], [0, 0, 1, 1], [], []>, transpose_lhs_hint = false} : vector<16640x64xf32>, vector<64x48xf32>, vector<16640x48xf32> -> vector<16640x48xf32>
      %add3A_48 = arith.addf %scan3A_9, %dot_general3A_47 : vector<16640x48xf32>
      scf.yield %add3A_48 : vector<16640x48xf32>
    }
    %scan3A_5 = arith.constant 9 : i32
    %swap3A = arith.constant 0 : index
    %swap3A_6 = arith.constant 0 : index
    %swap3A_7 = vector.load %arg2[%swap3A, %swap3A_6] : memref<16640x48xf32, #tpu.memory_space<vmem>>, vector<16640x48xf32>
    tpu.vector_store %arg2[%swap3A, %swap3A_6], %scan3A_4 {strides = array<i32>} : memref<16640x48xf32, #tpu.memory_space<vmem>>, vector<16640x48xf32>,
    return
  }
}

module attributes {stable_mosaic.version = 14 : i64} {
  func.func @body(%arg0: memref<16384x48xf32, #tpu.memory_space<vmem>>, %arg1: memref<1x48xf32, #tpu.memory_space<vmem>>, %arg2: memref<1x48xf32, #tpu.memory_space<vmem>>, %arg3: memref<16384x48xf32, #tpu.memory_space<vmem>>) attributes {dimension_semantics = [], scalar_prefetch = 0 : i64, scratch_operands = 0 : i64, tpu.core_type = #tpu.core_type<tc>} {
    %get3A = arith.constant 0 : index
    %get3A_0 = arith.constant 0 : index
    %get3A_1 = vector.load %arg0[%get3A, %get3A_0] : memref<16384x48xf32, #tpu.memory_space<vmem>>, vector<16384x48xf32>
    %reduce_sum3A = arith.constant dense<0.000000e+00> : vector<48xf32>
    %reduce_sum3A_2 = vector.multi_reduction <add>, %get3A_1, %reduce_sum3A [0] : vector<16384x48xf32> to vector<48xf32>
    %broadcast_in_dim3A = vector.shape_cast %reduce_sum3A_2 : vector<48xf32> to vector<1x48xf32>
    %mul3A = arith.constant 6.10351563E-5 : f32
    %mul3A_3 = vector.broadcast %mul3A : f32 to vector<1x48xf32>
    %mul3A_4 = arith.mulf %broadcast_in_dim3A, %mul3A_3 : vector<1x48xf32>
    %sub3A = vector.broadcast %mul3A_4 : vector<1x48xf32> to vector<16384x48xf32>
    %sub3A_5 = arith.subf %get3A_1, %sub3A : vector<16384x48xf32>
    %mul3A_6 = arith.mulf %sub3A_5, %sub3A_5 : vector<16384x48xf32>
    %reduce_sum3A_7 = arith.constant dense<0.000000e+00> : vector<48xf32>
    %reduce_sum3A_8 = vector.multi_reduction <add>, %mul3A_6, %reduce_sum3A_7 [0] : vector<16384x48xf32> to vector<48xf32>
    %broadcast_in_dim3A_9 = vector.shape_cast %reduce_sum3A_8 : vector<48xf32> to vector<1x48xf32>
    %mul3A_10 = arith.constant 6.10351563E-5 : f32
    %mul3A_11 = vector.broadcast %mul3A_10 : f32 to vector<1x48xf32>
    %mul3A_12 = arith.mulf %broadcast_in_dim3A_9, %mul3A_11 : vector<1x48xf32>
    %add3A = arith.constant 9.99999974E-6 : f32
    %add3A_13 = vector.broadcast %add3A : f32 to vector<1x48xf32>
    %add3A_14 = arith.addf %mul3A_12, %add3A_13 : vector<1x48xf32>
    %rsqrt3A = math.rsqrt %add3A_14 : vector<1x48xf32>
    %mul3A_15 = vector.broadcast %rsqrt3A : vector<1x48xf32> to vector<16384x48xf32>
    %mul3A_16 = arith.mulf %sub3A_5, %mul3A_15 : vector<16384x48xf32>
    %get3A_17 = arith.constant 0 : index
    %get3A_18 = arith.constant 0 : index
    %get3A_19 = vector.load %arg1[%get3A_17, %get3A_18] : memref<1x48xf32, #tpu.memory_space<vmem>>, vector<1x48xf32>
    %mul3A_20 = vector.broadcast %get3A_19 : vector<1x48xf32> to vector<16384x48xf32>
    %mul3A_21 = arith.mulf %mul3A_16, %mul3A_20 : vector<16384x48xf32>
    %get3A_22 = arith.constant 0 : index
    %get3A_23 = arith.constant 0 : index
    %get3A_24 = vector.load %arg2[%get3A_22, %get3A_23] : memref<1x48xf32, #tpu.memory_space<vmem>>, vector<1x48xf32>
    %add3A_25 = vector.broadcast %get3A_24 : vector<1x48xf32> to vector<16384x48xf32>
    %add3A_26 = arith.addf %mul3A_21, %add3A_25 : vector<16384x48xf32>
    %max3A = arith.constant 0.000000e+00 : f32
    %max3A_27 = vector.broadcast %max3A : f32 to vector<16384x48xf32>
    %max3A_28 = arith.maximumf %add3A_26, %max3A_27 : vector<16384x48xf32>
    %swap3A = arith.constant 0 : index
    %swap3A_29 = arith.constant 0 : index
    %swap3A_30 = vector.load %arg3[%swap3A, %swap3A_29] : memref<16384x48xf32, #tpu.memory_space<vmem>>, vector<16384x48xf32>
    tpu.vector_store %arg3[%swap3A, %swap3A_29], %max3A_28 {strides = array<i32>} : memref<16384x48xf32, #tpu.memory_space<vmem>>, vector<16384x48xf32>,
    return
  }
}

module attributes {stable_mosaic.version = 14 : i64} {
  func.func @body(%arg0: memref<16384x48xf32, #tpu.memory_space<vmem>>, %arg1: memref<1x48x32xf32, #tpu.memory_space<vmem>>, %arg2: memref<16384x32xf32, #tpu.memory_space<vmem>>) attributes {dimension_semantics = [], scalar_prefetch = 0 : i64, scratch_operands = 0 : i64, tpu.core_type = #tpu.core_type<tc>} {
    %broadcast_in_dim3A = arith.constant 0.000000e+00 : f32
    %broadcast_in_dim3A_0 = vector.broadcast %broadcast_in_dim3A : f32 to vector<16384x32xf32>
    %scan3A = arith.constant 0 : i32
    %jit3A = arith.constant 1 : i32
    %div3A = arith.divsi %scan3A, %jit3A : i32
    %sign3A = arith.constant 0 : i32
    %sign3A_1 = arith.cmpi sgt, %scan3A, %sign3A : i32
    %sign3A_2 = arith.extui %sign3A_1 : i1 to i32
    %sign3A_3 = arith.constant 0 : i32
    %sign3A_4 = arith.cmpi slt, %scan3A, %sign3A_3 : i32
    %sign3A_5 = arith.extui %sign3A_4 : i1 to i32
    %sign3A_6 = arith.subi %sign3A_2, %sign3A_5 : i32
    %sign3A_7 = arith.constant 0 : i32
    %sign3A_8 = arith.cmpi sgt, %jit3A, %sign3A_7 : i32
    %sign3A_9 = arith.extui %sign3A_8 : i1 to i32
    %sign3A_10 = arith.constant 0 : i32
    %sign3A_11 = arith.cmpi slt, %jit3A, %sign3A_10 : i32
    %sign3A_12 = arith.extui %sign3A_11 : i1 to i32
    %sign3A_13 = arith.subi %sign3A_9, %sign3A_12 : i32
    %ne3A = arith.cmpi ne, %sign3A_6, %sign3A_13 : i32
    %rem3A = arith.remsi %scan3A, %jit3A : i32
    %ne3A_14 = arith.constant 0 : i32
    %ne3A_15 = arith.cmpi ne, %rem3A, %ne3A_14 : i32
    %and3A = arith.andi %ne3A, %ne3A_15 : i1
    %sub3A = arith.constant 1 : i32
    %sub3A_16 = arith.subi %div3A, %sub3A : i32
    %select_n3A = arith.select %and3A, %sub3A_16, %div3A : i32
    %jit3A_17 = arith.constant 1 : i32
    %eq3A = arith.constant 0 : i32
    %eq3A_18 = arith.cmpi eq, %jit3A_17, %eq3A : i32
    %jit3A_19 = arith.constant 1 : i32
    %select_n3A_20 = arith.select %eq3A_18, %jit3A_19, %jit3A_17 : i32
    %rem3A_21 = arith.remsi %scan3A, %select_n3A_20 : i32
    %ne3A_22 = arith.constant 0 : i32
    %ne3A_23 = arith.cmpi ne, %rem3A_21, %ne3A_22 : i32
    %lt3A = arith.constant 0 : i32
    %lt3A_24 = arith.cmpi slt, %rem3A_21, %lt3A : i32
    %lt3A_25 = arith.constant 0 : i32
    %lt3A_26 = arith.cmpi slt, %select_n3A_20, %lt3A_25 : i32
    %ne3A_27 = arith.xori %lt3A_24, %lt3A_26 : i1
    %and3A_28 = arith.andi %ne3A_27, %ne3A_23 : i1
    %add3A = arith.addi %rem3A_21, %select_n3A_20 : i32
    %select_n3A_29 = arith.select %and3A_28, %add3A, %rem3A_21 : i32
    %mul3A = arith.constant 128 : i32
    %mul3A_30 = arith.muli %select_n3A, %mul3A : i32
    %add3A_31 = arith.addi %mul3A_30, %select_n3A_29 : i32
    %get3A = arith.index_cast %add3A_31 : i32 to index
    %get3A_32 = arith.constant 0 : index
    %get3A_33 = vector.load %arg0[%get3A, %get3A_32] : memref<16384x48xf32, #tpu.memory_space<vmem>>, vector<16384x48xf32>
    %get3A_34 = arith.index_cast %scan3A : i32 to index
    %get3A_35 = arith.constant 0 : index
    %get3A_36 = arith.constant 0 : index
    %get3A_37 = vector.load %arg1[%get3A_34, %get3A_35, %get3A_36] : memref<1x48x32xf32, #tpu.memory_space<vmem>>, vector<1x48x32xf32>
    %squeeze3A = vector.shape_cast %get3A_37 : vector<1x48x32xf32> to vector<48x32xf32>
    %dot_general3A = arith.constant dense<0.000000e+00> : vector<16384x32xf32>
    %dot_general3A_38 = tpu.matmul %get3A_33, %squeeze3A, %dot_general3A {dimension_numbers = #tpu.dot_dimension_numbers<[1], [0], [0], [1], [0, 0, 1, 1], [], []>, transpose_lhs_hint = false} : vector<16384x48xf32>, vector<48x32xf32>, vector<16384x32xf32> -> vector<16384x32xf32>
    %add3A_39 = arith.addf %broadcast_in_dim3A_0, %dot_general3A_38 : vector<16384x32xf32>
    %scan3A_40 = arith.constant 1 : i32
    %swap3A = arith.constant 0 : index
    %swap3A_41 = arith.constant 0 : index
    %swap3A_42 = vector.load %arg2[%swap3A, %swap3A_41] : memref<16384x32xf32, #tpu.memory_space<vmem>>, vector<16384x32xf32>
    tpu.vector_store %arg2[%swap3A, %swap3A_41], %add3A_39 {strides = array<i32>} : memref<16384x32xf32, #tpu.memory_space<vmem>>, vector<16384x32xf32>,
    return
  }
}

module attributes {stable_mosaic.version = 14 : i64} {
  func.func @body(%arg0: memref<16384x32xf32, #tpu.memory_space<vmem>>, %arg1: memref<1x32xf32, #tpu.memory_space<vmem>>, %arg2: memref<1x32xf32, #tpu.memory_space<vmem>>, %arg3: memref<16384x32xf32, #tpu.memory_space<vmem>>) attributes {dimension_semantics = [], scalar_prefetch = 0 : i64, scratch_operands = 0 : i64, tpu.core_type = #tpu.core_type<tc>} {
    %get3A = arith.constant 0 : index
    %get3A_0 = arith.constant 0 : index
    %get3A_1 = vector.load %arg0[%get3A, %get3A_0] : memref<16384x32xf32, #tpu.memory_space<vmem>>, vector<16384x32xf32>
    %reduce_sum3A = arith.constant dense<0.000000e+00> : vector<32xf32>
    %reduce_sum3A_2 = vector.multi_reduction <add>, %get3A_1, %reduce_sum3A [0] : vector<16384x32xf32> to vector<32xf32>
    %broadcast_in_dim3A = vector.shape_cast %reduce_sum3A_2 : vector<32xf32> to vector<1x32xf32>
    %mul3A = arith.constant 6.10351563E-5 : f32
    %mul3A_3 = vector.broadcast %mul3A : f32 to vector<1x32xf32>
    %mul3A_4 = arith.mulf %broadcast_in_dim3A, %mul3A_3 : vector<1x32xf32>
    %sub3A = vector.broadcast %mul3A_4 : vector<1x32xf32> to vector<16384x32xf32>
    %sub3A_5 = arith.subf %get3A_1, %sub3A : vector<16384x32xf32>
    %mul3A_6 = arith.mulf %sub3A_5, %sub3A_5 : vector<16384x32xf32>
    %reduce_sum3A_7 = arith.constant dense<0.000000e+00> : vector<32xf32>
    %reduce_sum3A_8 = vector.multi_reduction <add>, %mul3A_6, %reduce_sum3A_7 [0] : vector<16384x32xf32> to vector<32xf32>
    %broadcast_in_dim3A_9 = vector.shape_cast %reduce_sum3A_8 : vector<32xf32> to vector<1x32xf32>
    %mul3A_10 = arith.constant 6.10351563E-5 : f32
    %mul3A_11 = vector.broadcast %mul3A_10 : f32 to vector<1x32xf32>
    %mul3A_12 = arith.mulf %broadcast_in_dim3A_9, %mul3A_11 : vector<1x32xf32>
    %add3A = arith.constant 9.99999974E-6 : f32
    %add3A_13 = vector.broadcast %add3A : f32 to vector<1x32xf32>
    %add3A_14 = arith.addf %mul3A_12, %add3A_13 : vector<1x32xf32>
    %rsqrt3A = math.rsqrt %add3A_14 : vector<1x32xf32>
    %mul3A_15 = vector.broadcast %rsqrt3A : vector<1x32xf32> to vector<16384x32xf32>
    %mul3A_16 = arith.mulf %sub3A_5, %mul3A_15 : vector<16384x32xf32>
    %get3A_17 = arith.constant 0 : index
    %get3A_18 = arith.constant 0 : index
    %get3A_19 = vector.load %arg1[%get3A_17, %get3A_18] : memref<1x32xf32, #tpu.memory_space<vmem>>, vector<1x32xf32>
    %mul3A_20 = vector.broadcast %get3A_19 : vector<1x32xf32> to vector<16384x32xf32>
    %mul3A_21 = arith.mulf %mul3A_16, %mul3A_20 : vector<16384x32xf32>
    %get3A_22 = arith.constant 0 : index
    %get3A_23 = arith.constant 0 : index
    %get3A_24 = vector.load %arg2[%get3A_22, %get3A_23] : memref<1x32xf32, #tpu.memory_space<vmem>>, vector<1x32xf32>
    %add3A_25 = vector.broadcast %get3A_24 : vector<1x32xf32> to vector<16384x32xf32>
    %add3A_26 = arith.addf %mul3A_21, %add3A_25 : vector<16384x32xf32>
    %max3A = arith.constant 0.000000e+00 : f32
    %max3A_27 = vector.broadcast %max3A : f32 to vector<16384x32xf32>
    %max3A_28 = arith.maximumf %add3A_26, %max3A_27 : vector<16384x32xf32>
    %swap3A = arith.constant 0 : index
    %swap3A_29 = arith.constant 0 : index
    %swap3A_30 = vector.load %arg3[%swap3A, %swap3A_29] : memref<16384x32xf32, #tpu.memory_space<vmem>>, vector<16384x32xf32>
    tpu.vector_store %arg3[%swap3A, %swap3A_29], %max3A_28 {strides = array<i32>} : memref<16384x32xf32, #tpu.memory_space<vmem>>, vector<16384x32xf32>,
    return
  }
}

module attributes {stable_mosaic.version = 14 : i64} {
  func.func @body(%arg0: memref<17030x32xf32, #tpu.memory_space<vmem>>, %arg1: memref<9x32x32xf32, #tpu.memory_space<vmem>>, %arg2: memref<16640x32xf32, #tpu.memory_space<vmem>>) attributes {dimension_semantics = [], scalar_prefetch = 0 : i64, scratch_operands = 0 : i64, tpu.core_type = #tpu.core_type<tc>} {
    %broadcast_in_dim3A = arith.constant 0.000000e+00 : f32
    %broadcast_in_dim3A_0 = vector.broadcast %broadcast_in_dim3A : f32 to vector<16640x32xf32>
    %scan3A = arith.constant 0 : i32
    %scan3A_1 = arith.constant 9 : i32
    %scan3A_2 = arith.addi %scan3A, %scan3A_1 : i32
    %scan3A_3 = arith.constant 1 : i32
    %scan3A_4 = scf.for %scan3A_8 = %scan3A to %scan3A_2 step %scan3A_3 iter_args(%scan3A_9 = %broadcast_in_dim3A_0) -> (vector<16640x32xf32>)  : i32 {
      %jit3A = arith.constant 3 : i32
      %div3A = arith.divsi %scan3A_8, %jit3A : i32
      %sign3A = arith.constant 0 : i32
      %sign3A_10 = arith.cmpi sgt, %scan3A_8, %sign3A : i32
      %sign3A_11 = arith.extui %sign3A_10 : i1 to i32
      %sign3A_12 = arith.constant 0 : i32
      %sign3A_13 = arith.cmpi slt, %scan3A_8, %sign3A_12 : i32
      %sign3A_14 = arith.extui %sign3A_13 : i1 to i32
      %sign3A_15 = arith.subi %sign3A_11, %sign3A_14 : i32
      %sign3A_16 = arith.constant 0 : i32
      %sign3A_17 = arith.cmpi sgt, %jit3A, %sign3A_16 : i32
      %sign3A_18 = arith.extui %sign3A_17 : i1 to i32
      %sign3A_19 = arith.constant 0 : i32
      %sign3A_20 = arith.cmpi slt, %jit3A, %sign3A_19 : i32
      %sign3A_21 = arith.extui %sign3A_20 : i1 to i32
      %sign3A_22 = arith.subi %sign3A_18, %sign3A_21 : i32
      %ne3A = arith.cmpi ne, %sign3A_15, %sign3A_22 : i32
      %rem3A = arith.remsi %scan3A_8, %jit3A : i32
      %ne3A_23 = arith.constant 0 : i32
      %ne3A_24 = arith.cmpi ne, %rem3A, %ne3A_23 : i32
      %and3A = arith.andi %ne3A, %ne3A_24 : i1
      %sub3A = arith.constant 1 : i32
      %sub3A_25 = arith.subi %div3A, %sub3A : i32
      %select_n3A = arith.select %and3A, %sub3A_25, %div3A : i32
      %jit3A_26 = arith.constant 3 : i32
      %eq3A = arith.constant 0 : i32
      %eq3A_27 = arith.cmpi eq, %jit3A_26, %eq3A : i32
      %jit3A_28 = arith.constant 1 : i32
      %select_n3A_29 = arith.select %eq3A_27, %jit3A_28, %jit3A_26 : i32
      %rem3A_30 = arith.remsi %scan3A_8, %select_n3A_29 : i32
      %ne3A_31 = arith.constant 0 : i32
      %ne3A_32 = arith.cmpi ne, %rem3A_30, %ne3A_31 : i32
      %lt3A = arith.constant 0 : i32
      %lt3A_33 = arith.cmpi slt, %rem3A_30, %lt3A : i32
      %lt3A_34 = arith.constant 0 : i32
      %lt3A_35 = arith.cmpi slt, %select_n3A_29, %lt3A_34 : i32
      %ne3A_36 = arith.xori %lt3A_33, %lt3A_35 : i1
      %and3A_37 = arith.andi %ne3A_36, %ne3A_32 : i1
      %add3A = arith.addi %rem3A_30, %select_n3A_29 : i32
      %select_n3A_38 = arith.select %and3A_37, %add3A, %rem3A_30 : i32
      %mul3A = arith.constant 130 : i32
      %mul3A_39 = arith.muli %select_n3A, %mul3A : i32
      %add3A_40 = arith.addi %mul3A_39, %select_n3A_38 : i32
      %get3A = arith.index_cast %add3A_40 : i32 to index
      %get3A_41 = arith.constant 0 : index
      %get3A_42 = vector.load %arg0[%get3A, %get3A_41] : memref<17030x32xf32, #tpu.memory_space<vmem>>, vector<16640x32xf32>
      %get3A_43 = arith.index_cast %scan3A_8 : i32 to index
      %get3A_44 = arith.constant 0 : index
      %get3A_45 = arith.constant 0 : index
      %get3A_46 = vector.load %arg1[%get3A_43, %get3A_44, %get3A_45] : memref<9x32x32xf32, #tpu.memory_space<vmem>>, vector<1x32x32xf32>
      %squeeze3A = vector.shape_cast %get3A_46 : vector<1x32x32xf32> to vector<32x32xf32>
      %dot_general3A = arith.constant dense<0.000000e+00> : vector<16640x32xf32>
      %dot_general3A_47 = tpu.matmul %get3A_42, %squeeze3A, %dot_general3A {dimension_numbers = #tpu.dot_dimension_numbers<[1], [0], [0], [1], [0, 0, 1, 1], [], []>, transpose_lhs_hint = false} : vector<16640x32xf32>, vector<32x32xf32>, vector<16640x32xf32> -> vector<16640x32xf32>
      %add3A_48 = arith.addf %scan3A_9, %dot_general3A_47 : vector<16640x32xf32>
      scf.yield %add3A_48 : vector<16640x32xf32>
    }
    %scan3A_5 = arith.constant 9 : i32
    %swap3A = arith.constant 0 : index
    %swap3A_6 = arith.constant 0 : index
    %swap3A_7 = vector.load %arg2[%swap3A, %swap3A_6] : memref<16640x32xf32, #tpu.memory_space<vmem>>, vector<16640x32xf32>
    tpu.vector_store %arg2[%swap3A, %swap3A_6], %scan3A_4 {strides = array<i32>} : memref<16640x32xf32, #tpu.memory_space<vmem>>, vector<16640x32xf32>,
    return
  }
}

module attributes {stable_mosaic.version = 14 : i64} {
  func.func @body(%arg0: memref<16384x32xf32, #tpu.memory_space<vmem>>, %arg1: memref<1x32x48xf32, #tpu.memory_space<vmem>>, %arg2: memref<16384x48xf32, #tpu.memory_space<vmem>>) attributes {dimension_semantics = [], scalar_prefetch = 0 : i64, scratch_operands = 0 : i64, tpu.core_type = #tpu.core_type<tc>} {
    %broadcast_in_dim3A = arith.constant 0.000000e+00 : f32
    %broadcast_in_dim3A_0 = vector.broadcast %broadcast_in_dim3A : f32 to vector<16384x48xf32>
    %scan3A = arith.constant 0 : i32
    %jit3A = arith.constant 1 : i32
    %div3A = arith.divsi %scan3A, %jit3A : i32
    %sign3A = arith.constant 0 : i32
    %sign3A_1 = arith.cmpi sgt, %scan3A, %sign3A : i32
    %sign3A_2 = arith.extui %sign3A_1 : i1 to i32
    %sign3A_3 = arith.constant 0 : i32
    %sign3A_4 = arith.cmpi slt, %scan3A, %sign3A_3 : i32
    %sign3A_5 = arith.extui %sign3A_4 : i1 to i32
    %sign3A_6 = arith.subi %sign3A_2, %sign3A_5 : i32
    %sign3A_7 = arith.constant 0 : i32
    %sign3A_8 = arith.cmpi sgt, %jit3A, %sign3A_7 : i32
    %sign3A_9 = arith.extui %sign3A_8 : i1 to i32
    %sign3A_10 = arith.constant 0 : i32
    %sign3A_11 = arith.cmpi slt, %jit3A, %sign3A_10 : i32
    %sign3A_12 = arith.extui %sign3A_11 : i1 to i32
    %sign3A_13 = arith.subi %sign3A_9, %sign3A_12 : i32
    %ne3A = arith.cmpi ne, %sign3A_6, %sign3A_13 : i32
    %rem3A = arith.remsi %scan3A, %jit3A : i32
    %ne3A_14 = arith.constant 0 : i32
    %ne3A_15 = arith.cmpi ne, %rem3A, %ne3A_14 : i32
    %and3A = arith.andi %ne3A, %ne3A_15 : i1
    %sub3A = arith.constant 1 : i32
    %sub3A_16 = arith.subi %div3A, %sub3A : i32
    %select_n3A = arith.select %and3A, %sub3A_16, %div3A : i32
    %jit3A_17 = arith.constant 1 : i32
    %eq3A = arith.constant 0 : i32
    %eq3A_18 = arith.cmpi eq, %jit3A_17, %eq3A : i32
    %jit3A_19 = arith.constant 1 : i32
    %select_n3A_20 = arith.select %eq3A_18, %jit3A_19, %jit3A_17 : i32
    %rem3A_21 = arith.remsi %scan3A, %select_n3A_20 : i32
    %ne3A_22 = arith.constant 0 : i32
    %ne3A_23 = arith.cmpi ne, %rem3A_21, %ne3A_22 : i32
    %lt3A = arith.constant 0 : i32
    %lt3A_24 = arith.cmpi slt, %rem3A_21, %lt3A : i32
    %lt3A_25 = arith.constant 0 : i32
    %lt3A_26 = arith.cmpi slt, %select_n3A_20, %lt3A_25 : i32
    %ne3A_27 = arith.xori %lt3A_24, %lt3A_26 : i1
    %and3A_28 = arith.andi %ne3A_27, %ne3A_23 : i1
    %add3A = arith.addi %rem3A_21, %select_n3A_20 : i32
    %select_n3A_29 = arith.select %and3A_28, %add3A, %rem3A_21 : i32
    %mul3A = arith.constant 128 : i32
    %mul3A_30 = arith.muli %select_n3A, %mul3A : i32
    %add3A_31 = arith.addi %mul3A_30, %select_n3A_29 : i32
    %get3A = arith.index_cast %add3A_31 : i32 to index
    %get3A_32 = arith.constant 0 : index
    %get3A_33 = vector.load %arg0[%get3A, %get3A_32] : memref<16384x32xf32, #tpu.memory_space<vmem>>, vector<16384x32xf32>
    %get3A_34 = arith.index_cast %scan3A : i32 to index
    %get3A_35 = arith.constant 0 : index
    %get3A_36 = arith.constant 0 : index
    %get3A_37 = vector.load %arg1[%get3A_34, %get3A_35, %get3A_36] : memref<1x32x48xf32, #tpu.memory_space<vmem>>, vector<1x32x48xf32>
    %squeeze3A = vector.shape_cast %get3A_37 : vector<1x32x48xf32> to vector<32x48xf32>
    %dot_general3A = arith.constant dense<0.000000e+00> : vector<16384x48xf32>
    %dot_general3A_38 = tpu.matmul %get3A_33, %squeeze3A, %dot_general3A {dimension_numbers = #tpu.dot_dimension_numbers<[1], [0], [0], [1], [0, 0, 1, 1], [], []>, transpose_lhs_hint = false} : vector<16384x32xf32>, vector<32x48xf32>, vector<16384x48xf32> -> vector<16384x48xf32>
    %add3A_39 = arith.addf %broadcast_in_dim3A_0, %dot_general3A_38 : vector<16384x48xf32>
    %scan3A_40 = arith.constant 1 : i32
    %swap3A = arith.constant 0 : index
    %swap3A_41 = arith.constant 0 : index
    %swap3A_42 = vector.load %arg2[%swap3A, %swap3A_41] : memref<16384x48xf32, #tpu.memory_space<vmem>>, vector<16384x48xf32>
    tpu.vector_store %arg2[%swap3A, %swap3A_41], %add3A_39 {strides = array<i32>} : memref<16384x48xf32, #tpu.memory_space<vmem>>, vector<16384x48xf32>,
    return
  }
}

module attributes {stable_mosaic.version = 14 : i64} {
  func.func @body(%arg0: memref<16384x48xf32, #tpu.memory_space<vmem>>, %arg1: memref<1x48xf32, #tpu.memory_space<vmem>>, %arg2: memref<1x48xf32, #tpu.memory_space<vmem>>, %arg3: memref<16384x48xf32, #tpu.memory_space<vmem>>) attributes {dimension_semantics = [], scalar_prefetch = 0 : i64, scratch_operands = 0 : i64, tpu.core_type = #tpu.core_type<tc>} {
    %get3A = arith.constant 0 : index
    %get3A_0 = arith.constant 0 : index
    %get3A_1 = vector.load %arg0[%get3A, %get3A_0] : memref<16384x48xf32, #tpu.memory_space<vmem>>, vector<16384x48xf32>
    %reduce_sum3A = arith.constant dense<0.000000e+00> : vector<48xf32>
    %reduce_sum3A_2 = vector.multi_reduction <add>, %get3A_1, %reduce_sum3A [0] : vector<16384x48xf32> to vector<48xf32>
    %broadcast_in_dim3A = vector.shape_cast %reduce_sum3A_2 : vector<48xf32> to vector<1x48xf32>
    %mul3A = arith.constant 6.10351563E-5 : f32
    %mul3A_3 = vector.broadcast %mul3A : f32 to vector<1x48xf32>
    %mul3A_4 = arith.mulf %broadcast_in_dim3A, %mul3A_3 : vector<1x48xf32>
    %sub3A = vector.broadcast %mul3A_4 : vector<1x48xf32> to vector<16384x48xf32>
    %sub3A_5 = arith.subf %get3A_1, %sub3A : vector<16384x48xf32>
    %mul3A_6 = arith.mulf %sub3A_5, %sub3A_5 : vector<16384x48xf32>
    %reduce_sum3A_7 = arith.constant dense<0.000000e+00> : vector<48xf32>
    %reduce_sum3A_8 = vector.multi_reduction <add>, %mul3A_6, %reduce_sum3A_7 [0] : vector<16384x48xf32> to vector<48xf32>
    %broadcast_in_dim3A_9 = vector.shape_cast %reduce_sum3A_8 : vector<48xf32> to vector<1x48xf32>
    %mul3A_10 = arith.constant 6.10351563E-5 : f32
    %mul3A_11 = vector.broadcast %mul3A_10 : f32 to vector<1x48xf32>
    %mul3A_12 = arith.mulf %broadcast_in_dim3A_9, %mul3A_11 : vector<1x48xf32>
    %add3A = arith.constant 9.99999974E-6 : f32
    %add3A_13 = vector.broadcast %add3A : f32 to vector<1x48xf32>
    %add3A_14 = arith.addf %mul3A_12, %add3A_13 : vector<1x48xf32>
    %rsqrt3A = math.rsqrt %add3A_14 : vector<1x48xf32>
    %mul3A_15 = vector.broadcast %rsqrt3A : vector<1x48xf32> to vector<16384x48xf32>
    %mul3A_16 = arith.mulf %sub3A_5, %mul3A_15 : vector<16384x48xf32>
    %get3A_17 = arith.constant 0 : index
    %get3A_18 = arith.constant 0 : index
    %get3A_19 = vector.load %arg1[%get3A_17, %get3A_18] : memref<1x48xf32, #tpu.memory_space<vmem>>, vector<1x48xf32>
    %mul3A_20 = vector.broadcast %get3A_19 : vector<1x48xf32> to vector<16384x48xf32>
    %mul3A_21 = arith.mulf %mul3A_16, %mul3A_20 : vector<16384x48xf32>
    %get3A_22 = arith.constant 0 : index
    %get3A_23 = arith.constant 0 : index
    %get3A_24 = vector.load %arg2[%get3A_22, %get3A_23] : memref<1x48xf32, #tpu.memory_space<vmem>>, vector<1x48xf32>
    %add3A_25 = vector.broadcast %get3A_24 : vector<1x48xf32> to vector<16384x48xf32>
    %add3A_26 = arith.addf %mul3A_21, %add3A_25 : vector<16384x48xf32>
    %swap3A = arith.constant 0 : index
    %swap3A_27 = arith.constant 0 : index
    %swap3A_28 = vector.load %arg3[%swap3A, %swap3A_27] : memref<16384x48xf32, #tpu.memory_space<vmem>>, vector<16384x48xf32>
    tpu.vector_store %arg3[%swap3A, %swap3A_27], %add3A_26 {strides = array<i32>} : memref<16384x48xf32, #tpu.memory_space<vmem>>, vector<16384x48xf32>,
    return
  }
}

module attributes {stable_mosaic.version = 14 : i64} {
  func.func @body(%arg0: memref<17030x48xf32, #tpu.memory_space<vmem>>, %arg1: memref<9x48x48xf32, #tpu.memory_space<vmem>>, %arg2: memref<16640x48xf32, #tpu.memory_space<vmem>>) attributes {dimension_semantics = [], scalar_prefetch = 0 : i64, scratch_operands = 0 : i64, tpu.core_type = #tpu.core_type<tc>} {
    %broadcast_in_dim3A = arith.constant 0.000000e+00 : f32
    %broadcast_in_dim3A_0 = vector.broadcast %broadcast_in_dim3A : f32 to vector<16640x48xf32>
    %scan3A = arith.constant 0 : i32
    %scan3A_1 = arith.constant 9 : i32
    %scan3A_2 = arith.addi %scan3A, %scan3A_1 : i32
    %scan3A_3 = arith.constant 1 : i32
    %scan3A_4 = scf.for %scan3A_8 = %scan3A to %scan3A_2 step %scan3A_3 iter_args(%scan3A_9 = %broadcast_in_dim3A_0) -> (vector<16640x48xf32>)  : i32 {
      %jit3A = arith.constant 3 : i32
      %div3A = arith.divsi %scan3A_8, %jit3A : i32
      %sign3A = arith.constant 0 : i32
      %sign3A_10 = arith.cmpi sgt, %scan3A_8, %sign3A : i32
      %sign3A_11 = arith.extui %sign3A_10 : i1 to i32
      %sign3A_12 = arith.constant 0 : i32
      %sign3A_13 = arith.cmpi slt, %scan3A_8, %sign3A_12 : i32
      %sign3A_14 = arith.extui %sign3A_13 : i1 to i32
      %sign3A_15 = arith.subi %sign3A_11, %sign3A_14 : i32
      %sign3A_16 = arith.constant 0 : i32
      %sign3A_17 = arith.cmpi sgt, %jit3A, %sign3A_16 : i32
      %sign3A_18 = arith.extui %sign3A_17 : i1 to i32
      %sign3A_19 = arith.constant 0 : i32
      %sign3A_20 = arith.cmpi slt, %jit3A, %sign3A_19 : i32
      %sign3A_21 = arith.extui %sign3A_20 : i1 to i32
      %sign3A_22 = arith.subi %sign3A_18, %sign3A_21 : i32
      %ne3A = arith.cmpi ne, %sign3A_15, %sign3A_22 : i32
      %rem3A = arith.remsi %scan3A_8, %jit3A : i32
      %ne3A_23 = arith.constant 0 : i32
      %ne3A_24 = arith.cmpi ne, %rem3A, %ne3A_23 : i32
      %and3A = arith.andi %ne3A, %ne3A_24 : i1
      %sub3A = arith.constant 1 : i32
      %sub3A_25 = arith.subi %div3A, %sub3A : i32
      %select_n3A = arith.select %and3A, %sub3A_25, %div3A : i32
      %jit3A_26 = arith.constant 3 : i32
      %eq3A = arith.constant 0 : i32
      %eq3A_27 = arith.cmpi eq, %jit3A_26, %eq3A : i32
      %jit3A_28 = arith.constant 1 : i32
      %select_n3A_29 = arith.select %eq3A_27, %jit3A_28, %jit3A_26 : i32
      %rem3A_30 = arith.remsi %scan3A_8, %select_n3A_29 : i32
      %ne3A_31 = arith.constant 0 : i32
      %ne3A_32 = arith.cmpi ne, %rem3A_30, %ne3A_31 : i32
      %lt3A = arith.constant 0 : i32
      %lt3A_33 = arith.cmpi slt, %rem3A_30, %lt3A : i32
      %lt3A_34 = arith.constant 0 : i32
      %lt3A_35 = arith.cmpi slt, %select_n3A_29, %lt3A_34 : i32
      %ne3A_36 = arith.xori %lt3A_33, %lt3A_35 : i1
      %and3A_37 = arith.andi %ne3A_36, %ne3A_32 : i1
      %add3A = arith.addi %rem3A_30, %select_n3A_29 : i32
      %select_n3A_38 = arith.select %and3A_37, %add3A, %rem3A_30 : i32
      %mul3A = arith.constant 130 : i32
      %mul3A_39 = arith.muli %select_n3A, %mul3A : i32
      %add3A_40 = arith.addi %mul3A_39, %select_n3A_38 : i32
      %get3A = arith.index_cast %add3A_40 : i32 to index
      %get3A_41 = arith.constant 0 : index
      %get3A_42 = vector.load %arg0[%get3A, %get3A_41] : memref<17030x48xf32, #tpu.memory_space<vmem>>, vector<16640x48xf32>
      %get3A_43 = arith.index_cast %scan3A_8 : i32 to index
      %get3A_44 = arith.constant 0 : index
      %get3A_45 = arith.constant 0 : index
      %get3A_46 = vector.load %arg1[%get3A_43, %get3A_44, %get3A_45] : memref<9x48x48xf32, #tpu.memory_space<vmem>>, vector<1x48x48xf32>
      %squeeze3A = vector.shape_cast %get3A_46 : vector<1x48x48xf32> to vector<48x48xf32>
      %dot_general3A = arith.constant dense<0.000000e+00> : vector<16640x48xf32>
      %dot_general3A_47 = tpu.matmul %get3A_42, %squeeze3A, %dot_general3A {dimension_numbers = #tpu.dot_dimension_numbers<[1], [0], [0], [1], [0, 0, 1, 1], [], []>, transpose_lhs_hint = false} : vector<16640x48xf32>, vector<48x48xf32>, vector<16640x48xf32> -> vector<16640x48xf32>
      %add3A_48 = arith.addf %scan3A_9, %dot_general3A_47 : vector<16640x48xf32>
      scf.yield %add3A_48 : vector<16640x48xf32>
    }
    %scan3A_5 = arith.constant 9 : i32
    %swap3A = arith.constant 0 : index
    %swap3A_6 = arith.constant 0 : index
    %swap3A_7 = vector.load %arg2[%swap3A, %swap3A_6] : memref<16640x48xf32, #tpu.memory_space<vmem>>, vector<16640x48xf32>
    tpu.vector_store %arg2[%swap3A, %swap3A_6], %scan3A_4 {strides = array<i32>} : memref<16640x48xf32, #tpu.memory_space<vmem>>, vector<16640x48xf32>,
    return
  }
}

module attributes {stable_mosaic.version = 14 : i64} {
  func.func @body(%arg0: memref<16384x48xf32, #tpu.memory_space<vmem>>, %arg1: memref<1x48x27xf32, #tpu.memory_space<vmem>>, %arg2: memref<16384x27xf32, #tpu.memory_space<vmem>>) attributes {dimension_semantics = [], scalar_prefetch = 0 : i64, scratch_operands = 0 : i64, tpu.core_type = #tpu.core_type<tc>} {
    %broadcast_in_dim3A = arith.constant 0.000000e+00 : f32
    %broadcast_in_dim3A_0 = vector.broadcast %broadcast_in_dim3A : f32 to vector<16384x27xf32>
    %scan3A = arith.constant 0 : i32
    %jit3A = arith.constant 1 : i32
    %div3A = arith.divsi %scan3A, %jit3A : i32
    %sign3A = arith.constant 0 : i32
    %sign3A_1 = arith.cmpi sgt, %scan3A, %sign3A : i32
    %sign3A_2 = arith.extui %sign3A_1 : i1 to i32
    %sign3A_3 = arith.constant 0 : i32
    %sign3A_4 = arith.cmpi slt, %scan3A, %sign3A_3 : i32
    %sign3A_5 = arith.extui %sign3A_4 : i1 to i32
    %sign3A_6 = arith.subi %sign3A_2, %sign3A_5 : i32
    %sign3A_7 = arith.constant 0 : i32
    %sign3A_8 = arith.cmpi sgt, %jit3A, %sign3A_7 : i32
    %sign3A_9 = arith.extui %sign3A_8 : i1 to i32
    %sign3A_10 = arith.constant 0 : i32
    %sign3A_11 = arith.cmpi slt, %jit3A, %sign3A_10 : i32
    %sign3A_12 = arith.extui %sign3A_11 : i1 to i32
    %sign3A_13 = arith.subi %sign3A_9, %sign3A_12 : i32
    %ne3A = arith.cmpi ne, %sign3A_6, %sign3A_13 : i32
    %rem3A = arith.remsi %scan3A, %jit3A : i32
    %ne3A_14 = arith.constant 0 : i32
    %ne3A_15 = arith.cmpi ne, %rem3A, %ne3A_14 : i32
    %and3A = arith.andi %ne3A, %ne3A_15 : i1
    %sub3A = arith.constant 1 : i32
    %sub3A_16 = arith.subi %div3A, %sub3A : i32
    %select_n3A = arith.select %and3A, %sub3A_16, %div3A : i32
    %jit3A_17 = arith.constant 1 : i32
    %eq3A = arith.constant 0 : i32
    %eq3A_18 = arith.cmpi eq, %jit3A_17, %eq3A : i32
    %jit3A_19 = arith.constant 1 : i32
    %select_n3A_20 = arith.select %eq3A_18, %jit3A_19, %jit3A_17 : i32
    %rem3A_21 = arith.remsi %scan3A, %select_n3A_20 : i32
    %ne3A_22 = arith.constant 0 : i32
    %ne3A_23 = arith.cmpi ne, %rem3A_21, %ne3A_22 : i32
    %lt3A = arith.constant 0 : i32
    %lt3A_24 = arith.cmpi slt, %rem3A_21, %lt3A : i32
    %lt3A_25 = arith.constant 0 : i32
    %lt3A_26 = arith.cmpi slt, %select_n3A_20, %lt3A_25 : i32
    %ne3A_27 = arith.xori %lt3A_24, %lt3A_26 : i1
    %and3A_28 = arith.andi %ne3A_27, %ne3A_23 : i1
    %add3A = arith.addi %rem3A_21, %select_n3A_20 : i32
    %select_n3A_29 = arith.select %and3A_28, %add3A, %rem3A_21 : i32
    %mul3A = arith.constant 128 : i32
    %mul3A_30 = arith.muli %select_n3A, %mul3A : i32
    %add3A_31 = arith.addi %mul3A_30, %select_n3A_29 : i32
    %get3A = arith.index_cast %add3A_31 : i32 to index
    %get3A_32 = arith.constant 0 : index
    %get3A_33 = vector.load %arg0[%get3A, %get3A_32] : memref<16384x48xf32, #tpu.memory_space<vmem>>, vector<16384x48xf32>
    %get3A_34 = arith.index_cast %scan3A : i32 to index
    %get3A_35 = arith.constant 0 : index
    %get3A_36 = arith.constant 0 : index
    %get3A_37 = vector.load %arg1[%get3A_34, %get3A_35, %get3A_36] : memref<1x48x27xf32, #tpu.memory_space<vmem>>, vector<1x48x27xf32>
    %squeeze3A = vector.shape_cast %get3A_37 : vector<1x48x27xf32> to vector<48x27xf32>
    %dot_general3A = arith.constant dense<0.000000e+00> : vector<16384x27xf32>
    %dot_general3A_38 = tpu.matmul %get3A_33, %squeeze3A, %dot_general3A {dimension_numbers = #tpu.dot_dimension_numbers<[1], [0], [0], [1], [0, 0, 1, 1], [], []>, transpose_lhs_hint = false} : vector<16384x48xf32>, vector<48x27xf32>, vector<16384x27xf32> -> vector<16384x27xf32>
    %add3A_39 = arith.addf %broadcast_in_dim3A_0, %dot_general3A_38 : vector<16384x27xf32>
    %scan3A_40 = arith.constant 1 : i32
    %swap3A = arith.constant 0 : index
    %swap3A_41 = arith.constant 0 : index
    %swap3A_42 = vector.load %arg2[%swap3A, %swap3A_41] : memref<16384x27xf32, #tpu.memory_space<vmem>>, vector<16384x27xf32>
    tpu.vector_store %arg2[%swap3A, %swap3A_41], %add3A_39 {strides = array<i32>} : memref<16384x27xf32, #tpu.memory_space<vmem>>, vector<16384x27xf32>,
    return
  }
}

module attributes {stable_mosaic.version = 14 : i64} {
  func.func @body(%arg0: memref<16384x27xf32, #tpu.memory_space<vmem>>, %arg1: memref<1x27xf32, #tpu.memory_space<vmem>>, %arg2: memref<1x27xf32, #tpu.memory_space<vmem>>, %arg3: memref<16384x27xf32, #tpu.memory_space<vmem>>) attributes {dimension_semantics = [], scalar_prefetch = 0 : i64, scratch_operands = 0 : i64, tpu.core_type = #tpu.core_type<tc>} {
    %get3A = arith.constant 0 : index
    %get3A_0 = arith.constant 0 : index
    %get3A_1 = vector.load %arg0[%get3A, %get3A_0] : memref<16384x27xf32, #tpu.memory_space<vmem>>, vector<16384x27xf32>
    %get3A_2 = arith.constant 0 : index
    %get3A_3 = arith.constant 0 : index
    %get3A_4 = vector.load %arg2[%get3A_2, %get3A_3] : memref<1x27xf32, #tpu.memory_space<vmem>>, vector<1x27xf32>
    %add3A = vector.broadcast %get3A_4 : vector<1x27xf32> to vector<16384x27xf32>
    %add3A_5 = arith.addf %get3A_1, %add3A : vector<16384x27xf32>
    %swap3A = arith.constant 0 : index
    %swap3A_6 = arith.constant 0 : index
    %swap3A_7 = vector.load %arg3[%swap3A, %swap3A_6] : memref<16384x27xf32, #tpu.memory_space<vmem>>, vector<16384x27xf32>
    tpu.vector_store %arg3[%swap3A, %swap3A_6], %add3A_5 {strides = array<i32>} : memref<16384x27xf32, #tpu.memory_space<vmem>>, vector<16384x27xf32>,
    return
  }
}

</mosaic_0001>

<sc_bundles>
// kernel: gather_offload_async_start.1
scs
__scs_entry_jumppad:
0x0: {  	(pc) =	sbr.rel $0x88, $3  }
0x1: {  	(tag) =	ssettag $0x0;
	lr =	simm.s32 $0x1  }
0x2: {  	[smem:$0x3F80] =	sst lr;
	_ =	strace $0xD0000000  }
0x3: {  	_ = 	snop  }
0x4: {  	_ = 	snop  }
0x5: {  	_ = 	snop  }
0x6: {  	_ = 	snop  }
0x7: {  	_ = 	snop  }
__scs_overlays_trampoline_lowered:
0x8: {  	[smem:$0x3F8F] =	sst s0  }
0x9: {  	[smem:$0x3F90] =	sst s1  }
0xa: {  	[smem:$0x3F91] =	sst s2  }
0xb: {  	[smem:$0x3F92] =	sst s3  }
0xc: {  	[smem:$0x3F93] =	sst s4  }
0xd: {  	[smem:$0x3F94] =	sst s5  }
0xe: {  	[smem:$0x3F95] =	sst s6  }
0xf: {  	[smem:$0x3F96] =	sst s7  }
0x10: {  	[smem:$0x3F97] =	sst s8  }
0x11: {  	[smem:$0x3F98] =	sst s9;
	s0 =	simm.s32 @!p0 $0x0  }
0x12: {  	s1 =	sld [smem:$0x3F7E];
	s0 =	simm.s32 @p0 $0x1  }
0x13: {  	[smem:$0x3F99] =	sst s0;
	s0 =	simm.s32 @!p1 $0x0  }
0x14: {  	s2 =	sld [smem:$0x3F7D];
	s0 =	simm.s32 @p1 $0x1  }
0x15: {  	[smem:$0x3F9A] =	sst s0;
	s0 =	simm.s32 @!p2 $0x0  }
0x16: {  	s3 =	sld [smem:$0x3FDB];
	s0 =	simm.s32 @p2 $0x1  }
0x17: {  	s4 =	simm.s32 $0x1BF5;
	[smem:$0x3F9C] =	sst s0  }
0x18: {  	s0 =	sld [smem:$0x3F7F];
	_ =	swait.ge [sflag:s4], $0x0  }
0x19: {  	s7 =	sld [smem:$0x3F80]  }
0x1a: {  	s8 =	sadd.s32 $0xFFFFE003, lr  }
0x1b: {  	s9 =	sadd.s32 $0xFFFFFEF7, lr;
	s5 =	simm.s32 $0xFFFFFFFF;
	p2 =	slt.u32 s8, $0xFFFFF086  }
0x1c: {  	p1 =	slt.u32 s9, $0xF7A;
	s5 =	simm.s32 @!p2 $0x0  }
0x1d: {  	s5 =	simm.s32 @p1 $0x1;
	p0 =	seq.s32 s7, s2  }
0x1e: {  	s7 =	smul.u32 @!p0 $0xF7A, s2;
	p2 =	seq.s32 @!p0 s5, $0x0  }
0x1f: {  	s9 =	smul.u32 $0xF7A, s1;
	s8 =	simm.s32 @!p0 $0x1BF5;
	p2 =	por !p2, p0  }
0x20: {  	[sflag:s8] =	ssyncset.s32 @!p0 $0xFFFFF086;
	s6 =	sadd.s32 @!p0 s3, s7;
	s7 =	simm.s32 @!p0 $0x108  }
0x21: {  	s3 =	sadd.s32 s3, s9;
	s6 =	sadd.s32 @!p0 $0x88, s6;
	s7 =	simm.s32 @p2 $0x1082  }
0x22: {  	[simem:s7], [sflag:s8] =	dma.local @!p0 [hbm:s6], $0xF7A  }
0x23: {  	s9 =	sor.u32 $0xD0000000, s2;
	s6 =	simm.s32 $0x108;
	_ =	swait.ge @!p0 [sflag:s8], $0x0  }
0x24: {  	s3 =	sadd.s32 $0x88, s3;
	s6 =	simm.s32 @!p1 $0x1082;
	[sflag:s4] =	ssyncset.s32 $0xFFFFF086  }
0x25: {  	[simem:s6], [sflag:s4] =	dma.local [hbm:s3], $0xF7A  }
0x26: {  	[smem:$0x3F80] =	sst s1;
	(tag) =	ssettag s2;
	_ =	strace s9  }
0x27: {  	s1 =	sld [smem:$0x3F90]  }
0x28: {  	s2 =	sld [smem:$0x3F91]  }
0x29: {  	s4 =	sld [smem:$0x3F93]  }
0x2a: {  	p0 =	seq.s32 s5, $0x0;
	s5 =	sld [smem:$0x3F94]  }
0x2b: {  	s6 =	sld [smem:$0x3F95]  }
0x2c: {  	s7 =	sld [smem:$0x3F96]  }
0x2d: {  	s3 =	simm.s32 $0x108;
	s8 =	sld [smem:$0x3F97]  }
0x2e: {  	s3 =	simm.s32 @!p0 $0x1082;
	s9 =	sld [smem:$0x3F98]  }
0x2f: {  	lr =	sadd.s32 s0, s3;
	s0 =	sld [smem:$0x3F8F]  }
0x30: {  	s3 =	sld [smem:$0x3F92]  }
0x31: {  	[smem:$0x3F9B] =	sst s10  }
0x32: {  	s10 =	sld [smem:$0x3F99];
	_ =	sdelay $0x3  }
0x33: {  	p0 =	seq.s32 s10, $0x1;
	s10 =	sld [smem:$0x3F9B];
	_ =	sdelay $0x3  }
0x34: {  	[smem:$0x3F9B] =	sst s10  }
0x35: {  	s10 =	sld [smem:$0x3F9A];
	_ =	sdelay $0x3  }
0x36: {  	p1 =	seq.s32 s10, $0x1;
	s10 =	sld [smem:$0x3F9B];
	_ =	sdelay $0x3  }
0x37: {  	[smem:$0x3F9B] =	sst s10  }
0x38: {  	s10 =	sld [smem:$0x3F9C]  }
0x39: {  	_ = 	snop;
	(pc) =	sbr.ind lr, $3  }
0x3a: {  	_ = 	snop  }
0x3b: {  	_ = 	snop  }
0x3c: {  	p2 =	seq.s32 s10, $0x1;
	s10 =	sld [smem:$0x3F9B]  }
0x3d: {  	_ =	shalt  }
0x3e: {  	_ =	shalt  }
0x3f: {  	_ =	shalt  }
0x40: {  	_ =	shalt  }
0x41: {  	_ =	shalt  }
0x42: {  	_ =	shalt  }
0x43: {  	_ =	shalt  }
0x44: {  	_ =	shalt  }
0x45: {  	_ =	shalt  }
0x46: {  	_ =	shalt  }
0x47: {  	_ =	shalt  }
0x48: {  	_ =	shalt  }
0x49: {  	_ =	shalt  }
0x4a: {  	_ =	shalt  }
0x4b: {  	_ =	shalt  }
0x4c: {  	_ =	shalt  }
0x4d: {  	_ =	shalt  }
0x4e: {  	_ =	shalt  }
0x4f: {  	_ =	shalt  }
0x50: {  	_ =	shalt  }
0x51: {  	_ =	shalt  }
0x52: {  	_ =	shalt  }
0x53: {  	_ =	shalt  }
0x54: {  	_ =	shalt  }
0x55: {  	_ =	shalt  }
0x56: {  	_ =	shalt  }
0x57: {  	_ =	shalt  }
0x58: {  	_ =	shalt  }
0x59: {  	_ =	shalt  }
0x5a: {  	_ =	shalt  }
0x5b: {  	_ =	shalt  }
0x5c: {  	_ =	shalt  }
0x5d: {  	_ =	shalt  }
0x5e: {  	_ =	shalt  }
0x5f: {  	_ =	shalt  }
0x60: {  	_ =	shalt  }
0x61: {  	_ =	shalt  }
0x62: {  	_ =	shalt  }
0x63: {  	_ =	shalt  }
0x64: {  	_ =	shalt  }
0x65: {  	_ =	shalt  }
0x66: {  	_ =	shalt  }
0x67: {  	_ =	shalt  }
0x68: {  	_ =	shalt  }
0x69: {  	_ =	shalt  }
0x6a: {  	_ =	shalt  }
0x6b: {  	_ =	shalt  }
0x6c: {  	_ =	shalt  }
0x6d: {  	_ =	shalt  }
0x6e: {  	_ =	shalt  }
0x6f: {  	_ =	shalt  }
0x70: {  	_ =	shalt  }
0x71: {  	_ =	shalt  }
0x72: {  	_ =	shalt  }
0x73: {  	_ =	shalt  }
0x74: {  	_ =	shalt  }
0x75: {  	_ =	shalt  }
0x76: {  	_ =	shalt  }
0x77: {  	_ =	shalt  }
0x78: {  	_ =	shalt  }
0x79: {  	_ =	shalt  }
0x7a: {  	_ =	shalt  }
0x7b: {  	_ =	shalt  }
0x7c: {  	_ =	shalt  }
0x7d: {  	_ =	shalt  }
0x7e: {  	_ =	shalt  }
0x7f: {  	_ =	shalt  }
0x80: {  	_ =	shalt  }
0x81: {  	_ =	shalt  }
0x82: {  	_ =	shalt  }
0x83: {  	_ =	shalt  }
0x84: {  	_ =	shalt  }
0x85: {  	_ =	shalt  }
0x86: {  	_ =	shalt  }
0x87: {  	_ =	shalt  }
.Lfunc_end0:
.L_simem_size_0:
called_computation.5_lowered:
.L_overlay_start_0:
0x88: {  	s2 =	sld [smem:$0x3FD9]  }
0x89: {  	s3 =	sld [smem:$0x3FFE];
	_ =	sdelay $0x1  }
0x8a: {  	s1 =	srdreg.scid  }
0x8b: {  	s0 =	sand.u32 $0x1, s1  }
0x8c: {  	s17 =	sshll.u32 s0, $0xA;
	s2 =	sadd.s32 s3, s2  }
0x8d: {  	s2 =	sadd.s32 s2, s17  }
0x8e: {  	[smem:$0x3FA7] =	sst s2  }
0x8f: {  	_ = 	snop  }
0x90: {  	(tm) =	ssettm $0x1  }
0x91: {  	s18 =	sld [smem:$0x3FFB];
	_ =	sdelay $0x3  }
0x92: {  	_ =	strace s18  }
0x93: {  	s2 =	sld [smem:$0x3FFC];
	_ =	sdelay $0x3  }
0x94: {  	_ =	strace s2  }
0x95: {  	s2 =	sld [smem:$0x3FFD];
	_ =	sdelay $0x3  }
0x96: {  	_ =	strace s2  }
0x97: {  	_ =	strace $0x8FFFFFFF  }
0x98: {  	s19 =	sld [smem:$0x3FDB];
	_ =	sdelay $0x1  }
0x99: {  	s20 =	simm.s32 $_scs_section_size  }
0x9a: {  	s4 =	simm.s32 $_size__tile_overlayer_lowered;
	s5 =	simm.s32 $_tile_overlayer_lowered  }
0x9b: {  	s6 =	simm.s32 $0x1BFF;
	s21 =	sshll.u32 s5, $0x1;
	s3 =	sadd.s32 s20, s19  }
0x9c: {  	s22 =	simm.s32 $0x0;
	s4 =	sshll.u32 s4, $0x1;
	s5 =	sadd.s32 s21, s3  }
0x9d: {  	[timem:s22], [sflag:s6] =	dma.local [hbm:s5], s4  }
0x9e: {  	_ =	swait.ge [sflag:s6], s4  }
0x9f: {  	s4 =	ssub.s32 $0x0, s4;
	[sflag:s6] =	ssyncset.done $0x0  }
0xa0: {  	[sflag:s6] =	ssyncadd.s32 s4;
	_ =	sdelay $0x1  }
0xa1: {  	s23 =	simm.s32 $0x1B8B  }
0xa2: {  	_ =	swait.ge [sflag:s23], $0x1  }
0xa3: {  	[sflag:s23] =	ssyncset.done $0x0  }
0xa4: {  	[sflag:s23] =	ssyncadd.s32 $0xFFFFFFFF  }
0xa5: {  	s4 =	sld [smem:$0x0]  }
0xa6: {  	s5 =	sand.u32 $0xFFFFFFFE, s1  }
0xa7: {  	p0 =	sne.s32 s1, s5  }
0xa8: {  	s5 =	sshll.u32 @p0 s5, $0xE  }
0xa9: {  	s5 =	sadd.s32 @p0 $0x11B8D, s5;
	s6 =	sshll.u32 @p0 s4, $0x11  }
0xaa: {  	s5 =	sor.u32 @p0 s6, s5  }
0xab: {  	[sflag:s5] =	ssyncadd.remote.s32 @p0 $0x1;
	_ =	sdelay $0x1  }
0xac: {  	s5 =	simm.s32 @p0 $0x1B8D  }
0xad: {  	_ =	swait.eq @p0 [sflag:s5], $0x1  }
0xae: {  	[sflag:s5] =	ssyncadd.s32 @p0 $0xFFFFFFFF  }
0xaf: {  	s6 =	sshll.u32 @!p0 s1, $0xE  }
0xb0: {  	s6 =	sor.u32 @!p0 $0x4000, s6;
	s5 =	simm.s32 @!p0 $0x1B8D  }
0xb1: {  	s4 =	sshll.u32 @!p0 s4, $0x11;
	s6 =	sadd.s32 @!p0 $0x11B8D, s6;
	_ =	swait.eq @!p0 [sflag:s5], $0x1  }
0xb2: {  	s4 =	sor.u32 @!p0 s4, s6;
	[sflag:s5] =	ssyncadd.s32 @!p0 $0xFFFFFFFF  }
0xb3: {  	s25 =	simm.s32 $0x1B8E;
	s24 =	sld [smem:$0x3FFE];
	[sflag:s4] =	ssyncadd.remote.s32 @!p0 $0x1  }
0xb4: {  	s26 =	simm.s32 $execute0_lowered;
	[smem:$0x3FD2] =	sst s25  }
0xb5: {  	s5 =	sshll.u32 s26, $0x1;
	_ =	strace $0x8000005E;
	[dreg:$0x1] =	wrdreg $0xFFFFFFFF  }
0xb6: {  	s28 =	simm.s32 $_size_execute0_lowered;
	s3 =	sadd.s32 s3, s5;
	[dreg:$0x0] =	wrdreg $0x0  }
0xb7: {  	s5 =	sshll.u32 s28, $0x1;
	[dreg:$0x2] =	wrdreg s3  }
0xb8: {  	[dreg:$0x3] =	wrdreg s5  }
0xb9: {  	[dreg:$0x4] =	wrdreg $0xC0  }
0xba: {  	_ =	task [dreg:s22], $0x5FFFF  }
0xbb: {  	[dreg:$0x1] =	wrdreg $0xFFFFFFFF  }
0xbc: {  	[dreg:$0x0] =	wrdreg $0x60  }
0xbd: {  	[dreg:$0x2] =	wrdreg s24  }
0xbe: {  	[dreg:$0x3] =	wrdreg $0x9  }
0xbf: {  	_ =	task.clear_ibuf [dreg:s22], $0x4FFFF;
	_ =	strace $0x9000005E  }
0xc0: {  	s29 =	simm.s32 $0x9;
	_ =	strace $0x80000060  }
0xc1: {  	_ =	swait.ge [sflag:s29], $0x1  }
0xc2: {  	[sflag:s29] =	ssyncadd.s32 $0xFFFFFFFF  }
0xc3: {  	_ =	strace $0x90000060  }
0xc4: {  	_ =	sfence  }
0xc5: {  	s30 =	sld [smem:$0x0];
	_ =	sdelay $0x2  }
0xc6: {  	s31 =	sshll.u32 s1, $0xD;
	s1 =	sshrl.u32 s1, $0x2  }
0xc7: {  	s4 =	sand.u32 $0x4000, s31;
	s1 =	sadd.s32 s1, s30  }
0xc8: {  	s0 =	sor.u32 s4, s0;
	s1 =	sshll.u32 s1, $0x11  }
0xc9: {  	s0 =	sor.u32 s1, s0  }
0xca: {  	s0 =	sadd.s32 $0x8F2B, s0  }
0xcb: {  	[sflag:s0] =	ssyncadd.remote.s32 $0x1  }
0xcc: {  	_ =	sfence.sel $0xFFFF  }
0xcd: {  	[dreg:$0x0] =	wrdreg $0xFFFFFFFF;
	(pc) =	sbr.abs _section_cstart, $3  }
0xce: {  	[dreg:$0x1] =	wrdreg $0xFFFFFFFF  }
0xcf: {  	_ =	task.clear_ibuf [dreg:s22], $0x2FFFF;
	_ =	strace $0x9FFFFFFF  }
0xd0: {  	(tm) =	ssettm $0x7FFFFFFF  }
0xd1: {  	_ =	shalt  }
tec
execute0_lowered:
.L_overlay_start_1:
0x0: {  	(tag) =	ssettag $0x1  }
0x1: {  	s7 =	rddreg [dreg:$0x0]  }
0x2: {  	s0 =	rddreg [dreg:$0x1];
	_ =	strace $0x8000005F  }
0x3: {  	s1 =	srdreg.scid;
	s4 =	simm.s32 $0x1;
	s9 =	simm.s32 $0x3  }
0x4: {  	s11 =	simm.s32 $0x0;
	p0 =	por $0x0, $0x0;
	s5 =	sshll.u32 s1, $0x4  }
.Ltmp0:
0x5: {  	s1 =	stileid.u32;
	s5 =	sand.u32 $0x10, s5;
	(pc) =	sbr.rel .LBB2_1-.Ltmp0, $4  }
0x6: {  	s2 =	sadd.s32 $0x9A8800, s7;
	s3 =	sadd.s32 $0x4C1400, s7;
	s6 =	sor.u32 s1, s5  }
0x7: {  	[sflag:s4] =	ssyncpa.u1 $0x0;
	s5 =	simm.s32 $0x2;
	s6 =	sshll.u32 s6, $0x9  }
0x8: {  	s7 =	sadd.s32 $0x45E00, s7;
	[sflag:s5] =	ssyncpa.u1 $0x0;
	s8 =	sadd.s32 $0x200, s6  }
0x9: {  	vm0 =	vmmov $0xff;
	vm1 =	vcmask $0x3F20;
	[sflag:s9] =	ssyncpa.u1 $0x0;
	s10 =	smov.u32 s6;
	s9 =	simm.s32 $0x0  }
.LBB2_7:
0xa: {  	p1 =	slt.u32 s9, $0x2;
	s11 =	sadd.s32 $0x100, s10  }
0xb: {  	s13 =	smov.u32 s6;
	s9 =	sadd.s32 $0x1, s9;
	p2 =	slt.s32 s11, s8  }
0xc: {  	s13 =	smov.u32 @p2 s11;
	p2 =	sne.s32 s9, $0x4  }
.Ltmp1:
0xd: {  	_ = 	snop;
	(pc) =	sbr.rel @!p2 .LBB2_8-.Ltmp1, $4  }
0xe: {  	s12 =	simm.s32 @!p1 $0x3  }
0xf: {  	_ =	swait.ge @!p1 [sflag:s12], $0x8000  }
0x10: {  	p0 =	por !p0, !p0;
	[sflag:s12] =	ssyncset.done @!p1 $0x0  }
0x11: {  	s11 =	smov.u32 s10;
	s10 =	smov.u32 s13;
	[sflag:s12] =	ssyncadd.s32 @!p1 $0xFFFF8000  }
.LBB2_1:
0x12: {  	p1 =	sgt.u32 s9, $0x1  }
0x13: {  	s12 =	sshll.u32 @!p1 s9, $0x8;
	s13 =	sshrl.u32 @!p1 s10, $0x3  }
0x14: {  	s14 =	sand.u32 @!p1 $0x7, s10;
	s12 =	sxor.u32 @!p1 $0x100, s12;
	s13 =	sadd.s32 @!p1 s3, s13  }
0x15: {  	[tilespmem:s12], [sflag:$0x2] =	stream.linear.gather @!p1 [hbm4b:s13+s14], $0x100, $0x38;
	[tilespmem:$0x10200] =	vst v63  }
0x16: {  	p1 =	seq.s32 s9, $0x0  }
0x17: {  	p2 =	seq.s32 @!p1 s9, $0x3  }
0x18: {  	p1 =	por p1, p2  }
.Ltmp2:
0x19: {  	_ = 	snop;
	(pc) =	sbr.rel @p1 .LBB2_7-.Ltmp2, $1  }
0x1a: {  	_ =	sdelay $0x3  }
0x1b: {  	s12 =	simm.s32 $0x1  }
0x1c: {  	_ =	swait.ge [sflag:s5], $0x100;
	s12 =	simm.s32 @!p0 $0x0  }
0x1d: {  	[sflag:s5] =	ssyncset.done $0x0;
	s14 =	sshll.u32 s12, $0x8  }
0x1e: {  	[sflag:s5] =	ssyncadd.s32 $0xFFFFFF00;
	s13 =	sadd.s32 $0x0, s14  }
0x1f: {  	v0 =	vld.msk [tilespmem:s13+$0x0 ss:$0x1], $0xffff;
	_ =	sdelay $0x4  }
0x20: {  	vm2 =	vgt.s32 v0, $0x0  }
0x21: {  	v0 =	vnsel vm2, $0x0, v0  }
0x22: {  	v0 =	vmin.u32 v0, $0x4AFFF  }
0x23: {  	v0 =	vshll.u32 v0, $0x4;
	_ =	sdelay $0x2  }
0x24: {  	s12 =	sshll.u32 s12, $0xF  }
0x25: {  	s12 =	sor.u32 $0x200, s12  }
0x26: {  	[tilespmem:s12], [sflag:$0x1] =	stream.indirect_vreg.gather [hbm:s2], $0x80, v0, vm0, $0x38;
	[tilespmem:$0x10200] =	vst v63  }
0x27: {  	s15 =	sadd.s32 $0x10, s14;
	s13 =	sadd.s32 $0x400, s12  }
0x28: {  	[tilespmem:s13], [sflag:$0x1] =	stream.indirect_vreg.gather [hbm:s2], $0x80, v0, vm1, $0x38;
	[tilespmem:$0x10200] =	vst v63  }
0x29: {  	s16 =	simm.s32 $0x80;
	v0 =	vld.msk [tilespmem:s15+$0x0 ss:$0x1], $0xffff;
	s15 =	smov.u32 s12  }
.LBB2_3:
0x2a: {  	p1 =	sne.s32 s16, $0x3C0;
	_ =	sdelay $0x4  }
0x2b: {  	vm2 =	vgt.s32 v0, $0x0  }
0x2c: {  	v0 =	vnsel vm2, $0x0, v0  }
0x2d: {  	v0 =	vmin.u32 v0, $0x4AFFF  }
0x2e: {  	v0 =	vshll.u32 v0, $0x4;
	_ =	sdelay $0x3  }
.Ltmp3:
0x2f: {  	s17 =	sshra.s32 s16, $0x2;
	s15 =	sadd.s32 $0x800, s15;
	(pc) =	sbr.rel @p1 .LBB2_3-.Ltmp3, $4  }
0x30: {  	[tilespmem:s15], [sflag:$0x1] =	stream.indirect_vreg.gather [hbm:s2], $0x80, v0, vm0, $0x38;
	[tilespmem:$0x10200] =	vst v63  }
0x31: {  	s17 =	sadd.s32 s17, s14;
	s18 =	sadd.s32 $0x400, s15  }
0x32: {  	[tilespmem:s18], [sflag:$0x1] =	stream.indirect_vreg.gather [hbm:s2], $0x80, v0, vm1, $0x38;
	[tilespmem:$0x10200] =	vst v63  }
0x33: {  	s16 =	sadd.s32 $0x40, s16;
	v0 =	vld.msk [tilespmem:s17+$0x0 ss:$0x1], $0xffff  }
0x34: {  	_ =	sdelay $0x3  }
0x35: {  	vm2 =	vgt.s32 v0, $0x0  }
0x36: {  	v0 =	vnsel vm2, $0x0, v0  }
0x37: {  	v0 =	vmin.u32 v0, $0x4AFFF  }
0x38: {  	v0 =	vshll.u32 v0, $0x4;
	_ =	sdelay $0x3  }
0x39: {  	s14 =	sadd.s32 $0x800, s15  }
0x3a: {  	[tilespmem:s14], [sflag:$0x1] =	stream.indirect_vreg.gather [hbm:s2], $0x80, v0, vm0, $0x38;
	[tilespmem:$0x10200] =	vst v63  }
0x3b: {  	s14 =	sadd.s32 $0x400, s14  }
0x3c: {  	[tilespmem:s14], [sflag:$0x1] =	stream.indirect_vreg.gather [hbm:s2], $0x80, v0, vm1, $0x38;
	[tilespmem:$0x10200] =	vst v63  }
0x3d: {  	s11 =	sshll.u32 s11, $0x4;
	_ =	swait.ge [sflag:s4], $0x8000  }
0x3e: {  	s11 =	sadd.s32 s11, s7;
	[sflag:s4] =	ssyncset.done $0x0  }
0x3f: {  	s15 =	sadd.s32 $0x0, s11;
	s14 =	simm.s32 $0x80;
	[sflag:s4] =	ssyncadd.s32 $0xFFFF8000  }
.LBB2_5:
0x40: {  	[hbm:s15] =	stream.linear.scatter [tilespmem:s12], [sflag:$0x3], $0x400, $0x38;
	[tilespmem:$0x10200] =	vst v63  }
0x41: {  	s15 =	smov.u32 s14;
	s12 =	smov.u32 s13;
	p1 =	sne.s32 s14, $0xF80  }
.Ltmp4:
0x42: {  	s14 =	sadd.s32 $0x80, s14;
	(pc) =	sbr.rel @p1 .LBB2_5-.Ltmp4, $2  }
0x43: {  	_ =	sdelay $0x2  }
0x44: {  	s13 =	sadd.s32 $0x400, s13;
	s15 =	sadd.s32 s15, s11  }
.Ltmp5:
0x45: {  	(pc) =	sbr.rel .LBB2_7-.Ltmp5, $2  }
0x46: {  	_ =	sdelay $0x2  }
0x47: {  	[hbm:s15] =	stream.linear.scatter [tilespmem:s12], [sflag:$0x3], $0x400, $0x38;
	[tilespmem:$0x10200] =	vst v63  }
.LBB2_8:
0x48: {  	_ =	sfence.sel $0x180000  }
0x49: {  	s2 =	simm.s32 $0x2;
	[bflag:$0x0] =	sbarrier.arrive $0xFFFF  }
0x4a: {  	s30 =	simm.s32 $0x3;
	[sflag:s2] =	ssyncpa.u1 $0x1  }
0x4b: {  	s31 =	simm.s32 $0x1;
	[sflag:s30] =	ssyncpa.u1 $0x1  }
0x4c: {  	[sflag:s31] =	ssyncpa.u1 $0x1  }
0x4d: {  	p0 =	sne.s32 s1, $0x0;
	_ =	strace $0x9000005F  }
0x4e: {  	s0 =	sadd.s32 @!p0 $0x100000, s0;
	[bflag:$0x2] =	sbarrier.arrive $0xFFFF  }
0x4f: {  	[sflag:s0] =	ssyncadd.tile.s32 @!p0 $0x1;
	_ =	shalt  }
.Lfunc_end2:
_tile_overlayer_lowered:
.L_overlay_start_2:
0x50: {  	(tag) =	ssettag $0x2  }
0x51: {  	s0 =	rddreg [dreg:$0x0];
	s2 =	stileid.u32  }
0x52: {  	s1 =	rddreg [dreg:$0x1];
	p0 =	sne.s32 s2, $0x0  }
0x53: {  	s3 =	rddreg [dreg:$0x2];
	[bflag:$0x3] =	sbarrier.arrive $0xFFFF;
	s2 =	simm.s32 @!p0 $0x1C01  }
0x54: {  	[timem:s3], [sflag:s2] =	dma.local @!p0 [hbm:s0], s1  }
0x55: {  	s0 =	simm.s32 @!p0 $0x1  }
0x56: {  	_ =	swait.ge @!p0 [sflag:s0], s1  }
0x57: {  	s1 =	ssub.s32 @!p0 $0x0, s1;
	[sflag:s0] =	ssyncset.done @!p0 $0x0  }
0x58: {  	[sflag:s0] =	ssyncadd.s32 @!p0 s1  }
0x59: {  	[bflag:$0x3] =	sbarrier.arrive $0xFFFF  }
0x5a: {  	_ =	shalt  }

// kernel: gather_offload_async_start
scs
__scs_entry_jumppad:
0x0: {  	(pc) =	sbr.rel $0x88, $3  }
0x1: {  	(tag) =	ssettag $0x0;
	lr =	simm.s32 $0x1  }
0x2: {  	[smem:$0x3F80] =	sst lr;
	_ =	strace $0xD0000000  }
0x3: {  	_ = 	snop  }
0x4: {  	_ = 	snop  }
0x5: {  	_ = 	snop  }
0x6: {  	_ = 	snop  }
0x7: {  	_ = 	snop  }
__scs_overlays_trampoline_lowered:
0x8: {  	[smem:$0x3F8F] =	sst s0  }
0x9: {  	[smem:$0x3F90] =	sst s1  }
0xa: {  	[smem:$0x3F91] =	sst s2  }
0xb: {  	[smem:$0x3F92] =	sst s3  }
0xc: {  	[smem:$0x3F93] =	sst s4  }
0xd: {  	[smem:$0x3F94] =	sst s5  }
0xe: {  	[smem:$0x3F95] =	sst s6  }
0xf: {  	[smem:$0x3F96] =	sst s7  }
0x10: {  	[smem:$0x3F97] =	sst s8  }
0x11: {  	[smem:$0x3F98] =	sst s9;
	s0 =	simm.s32 @!p0 $0x0  }
0x12: {  	s1 =	sld [smem:$0x3F7E];
	s0 =	simm.s32 @p0 $0x1  }
0x13: {  	[smem:$0x3F99] =	sst s0;
	s0 =	simm.s32 @!p1 $0x0  }
0x14: {  	s2 =	sld [smem:$0x3F7D];
	s0 =	simm.s32 @p1 $0x1  }
0x15: {  	[smem:$0x3F9A] =	sst s0;
	s0 =	simm.s32 @!p2 $0x0  }
0x16: {  	s3 =	sld [smem:$0x3FDB];
	s0 =	simm.s32 @p2 $0x1  }
0x17: {  	s4 =	simm.s32 $0x1BF5;
	[smem:$0x3F9C] =	sst s0  }
0x18: {  	s0 =	sld [smem:$0x3F7F];
	_ =	swait.ge [sflag:s4], $0x0  }
0x19: {  	s7 =	sld [smem:$0x3F80]  }
0x1a: {  	s8 =	sadd.s32 $0xFFFFE003, lr  }
0x1b: {  	s9 =	sadd.s32 $0xFFFFFEF7, lr;
	s5 =	simm.s32 $0xFFFFFFFF;
	p2 =	slt.u32 s8, $0xFFFFF086  }
0x1c: {  	p1 =	slt.u32 s9, $0xF7A;
	s5 =	simm.s32 @!p2 $0x0  }
0x1d: {  	s5 =	simm.s32 @p1 $0x1;
	p0 =	seq.s32 s7, s2  }
0x1e: {  	s7 =	smul.u32 @!p0 $0xF7A, s2;
	p2 =	seq.s32 @!p0 s5, $0x0  }
0x1f: {  	s9 =	smul.u32 $0xF7A, s1;
	s8 =	simm.s32 @!p0 $0x1BF5;
	p2 =	por !p2, p0  }
0x20: {  	[sflag:s8] =	ssyncset.s32 @!p0 $0xFFFFF086;
	s6 =	sadd.s32 @!p0 s3, s7;
	s7 =	simm.s32 @!p0 $0x108  }
0x21: {  	s3 =	sadd.s32 s3, s9;
	s6 =	sadd.s32 @!p0 $0x88, s6;
	s7 =	simm.s32 @p2 $0x1082  }
0x22: {  	[simem:s7], [sflag:s8] =	dma.local @!p0 [hbm:s6], $0xF7A  }
0x23: {  	s9 =	sor.u32 $0xD0000000, s2;
	s6 =	simm.s32 $0x108;
	_ =	swait.ge @!p0 [sflag:s8], $0x0  }
0x24: {  	s3 =	sadd.s32 $0x88, s3;
	s6 =	simm.s32 @!p1 $0x1082;
	[sflag:s4] =	ssyncset.s32 $0xFFFFF086  }
0x25: {  	[simem:s6], [sflag:s4] =	dma.local [hbm:s3], $0xF7A  }
0x26: {  	[smem:$0x3F80] =	sst s1;
	(tag) =	ssettag s2;
	_ =	strace s9  }
0x27: {  	s1 =	sld [smem:$0x3F90]  }
0x28: {  	s2 =	sld [smem:$0x3F91]  }
0x29: {  	s4 =	sld [smem:$0x3F93]  }
0x2a: {  	p0 =	seq.s32 s5, $0x0;
	s5 =	sld [smem:$0x3F94]  }
0x2b: {  	s6 =	sld [smem:$0x3F95]  }
0x2c: {  	s7 =	sld [smem:$0x3F96]  }
0x2d: {  	s3 =	simm.s32 $0x108;
	s8 =	sld [smem:$0x3F97]  }
0x2e: {  	s3 =	simm.s32 @!p0 $0x1082;
	s9 =	sld [smem:$0x3F98]  }
0x2f: {  	lr =	sadd.s32 s0, s3;
	s0 =	sld [smem:$0x3F8F]  }
0x30: {  	s3 =	sld [smem:$0x3F92]  }
0x31: {  	[smem:$0x3F9B] =	sst s10  }
0x32: {  	s10 =	sld [smem:$0x3F99];
	_ =	sdelay $0x3  }
0x33: {  	p0 =	seq.s32 s10, $0x1;
	s10 =	sld [smem:$0x3F9B];
	_ =	sdelay $0x3  }
0x34: {  	[smem:$0x3F9B] =	sst s10  }
0x35: {  	s10 =	sld [smem:$0x3F9A];
	_ =	sdelay $0x3  }
0x36: {  	p1 =	seq.s32 s10, $0x1;
	s10 =	sld [smem:$0x3F9B];
	_ =	sdelay $0x3  }
0x37: {  	[smem:$0x3F9B] =	sst s10  }
0x38: {  	s10 =	sld [smem:$0x3F9C]  }
0x39: {  	_ = 	snop;
	(pc) =	sbr.ind lr, $3  }
0x3a: {  	_ = 	snop  }
0x3b: {  	_ = 	snop  }
0x3c: {  	p2 =	seq.s32 s10, $0x1;
	s10 =	sld [smem:$0x3F9B]  }
0x3d: {  	_ =	shalt  }
0x3e: {  	_ =	shalt  }
0x3f: {  	_ =	shalt  }
0x40: {  	_ =	shalt  }
0x41: {  	_ =	shalt  }
0x42: {  	_ =	shalt  }
0x43: {  	_ =	shalt  }
0x44: {  	_ =	shalt  }
0x45: {  	_ =	shalt  }
0x46: {  	_ =	shalt  }
0x47: {  	_ =	shalt  }
0x48: {  	_ =	shalt  }
0x49: {  	_ =	shalt  }
0x4a: {  	_ =	shalt  }
0x4b: {  	_ =	shalt  }
0x4c: {  	_ =	shalt  }
0x4d: {  	_ =	shalt  }
0x4e: {  	_ =	shalt  }
0x4f: {  	_ =	shalt  }
0x50: {  	_ =	shalt  }
0x51: {  	_ =	shalt  }
0x52: {  	_ =	shalt  }
0x53: {  	_ =	shalt  }
0x54: {  	_ =	shalt  }
0x55: {  	_ =	shalt  }
0x56: {  	_ =	shalt  }
0x57: {  	_ =	shalt  }
0x58: {  	_ =	shalt  }
0x59: {  	_ =	shalt  }
0x5a: {  	_ =	shalt  }
0x5b: {  	_ =	shalt  }
0x5c: {  	_ =	shalt  }
0x5d: {  	_ =	shalt  }
0x5e: {  	_ =	shalt  }
0x5f: {  	_ =	shalt  }
0x60: {  	_ =	shalt  }
0x61: {  	_ =	shalt  }
0x62: {  	_ =	shalt  }
0x63: {  	_ =	shalt  }
0x64: {  	_ =	shalt  }
0x65: {  	_ =	shalt  }
0x66: {  	_ =	shalt  }
0x67: {  	_ =	shalt  }
0x68: {  	_ =	shalt  }
0x69: {  	_ =	shalt  }
0x6a: {  	_ =	shalt  }
0x6b: {  	_ =	shalt  }
0x6c: {  	_ =	shalt  }
0x6d: {  	_ =	shalt  }
0x6e: {  	_ =	shalt  }
0x6f: {  	_ =	shalt  }
0x70: {  	_ =	shalt  }
0x71: {  	_ =	shalt  }
0x72: {  	_ =	shalt  }
0x73: {  	_ =	shalt  }
0x74: {  	_ =	shalt  }
0x75: {  	_ =	shalt  }
0x76: {  	_ =	shalt  }
0x77: {  	_ =	shalt  }
0x78: {  	_ =	shalt  }
0x79: {  	_ =	shalt  }
0x7a: {  	_ =	shalt  }
0x7b: {  	_ =	shalt  }
0x7c: {  	_ =	shalt  }
0x7d: {  	_ =	shalt  }
0x7e: {  	_ =	shalt  }
0x7f: {  	_ =	shalt  }
0x80: {  	_ =	shalt  }
0x81: {  	_ =	shalt  }
0x82: {  	_ =	shalt  }
0x83: {  	_ =	shalt  }
0x84: {  	_ =	shalt  }
0x85: {  	_ =	shalt  }
0x86: {  	_ =	shalt  }
0x87: {  	_ =	shalt  }
.Lfunc_end0:
.L_simem_size_0:
called_computation.4_lowered:
.L_overlay_start_0:
0x88: {  	s2 =	sld [smem:$0x3FD9]  }
0x89: {  	s3 =	sld [smem:$0x3FFE];
	_ =	sdelay $0x1  }
0x8a: {  	s1 =	srdreg.scid  }
0x8b: {  	s0 =	sand.u32 $0x1, s1  }
0x8c: {  	s17 =	sshll.u32 s0, $0xA;
	s2 =	sadd.s32 s3, s2  }
0x8d: {  	s2 =	sadd.s32 s2, s17  }
0x8e: {  	[smem:$0x3FA7] =	sst s2  }
0x8f: {  	_ = 	snop  }
0x90: {  	(tm) =	ssettm $0x1  }
0x91: {  	s18 =	sld [smem:$0x3FFB];
	_ =	sdelay $0x3  }
0x92: {  	_ =	strace s18  }
0x93: {  	s2 =	sld [smem:$0x3FFC];
	_ =	sdelay $0x3  }
0x94: {  	_ =	strace s2  }
0x95: {  	s2 =	sld [smem:$0x3FFD];
	_ =	sdelay $0x3  }
0x96: {  	_ =	strace s2  }
0x97: {  	_ =	strace $0x8FFFFFFF  }
0x98: {  	s19 =	sld [smem:$0x3FDB];
	_ =	sdelay $0x1  }
0x99: {  	s20 =	simm.s32 $_scs_section_size  }
0x9a: {  	s4 =	simm.s32 $_size__tile_overlayer_lowered;
	s5 =	simm.s32 $_tile_overlayer_lowered  }
0x9b: {  	s6 =	simm.s32 $0x1BFF;
	s21 =	sshll.u32 s5, $0x1;
	s3 =	sadd.s32 s20, s19  }
0x9c: {  	s22 =	simm.s32 $0x0;
	s4 =	sshll.u32 s4, $0x1;
	s5 =	sadd.s32 s21, s3  }
0x9d: {  	[timem:s22], [sflag:s6] =	dma.local [hbm:s5], s4  }
0x9e: {  	_ =	swait.ge [sflag:s6], s4  }
0x9f: {  	s4 =	ssub.s32 $0x0, s4;
	[sflag:s6] =	ssyncset.done $0x0  }
0xa0: {  	[sflag:s6] =	ssyncadd.s32 s4;
	_ =	sdelay $0x1  }
0xa1: {  	s23 =	simm.s32 $0x1B8B  }
0xa2: {  	_ =	swait.ge [sflag:s23], $0x1  }
0xa3: {  	[sflag:s23] =	ssyncset.done $0x0  }
0xa4: {  	[sflag:s23] =	ssyncadd.s32 $0xFFFFFFFF  }
0xa5: {  	s4 =	sld [smem:$0x0]  }
0xa6: {  	s5 =	sand.u32 $0xFFFFFFFE, s1  }
0xa7: {  	p0 =	sne.s32 s1, s5  }
0xa8: {  	s5 =	sshll.u32 @p0 s5, $0xE  }
0xa9: {  	s5 =	sadd.s32 @p0 $0x11B8D, s5;
	s6 =	sshll.u32 @p0 s4, $0x11  }
0xaa: {  	s5 =	sor.u32 @p0 s6, s5  }
0xab: {  	[sflag:s5] =	ssyncadd.remote.s32 @p0 $0x1;
	_ =	sdelay $0x1  }
0xac: {  	s5 =	simm.s32 @p0 $0x1B8D  }
0xad: {  	_ =	swait.eq @p0 [sflag:s5], $0x1  }
0xae: {  	[sflag:s5] =	ssyncadd.s32 @p0 $0xFFFFFFFF  }
0xaf: {  	s6 =	sshll.u32 @!p0 s1, $0xE  }
0xb0: {  	s6 =	sor.u32 @!p0 $0x4000, s6;
	s5 =	simm.s32 @!p0 $0x1B8D  }
0xb1: {  	s4 =	sshll.u32 @!p0 s4, $0x11;
	s6 =	sadd.s32 @!p0 $0x11B8D, s6;
	_ =	swait.eq @!p0 [sflag:s5], $0x1  }
0xb2: {  	s4 =	sor.u32 @!p0 s4, s6;
	[sflag:s5] =	ssyncadd.s32 @!p0 $0xFFFFFFFF  }
0xb3: {  	s25 =	simm.s32 $0x1B8E;
	s24 =	sld [smem:$0x3FFE];
	[sflag:s4] =	ssyncadd.remote.s32 @!p0 $0x1  }
0xb4: {  	s26 =	simm.s32 $execute0_lowered;
	[smem:$0x3FD2] =	sst s25  }
0xb5: {  	s5 =	sshll.u32 s26, $0x1;
	_ =	strace $0x8000005B;
	[dreg:$0x1] =	wrdreg $0xFFFFFFFF  }
0xb6: {  	s28 =	simm.s32 $_size_execute0_lowered;
	s3 =	sadd.s32 s3, s5;
	[dreg:$0x0] =	wrdreg $0x0  }
0xb7: {  	s5 =	sshll.u32 s28, $0x1;
	[dreg:$0x2] =	wrdreg s3  }
0xb8: {  	[dreg:$0x3] =	wrdreg s5  }
0xb9: {  	[dreg:$0x4] =	wrdreg $0xC0  }
0xba: {  	_ =	task [dreg:s22], $0x5FFFF  }
0xbb: {  	[dreg:$0x1] =	wrdreg $0xFFFFFFFF  }
0xbc: {  	[dreg:$0x0] =	wrdreg $0x60  }
0xbd: {  	[dreg:$0x2] =	wrdreg s24  }
0xbe: {  	[dreg:$0x3] =	wrdreg $0xB  }
0xbf: {  	_ =	task.clear_ibuf [dreg:s22], $0x4FFFF;
	_ =	strace $0x9000005B  }
0xc0: {  	s29 =	simm.s32 $0xB;
	_ =	strace $0x8000005D  }
0xc1: {  	_ =	swait.ge [sflag:s29], $0x1  }
0xc2: {  	[sflag:s29] =	ssyncadd.s32 $0xFFFFFFFF  }
0xc3: {  	_ =	strace $0x9000005D  }
0xc4: {  	_ =	sfence  }
0xc5: {  	s30 =	sld [smem:$0x0];
	_ =	sdelay $0x2  }
0xc6: {  	s31 =	sshll.u32 s1, $0xD;
	s1 =	sshrl.u32 s1, $0x2  }
0xc7: {  	s4 =	sand.u32 $0x4000, s31;
	s1 =	sadd.s32 s1, s30  }
0xc8: {  	s0 =	sor.u32 s4, s0;
	s1 =	sshll.u32 s1, $0x11  }
0xc9: {  	s0 =	sor.u32 s1, s0  }
0xca: {  	s0 =	sadd.s32 $0x8F2B, s0  }
0xcb: {  	[sflag:s0] =	ssyncadd.remote.s32 $0x1  }
0xcc: {  	_ =	sfence.sel $0xFFFF  }
0xcd: {  	[dreg:$0x0] =	wrdreg $0xFFFFFFFF;
	(pc) =	sbr.abs _section_cstart, $3  }
0xce: {  	[dreg:$0x1] =	wrdreg $0xFFFFFFFF  }
0xcf: {  	_ =	task.clear_ibuf [dreg:s22], $0x2FFFF;
	_ =	strace $0x9FFFFFFF  }
0xd0: {  	(tm) =	ssettm $0x7FFFFFFF  }
0xd1: {  	_ =	shalt  }
tec
execute0_lowered:
.L_overlay_start_1:
0x0: {  	(tag) =	ssettag $0x1  }
0x1: {  	s7 =	rddreg [dreg:$0x0]  }
0x2: {  	s0 =	rddreg [dreg:$0x1];
	_ =	strace $0x8000005C  }
0x3: {  	s1 =	srdreg.scid;
	s4 =	simm.s32 $0x1;
	s9 =	simm.s32 $0x3  }
0x4: {  	s11 =	simm.s32 $0x0;
	p0 =	por $0x0, $0x0;
	s5 =	sshll.u32 s1, $0x4  }
.Ltmp0:
0x5: {  	s1 =	stileid.u32;
	s5 =	sand.u32 $0x10, s5;
	(pc) =	sbr.rel .LBB2_1-.Ltmp0, $4  }
0x6: {  	s2 =	sadd.s32 $0x4F8800, s7;
	s3 =	sadd.s32 $0x4C0C00, s7;
	s6 =	sor.u32 s1, s5  }
0x7: {  	[sflag:s4] =	ssyncpa.u1 $0x0;
	s5 =	simm.s32 $0x2;
	s6 =	sshll.u32 s6, $0x9  }
0x8: {  	s7 =	sadd.s32 $0x5E00, s7;
	[sflag:s5] =	ssyncpa.u1 $0x0;
	s8 =	sadd.s32 $0x200, s6  }
0x9: {  	vm0 =	vmmov $0xff;
	vm1 =	vcmask $0x3F20;
	[sflag:s9] =	ssyncpa.u1 $0x0;
	s10 =	smov.u32 s6;
	s9 =	simm.s32 $0x0  }
.LBB2_7:
0xa: {  	p1 =	slt.u32 s9, $0x2;
	s11 =	sadd.s32 $0x100, s10  }
0xb: {  	s13 =	smov.u32 s6;
	s9 =	sadd.s32 $0x1, s9;
	p2 =	slt.s32 s11, s8  }
0xc: {  	s13 =	smov.u32 @p2 s11;
	p2 =	sne.s32 s9, $0x4  }
.Ltmp1:
0xd: {  	_ = 	snop;
	(pc) =	sbr.rel @!p2 .LBB2_8-.Ltmp1, $4  }
0xe: {  	s12 =	simm.s32 @!p1 $0x3  }
0xf: {  	_ =	swait.ge @!p1 [sflag:s12], $0x8000  }
0x10: {  	p0 =	por !p0, !p0;
	[sflag:s12] =	ssyncset.done @!p1 $0x0  }
0x11: {  	s11 =	smov.u32 s10;
	s10 =	smov.u32 s13;
	[sflag:s12] =	ssyncadd.s32 @!p1 $0xFFFF8000  }
.LBB2_1:
0x12: {  	p1 =	sgt.u32 s9, $0x1  }
0x13: {  	s12 =	sshll.u32 @!p1 s9, $0x8;
	s13 =	sshrl.u32 @!p1 s10, $0x3  }
0x14: {  	s14 =	sand.u32 @!p1 $0x7, s10;
	s12 =	sxor.u32 @!p1 $0x100, s12;
	s13 =	sadd.s32 @!p1 s3, s13  }
0x15: {  	[tilespmem:s12], [sflag:$0x2] =	stream.linear.gather @!p1 [hbm4b:s13+s14], $0x100, $0x38;
	[tilespmem:$0x10200] =	vst v63  }
0x16: {  	p1 =	seq.s32 s9, $0x0  }
0x17: {  	p2 =	seq.s32 @!p1 s9, $0x3  }
0x18: {  	p1 =	por p1, p2  }
.Ltmp2:
0x19: {  	_ = 	snop;
	(pc) =	sbr.rel @p1 .LBB2_7-.Ltmp2, $1  }
0x1a: {  	_ =	sdelay $0x3  }
0x1b: {  	s12 =	simm.s32 $0x1  }
0x1c: {  	_ =	swait.ge [sflag:s5], $0x100;
	s12 =	simm.s32 @!p0 $0x0  }
0x1d: {  	[sflag:s5] =	ssyncset.done $0x0;
	s14 =	sshll.u32 s12, $0x8  }
0x1e: {  	[sflag:s5] =	ssyncadd.s32 $0xFFFFFF00;
	s13 =	sadd.s32 $0x0, s14  }
0x1f: {  	v0 =	vld.msk [tilespmem:s13+$0x0 ss:$0x1], $0xffff;
	_ =	sdelay $0x4  }
0x20: {  	vm2 =	vgt.s32 v0, $0x0  }
0x21: {  	v0 =	vnsel vm2, $0x0, v0  }
0x22: {  	v0 =	vmin.u32 v0, $0x4AFFF  }
0x23: {  	v0 =	vshll.u32 v0, $0x4;
	_ =	sdelay $0x2  }
0x24: {  	s12 =	sshll.u32 s12, $0xF  }
0x25: {  	s12 =	sor.u32 $0x200, s12  }
0x26: {  	[tilespmem:s12], [sflag:$0x1] =	stream.indirect_vreg.gather [hbm:s2], $0x80, v0, vm0, $0x38;
	[tilespmem:$0x10200] =	vst v63  }
0x27: {  	s15 =	sadd.s32 $0x10, s14;
	s13 =	sadd.s32 $0x400, s12  }
0x28: {  	[tilespmem:s13], [sflag:$0x1] =	stream.indirect_vreg.gather [hbm:s2], $0x80, v0, vm1, $0x38;
	[tilespmem:$0x10200] =	vst v63  }
0x29: {  	s16 =	simm.s32 $0x80;
	v0 =	vld.msk [tilespmem:s15+$0x0 ss:$0x1], $0xffff;
	s15 =	smov.u32 s12  }
.LBB2_3:
0x2a: {  	p1 =	sne.s32 s16, $0x3C0;
	_ =	sdelay $0x4  }
0x2b: {  	vm2 =	vgt.s32 v0, $0x0  }
0x2c: {  	v0 =	vnsel vm2, $0x0, v0  }
0x2d: {  	v0 =	vmin.u32 v0, $0x4AFFF  }
0x2e: {  	v0 =	vshll.u32 v0, $0x4;
	_ =	sdelay $0x3  }
.Ltmp3:
0x2f: {  	s17 =	sshra.s32 s16, $0x2;
	s15 =	sadd.s32 $0x800, s15;
	(pc) =	sbr.rel @p1 .LBB2_3-.Ltmp3, $4  }
0x30: {  	[tilespmem:s15], [sflag:$0x1] =	stream.indirect_vreg.gather [hbm:s2], $0x80, v0, vm0, $0x38;
	[tilespmem:$0x10200] =	vst v63  }
0x31: {  	s17 =	sadd.s32 s17, s14;
	s18 =	sadd.s32 $0x400, s15  }
0x32: {  	[tilespmem:s18], [sflag:$0x1] =	stream.indirect_vreg.gather [hbm:s2], $0x80, v0, vm1, $0x38;
	[tilespmem:$0x10200] =	vst v63  }
0x33: {  	s16 =	sadd.s32 $0x40, s16;
	v0 =	vld.msk [tilespmem:s17+$0x0 ss:$0x1], $0xffff  }
0x34: {  	_ =	sdelay $0x3  }
0x35: {  	vm2 =	vgt.s32 v0, $0x0  }
0x36: {  	v0 =	vnsel vm2, $0x0, v0  }
0x37: {  	v0 =	vmin.u32 v0, $0x4AFFF  }
0x38: {  	v0 =	vshll.u32 v0, $0x4;
	_ =	sdelay $0x3  }
0x39: {  	s14 =	sadd.s32 $0x800, s15  }
0x3a: {  	[tilespmem:s14], [sflag:$0x1] =	stream.indirect_vreg.gather [hbm:s2], $0x80, v0, vm0, $0x38;
	[tilespmem:$0x10200] =	vst v63  }
0x3b: {  	s14 =	sadd.s32 $0x400, s14  }
0x3c: {  	[tilespmem:s14], [sflag:$0x1] =	stream.indirect_vreg.gather [hbm:s2], $0x80, v0, vm1, $0x38;
	[tilespmem:$0x10200] =	vst v63  }
0x3d: {  	s11 =	sshll.u32 s11, $0x4;
	_ =	swait.ge [sflag:s4], $0x8000  }
0x3e: {  	s11 =	sadd.s32 s11, s7;
	[sflag:s4] =	ssyncset.done $0x0  }
0x3f: {  	s15 =	sadd.s32 $0x0, s11;
	s14 =	simm.s32 $0x80;
	[sflag:s4] =	ssyncadd.s32 $0xFFFF8000  }
.LBB2_5:
0x40: {  	[hbm:s15] =	stream.linear.scatter [tilespmem:s12], [sflag:$0x3], $0x400, $0x38;
	[tilespmem:$0x10200] =	vst v63  }
0x41: {  	s15 =	smov.u32 s14;
	s12 =	smov.u32 s13;
	p1 =	sne.s32 s14, $0xF80  }
.Ltmp4:
0x42: {  	s14 =	sadd.s32 $0x80, s14;
	(pc) =	sbr.rel @p1 .LBB2_5-.Ltmp4, $2  }
0x43: {  	_ =	sdelay $0x2  }
0x44: {  	s13 =	sadd.s32 $0x400, s13;
	s15 =	sadd.s32 s15, s11  }
.Ltmp5:
0x45: {  	(pc) =	sbr.rel .LBB2_7-.Ltmp5, $2  }
0x46: {  	_ =	sdelay $0x2  }
0x47: {  	[hbm:s15] =	stream.linear.scatter [tilespmem:s12], [sflag:$0x3], $0x400, $0x38;
	[tilespmem:$0x10200] =	vst v63  }
.LBB2_8:
0x48: {  	_ =	sfence.sel $0x180000  }
0x49: {  	s2 =	simm.s32 $0x2;
	[bflag:$0x0] =	sbarrier.arrive $0xFFFF  }
0x4a: {  	s30 =	simm.s32 $0x3;
	[sflag:s2] =	ssyncpa.u1 $0x1  }
0x4b: {  	s31 =	simm.s32 $0x1;
	[sflag:s30] =	ssyncpa.u1 $0x1  }
0x4c: {  	[sflag:s31] =	ssyncpa.u1 $0x1  }
0x4d: {  	p0 =	sne.s32 s1, $0x0;
	_ =	strace $0x9000005C  }
0x4e: {  	s0 =	sadd.s32 @!p0 $0x100000, s0;
	[bflag:$0x2] =	sbarrier.arrive $0xFFFF  }
0x4f: {  	[sflag:s0] =	ssyncadd.tile.s32 @!p0 $0x1;
	_ =	shalt  }
.Lfunc_end2:
_tile_overlayer_lowered:
.L_overlay_start_2:
0x50: {  	(tag) =	ssettag $0x2  }
0x51: {  	s0 =	rddreg [dreg:$0x0];
	s2 =	stileid.u32  }
0x52: {  	s1 =	rddreg [dreg:$0x1];
	p0 =	sne.s32 s2, $0x0  }
0x53: {  	s3 =	rddreg [dreg:$0x2];
	[bflag:$0x3] =	sbarrier.arrive $0xFFFF;
	s2 =	simm.s32 @!p0 $0x1C01  }
0x54: {  	[timem:s3], [sflag:s2] =	dma.local @!p0 [hbm:s0], s1  }
0x55: {  	s0 =	simm.s32 @!p0 $0x1  }
0x56: {  	_ =	swait.ge @!p0 [sflag:s0], s1  }
0x57: {  	s1 =	ssub.s32 @!p0 $0x0, s1;
	[sflag:s0] =	ssyncset.done @!p0 $0x0  }
0x58: {  	[sflag:s0] =	ssyncadd.s32 @!p0 s1  }
0x59: {  	[bflag:$0x3] =	sbarrier.arrive $0xFFFF  }
0x5a: {  	_ =	shalt  }

// kernel: scatter_offload_async_start.1
scs
__scs_entry_jumppad:
0x0: {  	(pc) =	sbr.rel $0x88, $3  }
0x1: {  	(tag) =	ssettag $0x0;
	lr =	simm.s32 $0x1  }
0x2: {  	[smem:$0x3F80] =	sst lr;
	_ =	strace $0xD0000000  }
0x3: {  	_ = 	snop  }
0x4: {  	_ = 	snop  }
0x5: {  	_ = 	snop  }
0x6: {  	_ = 	snop  }
0x7: {  	_ = 	snop  }
__scs_overlays_trampoline_lowered:
0x8: {  	[smem:$0x3F8F] =	sst s0  }
0x9: {  	[smem:$0x3F90] =	sst s1  }
0xa: {  	[smem:$0x3F91] =	sst s2  }
0xb: {  	[smem:$0x3F92] =	sst s3  }
0xc: {  	[smem:$0x3F93] =	sst s4  }
0xd: {  	[smem:$0x3F94] =	sst s5  }
0xe: {  	[smem:$0x3F95] =	sst s6  }
0xf: {  	[smem:$0x3F96] =	sst s7  }
0x10: {  	[smem:$0x3F97] =	sst s8  }
0x11: {  	[smem:$0x3F98] =	sst s9;
	s0 =	simm.s32 @!p0 $0x0  }
0x12: {  	s1 =	sld [smem:$0x3F7E];
	s0 =	simm.s32 @p0 $0x1  }
0x13: {  	[smem:$0x3F99] =	sst s0;
	s0 =	simm.s32 @!p1 $0x0  }
0x14: {  	s2 =	sld [smem:$0x3F7D];
	s0 =	simm.s32 @p1 $0x1  }
0x15: {  	[smem:$0x3F9A] =	sst s0;
	s0 =	simm.s32 @!p2 $0x0  }
0x16: {  	s3 =	sld [smem:$0x3FDB];
	s0 =	simm.s32 @p2 $0x1  }
0x17: {  	s4 =	simm.s32 $0x1BF5;
	[smem:$0x3F9C] =	sst s0  }
0x18: {  	s0 =	sld [smem:$0x3F7F];
	_ =	swait.ge [sflag:s4], $0x0  }
0x19: {  	s7 =	sld [smem:$0x3F80]  }
0x1a: {  	s8 =	sadd.s32 $0xFFFFE003, lr  }
0x1b: {  	s9 =	sadd.s32 $0xFFFFFEF7, lr;
	s5 =	simm.s32 $0xFFFFFFFF;
	p2 =	slt.u32 s8, $0xFFFFF086  }
0x1c: {  	p1 =	slt.u32 s9, $0xF7A;
	s5 =	simm.s32 @!p2 $0x0  }
0x1d: {  	s5 =	simm.s32 @p1 $0x1;
	p0 =	seq.s32 s7, s2  }
0x1e: {  	s7 =	smul.u32 @!p0 $0xF7A, s2;
	p2 =	seq.s32 @!p0 s5, $0x0  }
0x1f: {  	s9 =	smul.u32 $0xF7A, s1;
	s8 =	simm.s32 @!p0 $0x1BF5;
	p2 =	por !p2, p0  }
0x20: {  	[sflag:s8] =	ssyncset.s32 @!p0 $0xFFFFF086;
	s6 =	sadd.s32 @!p0 s3, s7;
	s7 =	simm.s32 @!p0 $0x108  }
0x21: {  	s3 =	sadd.s32 s3, s9;
	s6 =	sadd.s32 @!p0 $0x88, s6;
	s7 =	simm.s32 @p2 $0x1082  }
0x22: {  	[simem:s7], [sflag:s8] =	dma.local @!p0 [hbm:s6], $0xF7A  }
0x23: {  	s9 =	sor.u32 $0xD0000000, s2;
	s6 =	simm.s32 $0x108;
	_ =	swait.ge @!p0 [sflag:s8], $0x0  }
0x24: {  	s3 =	sadd.s32 $0x88, s3;
	s6 =	simm.s32 @!p1 $0x1082;
	[sflag:s4] =	ssyncset.s32 $0xFFFFF086  }
0x25: {  	[simem:s6], [sflag:s4] =	dma.local [hbm:s3], $0xF7A  }
0x26: {  	[smem:$0x3F80] =	sst s1;
	(tag) =	ssettag s2;
	_ =	strace s9  }
0x27: {  	s1 =	sld [smem:$0x3F90]  }
0x28: {  	s2 =	sld [smem:$0x3F91]  }
0x29: {  	s4 =	sld [smem:$0x3F93]  }
0x2a: {  	p0 =	seq.s32 s5, $0x0;
	s5 =	sld [smem:$0x3F94]  }
0x2b: {  	s6 =	sld [smem:$0x3F95]  }
0x2c: {  	s7 =	sld [smem:$0x3F96]  }
0x2d: {  	s3 =	simm.s32 $0x108;
	s8 =	sld [smem:$0x3F97]  }
0x2e: {  	s3 =	simm.s32 @!p0 $0x1082;
	s9 =	sld [smem:$0x3F98]  }
0x2f: {  	lr =	sadd.s32 s0, s3;
	s0 =	sld [smem:$0x3F8F]  }
0x30: {  	s3 =	sld [smem:$0x3F92]  }
0x31: {  	[smem:$0x3F9B] =	sst s10  }
0x32: {  	s10 =	sld [smem:$0x3F99];
	_ =	sdelay $0x3  }
0x33: {  	p0 =	seq.s32 s10, $0x1;
	s10 =	sld [smem:$0x3F9B];
	_ =	sdelay $0x3  }
0x34: {  	[smem:$0x3F9B] =	sst s10  }
0x35: {  	s10 =	sld [smem:$0x3F9A];
	_ =	sdelay $0x3  }
0x36: {  	p1 =	seq.s32 s10, $0x1;
	s10 =	sld [smem:$0x3F9B];
	_ =	sdelay $0x3  }
0x37: {  	[smem:$0x3F9B] =	sst s10  }
0x38: {  	s10 =	sld [smem:$0x3F9C]  }
0x39: {  	_ = 	snop;
	(pc) =	sbr.ind lr, $3  }
0x3a: {  	_ = 	snop  }
0x3b: {  	_ = 	snop  }
0x3c: {  	p2 =	seq.s32 s10, $0x1;
	s10 =	sld [smem:$0x3F9B]  }
0x3d: {  	_ =	shalt  }
0x3e: {  	_ =	shalt  }
0x3f: {  	_ =	shalt  }
0x40: {  	_ =	shalt  }
0x41: {  	_ =	shalt  }
0x42: {  	_ =	shalt  }
0x43: {  	_ =	shalt  }
0x44: {  	_ =	shalt  }
0x45: {  	_ =	shalt  }
0x46: {  	_ =	shalt  }
0x47: {  	_ =	shalt  }
0x48: {  	_ =	shalt  }
0x49: {  	_ =	shalt  }
0x4a: {  	_ =	shalt  }
0x4b: {  	_ =	shalt  }
0x4c: {  	_ =	shalt  }
0x4d: {  	_ =	shalt  }
0x4e: {  	_ =	shalt  }
0x4f: {  	_ =	shalt  }
0x50: {  	_ =	shalt  }
0x51: {  	_ =	shalt  }
0x52: {  	_ =	shalt  }
0x53: {  	_ =	shalt  }
0x54: {  	_ =	shalt  }
0x55: {  	_ =	shalt  }
0x56: {  	_ =	shalt  }
0x57: {  	_ =	shalt  }
0x58: {  	_ =	shalt  }
0x59: {  	_ =	shalt  }
0x5a: {  	_ =	shalt  }
0x5b: {  	_ =	shalt  }
0x5c: {  	_ =	shalt  }
0x5d: {  	_ =	shalt  }
0x5e: {  	_ =	shalt  }
0x5f: {  	_ =	shalt  }
0x60: {  	_ =	shalt  }
0x61: {  	_ =	shalt  }
0x62: {  	_ =	shalt  }
0x63: {  	_ =	shalt  }
0x64: {  	_ =	shalt  }
0x65: {  	_ =	shalt  }
0x66: {  	_ =	shalt  }
0x67: {  	_ =	shalt  }
0x68: {  	_ =	shalt  }
0x69: {  	_ =	shalt  }
0x6a: {  	_ =	shalt  }
0x6b: {  	_ =	shalt  }
0x6c: {  	_ =	shalt  }
0x6d: {  	_ =	shalt  }
0x6e: {  	_ =	shalt  }
0x6f: {  	_ =	shalt  }
0x70: {  	_ =	shalt  }
0x71: {  	_ =	shalt  }
0x72: {  	_ =	shalt  }
0x73: {  	_ =	shalt  }
0x74: {  	_ =	shalt  }
0x75: {  	_ =	shalt  }
0x76: {  	_ =	shalt  }
0x77: {  	_ =	shalt  }
0x78: {  	_ =	shalt  }
0x79: {  	_ =	shalt  }
0x7a: {  	_ =	shalt  }
0x7b: {  	_ =	shalt  }
0x7c: {  	_ =	shalt  }
0x7d: {  	_ =	shalt  }
0x7e: {  	_ =	shalt  }
0x7f: {  	_ =	shalt  }
0x80: {  	_ =	shalt  }
0x81: {  	_ =	shalt  }
0x82: {  	_ =	shalt  }
0x83: {  	_ =	shalt  }
0x84: {  	_ =	shalt  }
0x85: {  	_ =	shalt  }
0x86: {  	_ =	shalt  }
0x87: {  	_ =	shalt  }
.Lfunc_end0:
.L_simem_size_0:
called_computation.1_lowered:
.L_overlay_start_0:
0x88: {  	s0 =	sld [smem:$0x3FD9]  }
0x89: {  	s1 =	sld [smem:$0x3FFE];
	_ =	sdelay $0x3  }
0x8a: {  	s0 =	sadd.s32 s1, s0  }
0x8b: {  	[smem:$0x3FA7] =	sst s0  }
0x8c: {  	_ = 	snop  }
0x8d: {  	(tm) =	ssettm $0x1  }
0x8e: {  	s14 =	sld [smem:$0x3FFB];
	_ =	sdelay $0x3  }
0x8f: {  	_ =	strace s14  }
0x90: {  	s0 =	sld [smem:$0x3FFC];
	_ =	sdelay $0x3  }
0x91: {  	_ =	strace s0  }
0x92: {  	s0 =	sld [smem:$0x3FFD];
	_ =	sdelay $0x3  }
0x93: {  	_ =	strace s0  }
0x94: {  	_ =	strace $0x8FFFFFFF  }
0x95: {  	s15 =	sld [smem:$0x3FDB];
	_ =	sdelay $0x1  }
0x96: {  	s16 =	simm.s32 $_scs_section_size  }
0x97: {  	s2 =	simm.s32 $_size__tile_overlayer_lowered;
	s3 =	simm.s32 $_tile_overlayer_lowered  }
0x98: {  	s4 =	simm.s32 $0x1BFF;
	s17 =	sshll.u32 s3, $0x1;
	s1 =	sadd.s32 s16, s15  }
0x99: {  	s18 =	simm.s32 $0x0;
	s2 =	sshll.u32 s2, $0x1;
	s3 =	sadd.s32 s17, s1  }
0x9a: {  	[timem:s18], [sflag:s4] =	dma.local [hbm:s3], s2  }
0x9b: {  	_ =	swait.ge [sflag:s4], s2  }
0x9c: {  	s2 =	ssub.s32 $0x0, s2;
	[sflag:s4] =	ssyncset.done $0x0  }
0x9d: {  	[sflag:s4] =	ssyncadd.s32 s2;
	_ =	sdelay $0x1  }
0x9e: {  	s19 =	simm.s32 $0x1B8B  }
0x9f: {  	_ =	swait.ge [sflag:s19], $0x1  }
0xa0: {  	[sflag:s19] =	ssyncset.done $0x0  }
0xa1: {  	s21 =	simm.s32 $0x1B8E;
	s20 =	sld [smem:$0x3FFE];
	[sflag:s19] =	ssyncadd.s32 $0xFFFFFFFF  }
0xa2: {  	s22 =	simm.s32 $execute0_lowered;
	[smem:$0x3FD2] =	sst s21  }
0xa3: {  	s3 =	sshll.u32 s22, $0x1;
	_ =	strace $0x8000004F;
	[dreg:$0x1] =	wrdreg $0xFFFFFFFF  }
0xa4: {  	s23 =	simm.s32 $_size_execute0_lowered;
	s3 =	sadd.s32 s1, s3;
	[dreg:$0x0] =	wrdreg $0x0  }
0xa5: {  	s4 =	sshll.u32 s23, $0x1;
	[dreg:$0x2] =	wrdreg s3  }
0xa6: {  	[dreg:$0x3] =	wrdreg s4  }
0xa7: {  	[dreg:$0x4] =	wrdreg $0xC0  }
0xa8: {  	s24 =	simm.s32 $execute1_lowered;
	_ =	task [dreg:s18], $0x5FFFF  }
0xa9: {  	s3 =	sshll.u32 s24, $0x1;
	[dreg:$0x1] =	wrdreg $0xFFFFFFFF  }
0xaa: {  	s1 =	sadd.s32 s1, s3;
	[dreg:$0x0] =	wrdreg $0x60  }
0xab: {  	[dreg:$0x2] =	wrdreg s1  }
0xac: {  	[dreg:$0x3] =	wrdreg s20  }
0xad: {  	[dreg:$0x4] =	wrdreg $0xB  }
0xae: {  	_ =	task.clear_ibuf [dreg:s18], $0x5FFFF;
	_ =	strace $0x9000004F  }
0xaf: {  	s25 =	simm.s32 $0xB;
	_ =	strace $0x80000051  }
0xb0: {  	_ =	swait.ge [sflag:s25], $0x1  }
0xb1: {  	[sflag:s25] =	ssyncadd.s32 $0xFFFFFFFF  }
0xb2: {  	_ =	strace $0x90000051  }
0xb3: {  	_ =	strace $0x80000052;
	[dreg:$0x1] =	wrdreg $0xFFFFFFFF  }
0xb4: {  	[dreg:$0x0] =	wrdreg $0x2030  }
0xb5: {  	[dreg:$0x2] =	wrdreg s20  }
0xb6: {  	[dreg:$0x3] =	wrdreg $0xC  }
0xb7: {  	_ =	task.clear_ibuf [dreg:s18], $0x4FFFF;
	_ =	strace $0x90000052  }
0xb8: {  	s26 =	simm.s32 $0xC;
	_ =	strace $0x80000054  }
0xb9: {  	_ =	swait.ge [sflag:s26], $0x1  }
0xba: {  	[sflag:s26] =	ssyncadd.s32 $0xFFFFFFFF  }
0xbb: {  	_ =	strace $0x90000054  }
0xbc: {  	_ =	sfence  }
0xbd: {  	s28 =	sld [smem:$0x0];
	_ =	sdelay $0x1  }
0xbe: {  	s29 =	srdreg.scid  }
0xbf: {  	s30 =	sshll.u32 s29, $0xD;
	s31 =	sshrl.u32 s29, $0x2  }
0xc0: {  	s2 =	sand.u32 $0x1, s29;
	s3 =	sand.u32 $0x4000, s30;
	s1 =	sadd.s32 s31, s28  }
0xc1: {  	s2 =	sor.u32 s3, s2;
	s1 =	sshll.u32 s1, $0x11  }
0xc2: {  	s1 =	sor.u32 s1, s2  }
0xc3: {  	s1 =	sadd.s32 $0x8F2B, s1  }
0xc4: {  	[sflag:s1] =	ssyncadd.remote.s32 $0x1  }
0xc5: {  	_ =	sfence.sel $0xFFFF  }
0xc6: {  	[dreg:$0x0] =	wrdreg $0xFFFFFFFF;
	(pc) =	sbr.abs _section_cstart, $3  }
0xc7: {  	[dreg:$0x1] =	wrdreg $0xFFFFFFFF  }
0xc8: {  	_ =	task.clear_ibuf [dreg:s18], $0x2FFFF;
	_ =	strace $0x9FFFFFFF  }
0xc9: {  	(tm) =	ssettm $0x7FFFFFFF  }
tec
execute0_lowered:
.L_overlay_start_1:
0x0: {  	(tag) =	ssettag $0x1  }
0x1: {  	s2 =	rddreg [dreg:$0x0]  }
0x2: {  	s3 =	rddreg [dreg:$0x1]  }
0x3: {  	s0 =	rddreg [dreg:$0x2];
	s4 =	stileid.u32;
	[bflag:$0x3] =	sbarrier.arrive $0xFFFF  }
0x4: {  	s1 =	simm.s32 $_size_execute1_lowered;
	s7 =	simm.s32 $0x1;
	p0 =	sne.s32 s4, $0x0  }
0x5: {  	s1 =	sshll.u32 s1, $0x1;
	s5 =	simm.s32 @!p0 $0x1C3F;
	s6 =	simm.s32 @!p0 $0x4060  }
0x6: {  	[timem:s6], [sflag:s5] =	dma.local @!p0 [hbm:s2], s1  }
0x7: {  	s8 =	simm.s32 $0x2;
	s10 =	simm.s32 $0x0;
	s2 =	sshll.u32 s4, $0xA  }
0x8: {  	s9 =	simm.s32 $0x0;
	s4 =	sshll.u32 s4, $0x7;
	s29 =	ssub.s32 $0x4000, s2  }
.Ltmp0:
0x9: {  	_ =	strace $0x80000050;
	s31 =	sand.u32 $0x3C00, s29;
	(pc) =	sbr.rel .LBB2_1-.Ltmp0, $4  }
0xa: {  	s30 =	sadd.s32 s4, s3;
	s3 =	sadd.s32 $0x4BFC00, s3;
	p1 =	sne.s32 s31, $0x0  }
0xb: {  	s4 =	simm.s32 $0x1;
	s5 =	sshrl.u32 s29, $0xE;
	s7 =	simm.s32 @!p1 $0x0  }
0xc: {  	[sflag:s4] =	ssyncpa.u1 $0x0;
	s6 =	sadd.s32 $0x4BF400, s30;
	s5 =	sadd.s32 s7, s5  }
0xd: {  	[sflag:s8] =	ssyncpa.u1 $0x0;
	s8 =	simm.s32 $0x0;
	s7 =	sadd.s32 $0x1, s5  }
.LBB2_5:
0xe: {  	p2 =	sne.s32 s9, s7  }
.Ltmp1:
0xf: {  	p1 =	slt.u32 s9, $0x2;
	(pc) =	sbr.rel @!p2 .LBB2_6-.Ltmp1, $4  }
0x10: {  	s10 =	simm.s32 @!p1 $0x2  }
0x11: {  	_ =	swait.ge @!p1 [sflag:s10], $0x400  }
0x12: {  	s11 =	sadd.s32 $0x1, s9;
	[sflag:s10] =	ssyncset.done @!p1 $0x0  }
0x13: {  	s9 =	smov.u32 s11;
	[sflag:s10] =	ssyncadd.s32 @!p1 $0xFFFFFC00;
	s10 =	smov.u32 s2  }
.LBB2_1:
0x14: {  	p1 =	sge.u32 s9, s5  }
0x15: {  	s11 =	sxor.u32 @!p1 $0xFFFFFFFF, s9  }
0x16: {  	s11 =	sshll.u32 @!p1 s11, $0xA  }
0x17: {  	s31 =	sadd.s32 $0xFFFFFFFF, s9;
	s12 =	simm.s32 @!p1 $0x0;
	s11 =	sand.u32 @!p1 $0x400, s11  }
0x18: {  	[tilespmem:s11], [sflag:$0x1] =	stream.linear.gather @!p1 [hbm4b:s6+s12], $0x400, $0x38;
	[tilespmem:$0x1000] =	vst v63  }
0x19: {  	p1 =	sge.u32 s31, s5  }
.Ltmp2:
0x1a: {  	_ = 	snop;
	(pc) =	sbr.rel @p1 .LBB2_5-.Ltmp2, $1  }
0x1b: {  	_ =	sdelay $0x3  }
0x1c: {  	s11 =	sshll.u32 s9, $0xA  }
0x1d: {  	s13 =	sand.u32 $0x400, s11  }
0x1e: {  	v0 =	vmov s13  }
0x1f: {  	_ =	swait.ge [sflag:s4], $0x400  }
0x20: {  	[sflag:s4] =	ssyncset.done $0x0;
	s11 =	sor.u32 $0x800, s13  }
0x21: {  	s12 =	simm.s32 $0x0;
	p1 =	por $0x1, $0x1;
	[sflag:s4] =	ssyncadd.s32 $0xFFFFFC00;
	v1 =	vmov s11  }
.LBB2_3:
0x22: {  	s13 =	sor.u32 $0x10, s12  }
0x23: {  	s14 =	sor.u32 $0x20, s12;
	v2 =	vld.idx.msk [tilespmem:v0+s13+$0x0 ss:$0x1], $0xffff  }
0x24: {  	s15 =	sor.u32 $0x30, s12;
	v3 =	vld.idx.msk [tilespmem:v0+s14+$0x0 ss:$0x1], $0xffff  }
0x25: {  	s16 =	sor.u32 $0x40, s12;
	v4 =	vld.idx.msk [tilespmem:v0+s15+$0x0 ss:$0x1], $0xffff  }
0x26: {  	s17 =	sor.u32 $0x50, s12;
	v5 =	vld.idx.msk [tilespmem:v0+s16+$0x0 ss:$0x1], $0xffff  }
0x27: {  	s18 =	sor.u32 $0x60, s12;
	v6 =	vld.idx.msk [tilespmem:v0+s17+$0x0 ss:$0x1], $0xffff  }
0x28: {  	s31 =	sor.u32 $0x70, s12;
	[tilespmem:v1+s13+$0x0 ss:$0x1] =	vst.idx.msk $0xffff, v2;
	v2 =	vld.idx.msk [tilespmem:v0+s18+$0x0 ss:$0x1], $0xffff  }
0x29: {  	s19 =	sor.u32 $0x80, s12;
	[tilespmem:v1+s14+$0x0 ss:$0x1] =	vst.idx.msk $0xffff, v3;
	v3 =	vld.idx.msk [tilespmem:v0+s31+$0x0 ss:$0x1], $0xffff  }
0x2a: {  	s20 =	sor.u32 $0x90, s12;
	v49 =	vld.idx.msk [tilespmem:v0+s19+$0x0 ss:$0x1], $0xffff;
	[tilespmem:v1+s15+$0x0 ss:$0x1] =	vst.idx.msk $0xffff, v4  }
0x2b: {  	s21 =	sor.u32 $0xA0, s12;
	v50 =	vld.idx.msk [tilespmem:v0+s20+$0x0 ss:$0x1], $0xffff;
	[tilespmem:v1+s16+$0x0 ss:$0x1] =	vst.idx.msk $0xffff, v5  }
0x2c: {  	s22 =	sor.u32 $0xB0, s12;
	v51 =	vld.idx.msk [tilespmem:v0+s21+$0x0 ss:$0x1], $0xffff;
	[tilespmem:v1+s17+$0x0 ss:$0x1] =	vst.idx.msk $0xffff, v6  }
0x2d: {  	s23 =	sor.u32 $0xC0, s12;
	[tilespmem:v1+s18+$0x0 ss:$0x1] =	vst.idx.msk $0xffff, v2;
	v2 =	vld.idx.msk [tilespmem:v0+s22+$0x0 ss:$0x1], $0xffff  }
0x2e: {  	s24 =	sor.u32 $0xD0, s12;
	[tilespmem:v1+s31+$0x0 ss:$0x1] =	vst.idx.msk $0xffff, v3;
	v3 =	vld.idx.msk [tilespmem:v0+s23+$0x0 ss:$0x1], $0xffff  }
0x2f: {  	s25 =	sor.u32 $0xE0, s12;
	v52 =	vld.idx.msk [tilespmem:v0+s24+$0x0 ss:$0x1], $0xffff;
	[tilespmem:v1+s19+$0x0 ss:$0x1] =	vst.idx.msk $0xffff, v49  }
0x30: {  	s26 =	sor.u32 $0xF0, s12;
	v53 =	vld.idx.msk [tilespmem:v0+s25+$0x0 ss:$0x1], $0xffff;
	[tilespmem:v1+s20+$0x0 ss:$0x1] =	vst.idx.msk $0xffff, v50  }
0x31: {  	s28 =	sor.u32 $0x100, s12;
	v54 =	vld.idx.msk [tilespmem:v0+s26+$0x0 ss:$0x1], $0xffff;
	[tilespmem:v1+s21+$0x0 ss:$0x1] =	vst.idx.msk $0xffff, v51  }
0x32: {  	s29 =	sor.u32 $0x110, s12;
	[tilespmem:v1+s22+$0x0 ss:$0x1] =	vst.idx.msk $0xffff, v2;
	v2 =	vld.idx.msk [tilespmem:v0+s28+$0x0 ss:$0x1], $0xffff  }
0x33: {  	s30 =	sor.u32 $0x120, s12;
	[tilespmem:v1+s23+$0x0 ss:$0x1] =	vst.idx.msk $0xffff, v3;
	v3 =	vld.idx.msk [tilespmem:v0+s29+$0x0 ss:$0x1], $0xffff  }
0x34: {  	v55 =	vld.idx.msk [tilespmem:v0+s30+$0x0 ss:$0x1], $0xffff;
	[tilespmem:v1+s24+$0x0 ss:$0x1] =	vst.idx.msk $0xffff, v52;
	s19 =	sor.u32 $0x140, s12  }
0x35: {  	[tilespmem:v1+s25+$0x0 ss:$0x1] =	vst.idx.msk $0xffff, v53;
	s24 =	sor.u32 $0x190, s12;
	v57 =	vld.idx.msk [tilespmem:v0+s19+$0x0 ss:$0x1], $0xffff  }
0x36: {  	[tilespmem:v1+s26+$0x0 ss:$0x1] =	vst.idx.msk $0xffff, v54;
	s20 =	sor.u32 $0x150, s12;
	v60 =	vld.idx.msk [tilespmem:v0+s24+$0x0 ss:$0x1], $0xffff  }
0x37: {  	s21 =	sor.u32 $0x160, s12;
	[tilespmem:v1+s28+$0x0 ss:$0x1] =	vst.idx.msk $0xffff, v2;
	v2 =	vld.idx.msk [tilespmem:v0+s20+$0x0 ss:$0x1], $0xffff  }
0x38: {  	s26 =	sor.u32 $0x1B0, s12;
	[tilespmem:v1+s29+$0x0 ss:$0x1] =	vst.idx.msk $0xffff, v3;
	v3 =	vld.idx.msk [tilespmem:v0+s21+$0x0 ss:$0x1], $0xffff  }
0x39: {  	[tilespmem:v1+s30+$0x0 ss:$0x1] =	vst.idx.msk $0xffff, v55;
	v61 =	vld.idx.msk [tilespmem:v0+s26+$0x0 ss:$0x1], $0xffff;
	s31 =	sor.u32 $0x130, s12  }
0x3a: {  	v56 =	vld.idx.msk [tilespmem:v0+s31+$0x0 ss:$0x1], $0xffff;
	[tilespmem:v1+s19+$0x0 ss:$0x1] =	vst.idx.msk $0xffff, v57;
	s22 =	sor.u32 $0x170, s12  }
0x3b: {  	[tilespmem:v1+s24+$0x0 ss:$0x1] =	vst.idx.msk $0xffff, v60;
	v58 =	vld.idx.msk [tilespmem:v0+s22+$0x0 ss:$0x1], $0xffff  }
0x3c: {  	s25 =	sor.u32 $0x1A0, s12;
	[tilespmem:v1+s20+$0x0 ss:$0x1] =	vst.idx.msk $0xffff, v2;
	v2 =	vld.idx.msk [tilespmem:v0+s12+$0x0 ss:$0x1], $0xffff  }
0x3d: {  	s23 =	sor.u32 $0x180, s12;
	[tilespmem:v1+s21+$0x0 ss:$0x1] =	vst.idx.msk $0xffff, v3;
	v3 =	vld.idx.msk [tilespmem:v0+s25+$0x0 ss:$0x1], $0xffff  }
0x3e: {  	[tilespmem:v1+s26+$0x0 ss:$0x1] =	vst.idx.msk $0xffff, v61;
	v59 =	vld.idx.msk [tilespmem:v0+s23+$0x0 ss:$0x1], $0xffff;
	s28 =	sor.u32 $0x1C0, s12  }
0x3f: {  	[tilespmem:v1+s31+$0x0 ss:$0x1] =	vst.idx.msk $0xffff, v56;
	s29 =	sor.u32 $0x1D0, s12;
	v62 =	vld.idx.msk [tilespmem:v0+s28+$0x0 ss:$0x1], $0xffff  }
0x40: {  	s30 =	sor.u32 $0x1E0, s12;
	[tilespmem:v1+s22+$0x0 ss:$0x1] =	vst.idx.msk $0xffff, v58;
	v63 =	vld.idx.msk [tilespmem:v0+s29+$0x0 ss:$0x1], $0xffff  }
0x41: {  	s31 =	sor.u32 $0x1F0, s12;
	[tilespmem:v1+s12+$0x0 ss:$0x1] =	vst.idx.msk $0xffff, v2;
	v2 =	vld.idx.msk [tilespmem:v0+s30+$0x0 ss:$0x1], $0xffff  }
0x42: {  	p2 =	por p1, p1;
	[tilespmem:v1+s25+$0x0 ss:$0x1] =	vst.idx.msk $0xffff, v3;
	v3 =	vld.idx.msk [tilespmem:v0+s31+$0x0 ss:$0x1], $0xffff  }
.Ltmp3:
0x43: {  	[tilespmem:v1+s23+$0x0 ss:$0x1] =	vst.idx.msk $0xffff, v59;
	(pc) =	sbr.rel @p2 .LBB2_3-.Ltmp3, $4  }
0x44: {  	[tilespmem:v1+s28+$0x0 ss:$0x1] =	vst.idx.msk $0xffff, v62  }
0x45: {  	[tilespmem:v1+s29+$0x0 ss:$0x1] =	vst.idx.msk $0xffff, v63  }
0x46: {  	[tilespmem:v1+s30+$0x0 ss:$0x1] =	vst.idx.msk $0xffff, v2  }
0x47: {  	p1 =	por $0x0, $0x0;
	s12 =	simm.s32 $0x200;
	[tilespmem:v1+s31+$0x0 ss:$0x1] =	vst.idx.msk $0xffff, v3  }
.Ltmp4:
0x48: {  	(pc) =	sbr.rel .LBB2_5-.Ltmp4, $4  }
0x49: {  	_ = 	snop  }
0x4a: {  	s10 =	sshrl.u32 s10, $0x3  }
0x4b: {  	s10 =	sadd.s32 s3, s10  }
0x4c: {  	[hbm4b:s10+s8] =	stream.linear.scatter [tilespmem:s11], [sflag:$0x2], $0x400, $0x38;
	[tilespmem:$0x1000] =	vst v63  }
.LBB2_6:
0x4d: {  	_ =	sfence.sel $0x180000  }
0x4e: {  	s2 =	simm.s32 $0x1;
	[bflag:$0x0] =	sbarrier.arrive $0xFFFF  }
0x4f: {  	s31 =	simm.s32 $0x2;
	[sflag:s2] =	ssyncpa.u1 $0x1  }
0x50: {  	[sflag:s31] =	ssyncpa.u1 $0x1  }
0x51: {  	_ =	strace $0x90000050  }
0x52: {  	s0 =	sadd.s32 @!p0 $0x100000, s0;
	[bflag:$0x2] =	sbarrier.arrive $0xFFFF  }
0x53: {  	[sflag:s0] =	ssyncadd.tile.s32 @!p0 $0x1;
	s0 =	simm.s32 @!p0 $0x3F  }
0x54: {  	_ =	swait.ge @!p0 [sflag:s0], s1  }
0x55: {  	s1 =	ssub.s32 @!p0 $0x0, s1;
	[sflag:s0] =	ssyncset.done @!p0 $0x0  }
0x56: {  	[sflag:s0] =	ssyncadd.s32 @!p0 s1  }
0x57: {  	[bflag:$0x3] =	sbarrier.arrive $0xFFFF  }
0x58: {  	_ =	shalt  }
.Lfunc_end2:
execute1_lowered:
.L_overlay_start_2:
0x59: {  	(tag) =	ssettag $0x2  }
0x5a: {  	s0 =	rddreg [dreg:$0x0];
	_ =	strace $0x80000053;
	s15 =	stileid.u32  }
0x5b: {  	s2 =	simm.s32 $0x1;
	s1 =	smin.u32 s15, $0x8;
	s3 =	sshll.u32 s15, $0x1  }
0x5c: {  	v1 =	vimm.s32 $0xFFFFFFFF;
	[sflag:s2] =	ssyncpa.u1 $0x0;
	s1 =	sadd.s32 s1, s3  }
0x5d: {  	p0 =	slt.u32 s15, $0x8;
	[tilespmem:$0x10] =	vst v1;
	s4 =	smul.u32 $0x1E00, s1;
	s1 =	simm.s32 $0x5A00  }
0x5e: {  	v0 =	vimm.s32 $0x80000000;
	[tilespmem:$0x20] =	vst v1;
	s1 =	simm.s32 @!p0 $0x3C00  }
0x5f: {  	[tilespmem:$0x30] =	vst v0;
	s1 =	sadd.s32 s1, s4  }
0x60: {  	s7 =	simm.s32 $0x2;
	[tilespmem:$0x40] =	vst v0;
	s5 =	smin.u32 s1, $0x4B000  }
0x61: {  	s8 =	simm.s32 $0x8;
	s31 =	simm.s32 $0x9;
	[tilespmem:$0x50] =	vst v0;
	s9 =	ssub.s32 s5, s4  }
0x62: {  	s16 =	simm.s32 $0x0;
	s17 =	simm.s32 $0xF0;
	[tilespmem:$0x60] =	vst v1;
	p0 =	sgt.s32 s9, $0x0  }
0x63: {  	s18 =	simm.s32 $0xFFFFFFFF;
	s19 =	simm.s32 $0xFFFFC500;
	[tilespmem:$0x70] =	vst v1;
	s9 =	simm.s32 @!p0 $0x0  }
0x64: {  	s20 =	simm.s32 $0xFFFFFFFE;
	s21 =	simm.s32 $0xF;
	[tilespmem:$0x80] =	vst v1;
	s30 =	smulhi.u32 $0x88888889, s9  }
0x65: {  	s25 =	simm.s32 $0x0;
	s24 =	simm.s32 $0x0;
	s6 =	sadd.s32 $0x4C8A00, s0;
	v1 =	vimm.s32 $0x0;
	[tilespmem:$0xB0] =	vst v0  }
0x66: {  	s15 =	sshllo.u32 s15, $0x1;
	s13 =	sor.u32 $0x80, s3;
	[tilespmem:$0x90] =	vst v1;
	s10 =	sshrl.u32 s30, $0xC  }
0x67: {  	[tilespmem:$0xA0] =	vst v1;
	[sflag:s7] =	ssyncpa.u1 $0x0;
	s7 =	simm.s32 $0x7;
	s11 =	smul.u32 $0x1E00, s10  }
.Ltmp5:
0x68: {  	s14 =	sor.u32 $0x81, s3;
	[sflag:s7] =	ssyncpa.u1 $0x0;
	(pc) =	sbr.rel .LBB3_1-.Ltmp5, $4  }
0x69: {  	[sflag:s8] =	ssyncpa.u1 $0x0;
	s23 =	smov.u32 s4;
	p0 =	sne.s32 s9, s11  }
0x6a: {  	s1 =	sadd.s32 $0x4BFC00, s0;
	s0 =	sadd.s32 $0x4DB600, s0;
	s2 =	simm.s32 @!p0 $0x0  }
0x6b: {  	vm0 =	vmmov $0xffff;
	v2 =	vlaneseq.u32;
	[sflag:s31] =	ssyncpa.u1 $0x0;
	[dreg:$0x2] =	wrdreg s0;
	s10 =	sadd.s32 s2, s10  }
0x6c: {  	vm1 =	vmxor vm1, vm1;
	vm2 =	vmmov $0x1;
	vm3 =	vcmask $0x3F3C;
	p0 =	por $0x0, $0x0;
	s11 =	sadd.s32 $0x1, s10;
	s12 =	sadd.s32 $0x2, s10  }
.LBB3_9:
0x6d: {  	p1 =	slt.u32 s24, $0x3  }
0x6e: {  	s0 =	simm.s32 @!p1 $0x2  }
0x6f: {  	_ =	swait.ge @!p1 [sflag:s0], $0x1E00  }
0x70: {  	[sflag:s0] =	ssyncset.done @!p1 $0x0  }
0x71: {  	[sflag:s0] =	ssyncadd.s32 @!p1 $0xFFFFE200;
	s0 =	simm.s32 @!p1 $0x9  }
0x72: {  	_ =	swait.ge @!p1 [sflag:s0], $0x10  }
0x73: {  	[sflag:s0] =	ssyncset.done @!p1 $0x0  }
0x74: {  	[sflag:s0] =	ssyncadd.s32 @!p1 $0xFFFFFFF0;
	p1 =	sne.s32 s24, s12  }
.Ltmp6:
0x75: {  	s2 =	sadd.s32 $0x1E00, s23;
	(pc) =	sbr.rel @!p1 .LBB3_10-.Ltmp6, $4  }
0x76: {  	s9 =	smov.u32 s4;
	s31 =	sadd.s32 $0x1, s24;
	s17 =	sadd.s32 $0x1E00, s17  }
0x77: {  	s18 =	sadd.s32 $0x1, s18;
	s25 =	smov.u32 s23;
	p2 =	slt.s32 s2, s5  }
0x78: {  	p0 =	por !p0, !p0;
	s19 =	sadd.s32 $0x1E00, s19;
	s9 =	smov.u32 @p2 s2  }
0x79: {  	s20 =	sadd.s32 $0x1, s20;
	s23 =	smov.u32 s9;
	s24 =	smov.u32 s31  }
.LBB3_1:
0x7a: {  	p1 =	sge.u32 s24, s10  }
0x7b: {  	s0 =	smulhi.u32 @!p1 $0xAAAAAAAB, s24;
	_ =	sdelay $0x1  }
0x7c: {  	s0 =	sshrl.u32 @!p1 s0, $0x1  }
0x7d: {  	s0 =	smul.u32 @!p1 $0x3, s0;
	_ =	sdelay $0x1  }
0x7e: {  	s0 =	ssub.s32 @!p1 s24, s0  }
0x7f: {  	s0 =	smul.u32 @!p1 $0x7800, s0;
	_ =	sdelay $0x1  }
0x80: {  	s2 =	sshrl.u32 @!p1 s23, $0x3;
	s0 =	sshrl.u32 @!p1 s0, $0x2  }
0x81: {  	s9 =	sand.u32 @!p1 $0x7, s23;
	s2 =	sadd.s32 @!p1 s6, s2;
	s0 =	sor.u32 @!p1 $0x100, s0  }
0x82: {  	[tilespmem:s0], [sflag:$0x7] =	stream.linear.gather @!p1 [hbm4b:s2+s9], $0x1E00, $0x38;
	[tilespmem:$0x10F20] =	vst v63  }
0x83: {  	s0 =	sadd.s32 $0xFFFFFFFF, s24  }
0x84: {  	p1 =	sge.u32 s0, s10  }
.Ltmp7:
0x85: {  	_ = 	snop;
	(pc) =	sbr.rel @p1 .LBB3_5-.Ltmp7, $1  }
0x86: {  	_ =	sdelay $0x3  }
0x87: {  	s2 =	smulhi.u32 $0xAAAAAAAB, s0;
	_ =	sdelay $0x1  }
0x88: {  	s2 =	sshrl.u32 s2, $0x1  }
0x89: {  	s2 =	smul.u32 $0x3, s2;
	_ =	sdelay $0x1  }
0x8a: {  	s2 =	ssub.s32 s0, s2  }
0x8b: {  	s2 =	smul.u32 $0x7800, s2;
	_ =	sdelay $0x1  }
0x8c: {  	_ =	swait.ge [sflag:s7], $0x1E00;
	s2 =	sshrl.u32 s2, $0x2  }
0x8d: {  	[sflag:s7] =	ssyncset.done $0x0;
	s2 =	sor.u32 $0x100, s2  }
0x8e: {  	[sflag:s7] =	ssyncadd.s32 $0xFFFFE200;
	(ifvalue) =	ssetifvalue $0xFFFFFFFF;
	v3 =	vld.msk [tilespmem:s2+$0x0 ss:$0x1], $0xffff;
	_ =	sdelay $0x2  }
0x8f: {  	s30 =	smulhi.u32 $0xAAAAAAAB, s18;
	p1 =	sne.s32 s24, $0x1  }
0x90: {  	v4 =	vimm.s32 @!p1 $0x0  }
0x91: {  	s2 =	sshrl.u32 s30, $0x1;
	v4 =	vperm.xlane @!p1 v3, v4  }
0x92: {  	s9 =	sshll.u32 s24, $0x4;
	s2 =	smul.u32 $0xFFFE9800, s2;
	vm4 =	vlt.u32 v3, $0x4000  }
0x93: {  	s9 =	sand.u32 $0x10, s9;
	v3 =	vnsel vm4, $0xFFFFFFFE, v3;
	vm4 =	vlt.u32 @!p1 v4, $0x4000  }
0x94: {  	s2 =	sshra.s32 s2, $0x2;
	[tilespmem:s9+$0x60] =	vst v3;
	v3 =	vnsel @!p1 vm4, $0xFFFFFFFE, v4  }
0x95: {  	s26 =	sadd.s32 s2, s17;
	[tilespmem:$0x80] =	vst @!p1 v3  }
0x96: {  	v3 =	vld.msk [tilespmem:s26+$0x0 ss:$0x1], $0xffff;
	_ =	sdelay $0x4  }
0x97: {  	(xrf1) =	vunique.msk.u32 $0xffff, v3;
	_ =	sdelay $0xd  }
0x98: {  	v4 =	vimm.s32 $0xFFFFFFFF;
	v5, _, _ =	vpop (xrf1)  }
0x99: {  	vm5 =	vne.s32 v3, v4;
	vm4 =	veq.s32 v5, v2  }
0x9a: {  	vm6 =	vlt.u32 v3, $0x4000;
	vm4 =	vmand vm5, vm4  }
0x9b: {  	vm4 =	vmand vm6, vm4  }
0x9c: {  	v4 =	vnsel vm4, $0xFFFFFFFF, v3  }
0x9d: {  	s31 =	sand.u32 $0x1, s0  }
0x9e: {  	s0 =	simm.s32 $0x1E00;
	p1 =	seq.s32 s31, $0x1  }
0x9f: {  	s0 =	simm.s32 @!p1 $0x0  }
0xa0: {  	s2 =	sadd.s32 $0x78F0, s0;
	(ifvalue) =	ssetifvalue $0xFFFFFFFF  }
0xa1: {  	v3 =	vperm.xlane v3, v1;
	[tilespmem:s2], [sflag:$0x8] =	stream.indirect_vreg.gather [hbm4b:s1+s16], $0x1, v4, vm0, $0x4038;
	v4 =	vnsel vm6, $0xFFFFFFFE, v4;
	[tilespmem:$0x10F20] =	vst v63  }
0xa2: {  	s22 =	sadd.s32 $0xFFFFFFF0, s26;
	s9 =	simm.s32 $0x0;
	[tilespmem:s26+$0x0] =	vst v4  }
.LBB3_3:
0xa3: {  	v4 =	vld.msk [tilespmem:s22+$0x0 ss:$0x1], $0xffff;
	s9 =	sadd.s32 $0x10, s9;
	v5 =	vmov v3;
	s26 =	smov.u32 s22  }
0xa4: {  	p1 =	slt.u32 s9, $0x1DF0;
	_ =	sdelay $0x4  }
0xa5: {  	v3 =	vperm.xlane v4, v1;
	(xrf1) =	vunique.msk.u32 $0xffff, v4;
	_ =	sdelay $0xd  }
0xa6: {  	v6, _, _ =	vpop (xrf1)  }
0xa7: {  	vm5 =	vne.s32 v4, v5;
	vm4 =	veq.s32 v6, v2  }
0xa8: {  	vm6 =	vlt.u32 v4, $0x4000;
	vm4 =	vmand vm5, vm4  }
0xa9: {  	vm4 =	vmand vm6, vm4  }
0xaa: {  	v4 =	vnsel vm4, $0xFFFFFFFF, v4  }
.Ltmp8:
0xab: {  	v5 =	vnsel vm6, $0xFFFFFFFE, v4;
	(pc) =	sbr.rel @p1 .LBB3_3-.Ltmp8, $3  }
0xac: {  	_ =	sdelay $0x1  }
0xad: {  	s22 =	sadd.s32 $0xFFFFFFF0, s22;
	s2 =	sadd.s32 $0xFFFFFFF0, s2;
	(ifvalue) =	ssetifvalue $0xFFFFFFFF  }
0xae: {  	[tilespmem:s2], [sflag:$0x8] =	stream.indirect_vreg.gather [hbm4b:s1+s16], $0x1, v4, vm0, $0x4038;
	[tilespmem:s26+$0x0] =	vst v5  }
0xaf: {  	s2 =	sshrl.u32 s25, $0x3;
	s9 =	rddreg [dreg:$0x2]  }
0xb0: {  	s0 =	sadd.s32 $0x9700, s0;
	s2 =	sadd.s32 s9, s2  }
0xb1: {  	[tilespmem:s0], [sflag:$0x8] =	stream.linear.gather [hbm:s2], $0x1E00, $0x38;
	[tilespmem:$0x10F20] =	vst v63  }
.LBB3_5:
0xb2: {  	p1 =	slt.u32 s24, $0x2  }
0xb3: {  	p2 =	sge.u32 @!p1 s24, s12  }
0xb4: {  	p1 =	por p1, p2  }
.Ltmp9:
0xb5: {  	_ = 	snop;
	(pc) =	sbr.rel @p1 .LBB3_9-.Ltmp9, $1  }
0xb6: {  	_ =	sdelay $0x3  }
0xb7: {  	s0 =	sadd.s32 $0xFFFFFFFE, s24  }
0xb8: {  	s2 =	smulhi.u32 $0xAAAAAAAB, s0;
	_ =	sdelay $0x1  }
0xb9: {  	s2 =	sshrl.u32 s2, $0x1  }
0xba: {  	s2 =	smul.u32 $0x3, s2;
	_ =	sdelay $0x1  }
0xbb: {  	s0 =	ssub.s32 s0, s2  }
0xbc: {  	_ =	swait.ge [sflag:s8], $0x3C00;
	s0 =	smul.u32 $0x1E00, s0  }
0xbd: {  	p1 =	sne.s32 s24, s11;
	[sflag:s8] =	ssyncset.done $0x0  }
0xbe: {  	[sflag:s8] =	ssyncadd.s32 $0xFFFFC400;
	s2 =	sadd.s32 @!p1 $0x1EFF, s0  }
0xbf: {  	[spmem:s14] =	stream.linear.scatter @!p1 [tilespmem:s2], [sflag:$0x1], $0x1, $0x38;
	[tilespmem:$0x10F20] =	vst v63  }
0xc0: {  	s2 =	simm.s32 @!p1 $0x1  }
0xc1: {  	_ =	swait.ge @!p1 [sflag:s2], $0x1  }
0xc2: {  	s9 =	sshll.u32 s24, $0x4;
	[sflag:s2] =	ssyncset.done @!p1 $0x0  }
0xc3: {  	s25 =	sand.u32 $0x10, s9;
	[sflag:s2] =	ssyncadd.s32 @!p1 $0xFFFFFFFF  }
0xc4: {  	s2 =	sxor.u32 $0x10, s25;
	v4 =	vld [tilespmem:s25+$0x10]  }
0xc5: {  	v5 =	vld [tilespmem:s2+$0x60]  }
0xc6: {  	v3 =	vld [tilespmem:$0x80];
	_ =	sdelay $0x2  }
0xc7: {  	(v2sf) =	vpush v4, $0x0  }
0xc8: {  	(v2sf) =	vpush v5, $0x0  }
0xc9: {  	(v2sf) =	vpush v3, $0x0;
	_ =	sdelay $0xc  }
0xca: {  	s26 =	spop (v2sf)  }
0xcb: {  	s22 =	spop (v2sf)  }
0xcc: {  	s28 =	spop (v2sf)  }
0xcd: {  	p3 =	seq.s32 s26, s22;
	p2 =	seq.s32 s28, s26  }
0xce: {  	p2 =	por p3, p2  }
0xcf: {  	s26 =	sand.u32 $0x1, s24;
	v4 =	vpsel p2, $0xFFFFFFFF, v4  }
0xd0: {  	s29 =	smul.u32 $0x1E00, s26;
	[tilespmem:s25+$0x10] =	vst.msk $0x1, v4  }
0xd1: {  	v4 =	vld [tilespmem:$0x30]  }
0xd2: {  	v5 =	vld [tilespmem:s29+$0x9700]  }
0xd3: {  	v6 =	vld [tilespmem:s25+$0x40];
	_ =	sdelay $0x3  }
0xd4: {  	vm4 =	vmmov vm1;
	vm6 =	vmmov vm2;
	vm5 =	vgt.s32 v4, v5  }
0xd5: {  	vm4 =	vmmov @p3 vm2;
	s9 =	sshll.u32 s26, $0x4;
	v5 =	vsel vm5, v4, v5;
	vm5 =	vgt.s32 v4, v6  }
0xd6: {  	vm6 =	vmmov @p2 vm1;
	s26 =	sor.u32 $0x10F00, s9;
	v4 =	vsel vm5, v4, v6;
	[tilespmem:s29+$0x9700] =	vst.msk vm4, v5  }
0xd7: {  	[tilespmem:s26+$0x0] =	vst.msk vm6, v4  }
0xd8: {  	v4 =	vld [tilespmem:s29+$0x78F0];
	_ =	sdelay $0x4  }
0xd9: {  	v4 =	vshift.insert v4, v1, s21  }
0xda: {  	s22 =	sor.u32 $0x40, s2  }
0xdb: {  	v5 =	vimm.s32 $0x80000000;
	[tilespmem:s22+$0x0] =	vst.msk $0x1, v4  }
0xdc: {  	[tilespmem:s29+$0x78FF] =	vst.msk $0x1, v5  }
0xdd: {  	v4 =	vld [tilespmem:s0+$0x1EF0];
	_ =	sdelay $0x1  }
0xde: {  	s0 =	simm.s32 $0x1  }
0xdf: {  	s22 =	smulhi.u32 $0xAAAAAAAB, s20;
	s0 =	simm.s32 @!p0 $0x0  }
0xe0: {  	s0 =	smul.u32 $0x7800, s0  }
0xe1: {  	s9 =	sshrl.u32 s22, $0x1;
	v4 =	vshift.insert v4, v1, s21  }
0xe2: {  	s9 =	smul.u32 $0xFFFE9800, s9;
	s0 =	sshrl.u32 s0, $0x2  }
0xe3: {  	s22 =	sadd.s32 $0x9700, s0;
	[tilespmem:s2+$0x10] =	vst.msk $0x1, v4  }
0xe4: {  	s9 =	sshra.s32 s9, $0x2;
	v6 =	vld [tilespmem:s22+$0x0]  }
0xe5: {  	s2 =	sadd.s32 s9, s19  }
0xe6: {  	v7 =	vld [tilespmem:s2+$0x0];
	_ =	sdelay $0x2  }
0xe7: {  	vm4 =	vgt.s32 v6, v5  }
0xe8: {  	v5 =	vsel vm4, v6, v5  }
0xe9: {  	vm4 =	vne.s32 v7, $0xFFFFFFFF;
	v5 =	vxor.u32 $0x80000000, v5  }
0xea: {  	(xrf0) =	vmax.seg.scan.u32 vm4, v5  }
0xeb: {  	s9 =	sadd.s32 $0x5B00, s0  }
0xec: {  	v8 =	vld [tilespmem:s9+$0x0]  }
0xed: {  	v6 =	vld [tilespmem:$0xA0];
	_ =	sdelay $0x2  }
0xee: {  	v5 =	vperm.xlane v4, v1;
	v9, _, _ =	vpop (xrf0)  }
0xef: {  	vm6 =	veq.s32 v7, v3;
	v9 =	vxor.u32 $0x80000000, v9  }
0xf0: {  	vm8 =	veq.s32 v7, v5;
	vm5 =	veq.s32 v6, $0x1;
	vm7 =	vgt.s32 v9, v8  }
0xf1: {  	vm8 =	vmor vm8, vm6;
	v6 =	vsel vm7, v9, v8;
	vm7 =	vgt.u32 v7, $0xFFFFFFFD  }
0xf2: {  	v10 =	vld [tilespmem:$0x90];
	vm9 =	vmand vm4, vm3;
	vm4 =	vmor vm5, vm6;
	vm5 =	vmor vm8, vm7  }
0xf3: {  	v8 =	vsel vm5, $0xFFFFFFFF, v7;
	_ =	sdelay $0x1  }
0xf4: {  	s31 =	simm.s32 $0x0  }
0xf5: {  	s30 =	sadd.s32 $0xD300, s0;
	s0 =	sadd.s32 $0x10, s22;
	s2 =	sadd.s32 $0x10, s2;
	v11 =	vsel vm9, $0x80000000, v9;
	v6 =	vsel vm6, v9, v6  }
0xf6: {  	s22 =	sadd.s32 $0x10, s30;
	s9 =	sadd.s32 $0x10, s9;
	[tilespmem:s30+$0x0] =	vst v6;
	v6 =	vsel vm6, v9, v10;
	v7 =	vshift.insert v11, v0, s21;
	(ifvalue) =	ssetifvalue $0xFFFFFFFF  }
.LBB3_7:
0xf7: {  	[hbm4b:s1+s16] =	stream.indirect_vreg.scatter [tilespmem:s30], [sflag:$0x2], $0x1, v8, vm0, $0x4038;
	[tilespmem:$0x10F20] =	vst v63  }
0xf8: {  	s31 =	sadd.s32 $0x10, s31;
	s30 =	smov.u32 s22;
	v8 =	vld [tilespmem:s0+$0x0]  }
0xf9: {  	p2 =	slt.u32 s31, $0x1DF0  }
0xfa: {  	v9 =	vld [tilespmem:s2+$0x0];
	_ =	sdelay $0x2  }
0xfb: {  	vm5 =	vgt.s32 v8, v7  }
0xfc: {  	v7 =	vsel vm5, v8, v7  }
0xfd: {  	vm5 =	vne.s32 v9, $0xFFFFFFFF;
	v7 =	vxor.u32 $0x80000000, v7  }
0xfe: {  	(xrf0) =	vmax.seg.scan.u32 vm5, v7;
	_ =	sdelay $0x2  }
0xff: {  	v7 =	vld [tilespmem:s9+$0x0];
	_ =	sdelay $0x1  }
0x100: {  	vm6 =	veq.s32 v9, v3;
	vm7 =	veq.s32 v9, v5  }
0x101: {  	vm8 =	vgt.u32 v9, $0xFFFFFFFD;
	vm4 =	vmor vm4, vm6;
	vm7 =	vmor vm7, vm6;
	v8, _, _ =	vpop (xrf0)  }
0x102: {  	vm5 =	vmand vm5, vm3;
	vm7 =	vmor vm7, vm8;
	v10 =	vxor.u32 $0x80000000, v8  }
.Ltmp10:
0x103: {  	v8 =	vsel vm7, $0xFFFFFFFF, v9;
	vm7 =	vgt.s32 v10, v7;
	v9 =	vsel vm5, $0x80000000, v10;
	(pc) =	sbr.rel @p2 .LBB3_7-.Ltmp10, $4  }
0x104: {  	v6 =	vsel vm6, v10, v6;
	v11 =	vsel vm7, v10, v7;
	v7 =	vshift.insert v9, v0, s21  }
0x105: {  	v9 =	vsel vm6, v10, v11  }
0x106: {  	s0 =	sadd.s32 $0x10, s0;
	s2 =	sadd.s32 $0x10, s2;
	[tilespmem:s22+$0x0] =	vst v9  }
0x107: {  	s9 =	sadd.s32 $0x10, s9;
	s22 =	sadd.s32 $0x10, s22;
	(ifvalue) =	ssetifvalue $0xFFFFFFFF  }
0x108: {  	_ =	sdelay $0x3  }
0x109: {  	[hbm4b:s1+s16] =	stream.indirect_vreg.scatter [tilespmem:s30], [sflag:$0x2], $0x1, v8, vm0, $0x4038;
	[tilespmem:$0x10F20] =	vst v63  }
0x10a: {  	v3 =	vld [tilespmem:s29+$0xF0F0];
	_ =	sdelay $0x4  }
0x10b: {  	v3 =	vshift.insert v3, v1, s21  }
0x10c: {  	s0 =	simm.s32 $0x30  }
0x10d: {  	[tilespmem:s0+$0x0] =	vst.msk $0x1, v3  }
0x10e: {  	v3 =	vsel vm4, $0x1, v1;
	[tilespmem:$0x90] =	vst v6  }
0x10f: {  	s0 =	sadd.s32 @!p1 $0xF0FF, s29;
	[tilespmem:$0xA0] =	vst v3  }
0x110: {  	[spmem:s15] =	stream.linear.scatter @!p1 [tilespmem:s0], [sflag:$0x1], $0x1, $0x38;
	[tilespmem:$0x10F20] =	vst v63  }
0x111: {  	s0 =	simm.s32 @!p1 $0x1  }
0x112: {  	v3 =	vmctz.xlane @!p1 vm4;
	_ =	swait.ge @!p1 [sflag:s0], $0x1  }
0x113: {  	(v2sf) =	vpush @!p1 v4, $0x0  }
0x114: {  	(v2sf) =	vpush @!p1 v3, $0x0;
	_ =	sdelay $0xd  }
0x115: {  	s2 =	spop @!p1 (v2sf)  }
0x116: {  	s9 =	spop @!p1 (v2sf)  }
0x117: {  	p2 =	sne.s32 @!p1 s28, s2;
	p3 =	slt.s32 @!p1 s9, $0xF  }
0x118: {  	[sflag:s0] =	ssyncset.done @!p1 $0x0;
	p2 =	por p2, p1;
	p3 =	por !p3, p1  }
0x119: {  	[sflag:s0] =	ssyncadd.s32 @!p1 $0xFFFFFFFF;
	v3 =	vimm.s32 @!p2 $0xFFFFFFFF;
	s9 =	simm.s32 @p3 $0xF  }
0x11a: {  	[tilespmem:$0x80] =	vst @!p2 v3;
	s2 =	sadd.s32 @!p1 $0x90, s9  }
0x11b: {  	[spmem:s3] =	stream.linear.scatter @!p1 [tilespmem:s2], [sflag:$0x1], $0x1, $0x38;
	[tilespmem:$0x10F20] =	vst v63  }
0x11c: {  	_ =	swait.ge @!p1 [sflag:s0], $0x1  }
0x11d: {  	[sflag:s0] =	ssyncset.done @!p1 $0x0  }
0x11e: {  	s2 =	simm.s32 @!p1 $0x80;
	[sflag:s0] =	ssyncadd.s32 @!p1 $0xFFFFFFFF  }
0x11f: {  	[spmem:s13] =	stream.linear.scatter @!p1 [tilespmem:s2], [sflag:$0x1], $0x1, $0x38;
	[tilespmem:$0x10F20] =	vst v63  }
0x120: {  	_ =	swait.ge @!p1 [sflag:s0], $0x1  }
0x121: {  	[sflag:s0] =	ssyncset.done @!p1 $0x0  }
0x122: {  	[sflag:s0] =	ssyncadd.s32 @!p1 $0xFFFFFFFF;
	(ifvalue) =	ssetifvalue $0xFFFFFFFF;
	v3 =	vld [tilespmem:s25+$0x10];
	_ =	sdelay $0x3  }
.Ltmp11:
0x123: {  	_ = 	snop;
	(pc) =	sbr.rel .LBB3_9-.Ltmp11, $3  }
0x124: {  	_ =	sdelay $0x1  }
0x125: {  	(ifvalue) =	ssetifvalue $0xFFFFFFFF  }
0x126: {  	[hbm4b:s1+s16] =	stream.indirect_vreg.scatter [tilespmem:s26], [sflag:$0x9], $0x1, v3, vm0, $0x4038;
	[tilespmem:$0x10F20] =	vst v63  }
.LBB3_10:
0x127: {  	_ =	sfence.sel $0x180000  }
0x128: {  	s0 =	simm.s32 $0x7;
	[bflag:$0x0] =	sbarrier.arrive $0xFFFF  }
0x129: {  	s26 =	simm.s32 $0x8;
	[sflag:s0] =	ssyncpa.u1 $0x1  }
0x12a: {  	s28 =	simm.s32 $0x9;
	[sflag:s26] =	ssyncpa.u1 $0x1  }
0x12b: {  	[sflag:s28] =	ssyncpa.u1 $0x1  }
0x12c: {  	_ =	sfence.stream.spmem  }
0x12d: {  	s29 =	simm.s32 $0x3;
	[bflag:$0x0] =	sbarrier.arrive $0xFFFF  }
0x12e: {  	s30 =	simm.s32 $0x4;
	[sflag:s29] =	ssyncpa.u1 $0x1  }
0x12f: {  	s31 =	simm.s32 $0x3C;
	s2 =	stileid.u32;
	[sflag:s30] =	ssyncpa.u1 $0x1  }
0x130: {  	p0 =	sne.s32 s2, $0x0;
	[sflag:s31] =	ssyncpa.u1 $0x1  }
0x131: {  	s0 =	simm.s32 @p0 $0x1;
	_ =	sfence @p0  }
0x132: {  	[sflag:s0] =	ssyncpa.u1 @p0 $0x1;
	s0 =	simm.s32 @p0 $0x2  }
0x133: {  	[sflag:s0] =	ssyncpa.u1 @p0 $0x1  }
0x134: {  	_ =	strace @p0 $0x90000053  }
0x135: {  	[bflag:$0x2] =	sbarrier.arrive @p0 $0xFFFF  }
0x136: {  	_ =	shalt @p0  }
.LBB3_11:
0x137: {  	_ =	sfence.stream.spmem;
	s0 =	simm.s32 $0x5  }
0x138: {  	s2 =	simm.s32 $0x80;
	s3 =	simm.s32 $0xC0;
	[sflag:s0] =	ssyncpa.u1 $0x0  }
0x139: {  	[tilespmem:s3], [sflag:$0x5] =	stream.linear.gather [spmem:s2], $0x20, $0x38;
	[tilespmem:$0x10F20] =	vst v63  }
0x13a: {  	s30 =	simm.s32 $0xE0;
	s2 =	simm.s32 $0x0  }
0x13b: {  	[tilespmem:s30], [sflag:$0x5] =	stream.linear.gather [spmem:s2], $0x20, $0x38;
	[tilespmem:$0x10F20] =	vst v63  }
.Ltmp12:
0x13c: {  	_ = 	snop;
	(pc) =	sbr.rel .LBB3_12-.Ltmp12, $4  }
0x13d: {  	_ =	swait.ge [sflag:s0], $0x40  }
0x13e: {  	[sflag:s0] =	ssyncset.done $0x0  }
0x13f: {  	s31 =	simm.s32 $0x6;
	[sflag:s0] =	ssyncadd.s32 $0xFFFFFFC0  }
0x140: {  	s3 =	simm.s32 $0x0;
	[sflag:s31] =	ssyncpa.u1 $0x0  }
.LBB3_17:
0x141: {  	p0 =	sgt.u32 s4, $0x3FFF  }
0x142: {  	s0 =	sshrl.u32 @!p0 s4, $0x3  }
0x143: {  	s4 =	sand.u32 @!p0 $0x7, s4;
	s5 =	simm.s32 @!p0 $0xB0;
	s0 =	sadd.s32 @!p0 s1, s0  }
0x144: {  	[tilespmem:s5], [sflag:$0x6] =	stream.linear.gather @!p0 [hbm4b:s0+s4], $0x1, $0x38;
	[tilespmem:$0x10F20] =	vst v63  }
0x145: {  	s0 =	simm.s32 @!p0 $0x6  }
0x146: {  	_ =	swait.ge @!p0 [sflag:s0], $0x1  }
0x147: {  	[sflag:s0] =	ssyncset.done @!p0 $0x0  }
0x148: {  	[sflag:s0] =	ssyncadd.s32 @!p0 $0xFFFFFFFF  }
0x149: {  	v1 =	vld.msk @!p0 [tilespmem:$0xB0], $0x1  }
0x14a: {  	v2 =	vld.msk @!p0 [tilespmem:s3+$0xE0], $0x1;
	_ =	sdelay $0x4  }
0x14b: {  	vm0 =	vgt.s32 @!p0 v2, v1  }
0x14c: {  	v1 =	vsel @!p0 vm0, v2, v1  }
0x14d: {  	[tilespmem:s3+$0xE0] =	vst.msk @!p0 $0x1, v1  }
0x14e: {  	[tilespmem:s2+$0xC0] =	vst.msk $0x1, v0  }
0x14f: {  	v0 =	vld.msk [tilespmem:s3+$0xE0], $0x1;
	_ =	sdelay $0x4  }
0x150: {  	[tilespmem:s2+$0xE0] =	vst.msk $0x1, v0;
	s2 =	sadd.s32 $0x1, s2  }
.LBB3_19:
0x151: {  	s3 =	sadd.s32 $0x1, s3  }
0x152: {  	p0 =	sne.s32 s3, $0x20  }
.Ltmp13:
0x153: {  	_ = 	snop;
	(pc) =	sbr.rel @!p0 .LBB3_20-.Ltmp13, $1  }
0x154: {  	_ =	sdelay $0x3  }
.LBB3_12:
0x155: {  	v0 =	vld.msk [tilespmem:s3+$0xC0], $0x1;
	_ =	sdelay $0x4  }
0x156: {  	(v2sf) =	vpush v0, $0x0;
	_ =	sdelay $0xe  }
0x157: {  	s4 =	spop (v2sf)  }
0x158: {  	p0 =	seq.s32 s4, $0xFFFFFFFF  }
.Ltmp14:
0x159: {  	_ = 	snop;
	(pc) =	sbr.rel @p0 .LBB3_19-.Ltmp14, $1  }
0x15a: {  	_ =	sdelay $0x3  }
0x15b: {  	p0 =	slt.s32 s2, $0x1  }
.Ltmp15:
0x15c: {  	_ = 	snop;
	(pc) =	sbr.rel @p0 .LBB3_17-.Ltmp15, $1  }
0x15d: {  	_ =	sdelay $0x3  }
0x15e: {  	s0 =	simm.s32 $0xC0;
	p0 =	por $0x0, $0x0  }
0x15f: {  	v1 =	vld.msk @!p0 [tilespmem:s0+$0x0], $0x1;
	_ =	sdelay $0x4  }
0x160: {  	(v2sf) =	vpush @!p0 v1, $0x0;
	_ =	sdelay $0xd  }
0x161: {  	p2 =	sne.s32 s2, $0x1  }
.Ltmp16:
0x162: {  	s5 =	spop @!p0 (v2sf);
	(pc) =	sbr.rel @!p2 .LBB3_16-.Ltmp16, $4  }
0x163: {  	p1 =	seq.s32 @!p0 s4, s5  }
0x164: {  	s5 =	simm.s32 $0x0;
	p1 =	por !p1, p0  }
0x165: {  	s7 =	simm.s32 $0xFFFFFFFF;
	s5 =	simm.s32 @p1 $0xFFFFFFFF  }
0x166: {  	s6 =	simm.s32 $0x1;
	s5 =	smov.u32 @p0 s7  }
.LBB3_15:
0x167: {  	s7 =	smov.u32 s5;
	p0 =	sne.s32 s5, $0xFFFFFFFF  }
0x168: {  	s0 =	sadd.s32 $0x1, s0;
	s5 =	smov.u32 s6;
	s6 =	sadd.s32 $0x1, s6  }
0x169: {  	p1 =	sne.s32 s2, s6;
	v1 =	vld.msk @!p0 [tilespmem:s0+$0x0], $0x1;
	_ =	sdelay $0x4  }
0x16a: {  	(v2sf) =	vpush @!p0 v1, $0x0;
	_ =	sdelay $0xe  }
.Ltmp17:
0x16b: {  	s8 =	spop @!p0 (v2sf);
	(pc) =	sbr.rel @p1 .LBB3_15-.Ltmp17, $4  }
0x16c: {  	p2 =	seq.s32 @!p0 s4, s8  }
0x16d: {  	p2 =	por !p2, p0  }
0x16e: {  	s5 =	simm.s32 @p2 $0xFFFFFFFF  }
0x16f: {  	s5 =	smov.u32 @p0 s7  }
.LBB3_16:
0x170: {  	p0 =	sne.s32 s5, $0xFFFFFFFF  }
.Ltmp18:
0x171: {  	_ = 	snop;
	(pc) =	sbr.rel @!p0 .LBB3_17-.Ltmp18, $1  }
0x172: {  	_ =	sdelay $0x3  }
0x173: {  	v0 =	vld.msk [tilespmem:s3+$0xE0], $0x1  }
0x174: {  	v1 =	vld.msk [tilespmem:s5+$0xE0], $0x1;
	_ =	sdelay $0x2  }
.Ltmp19:
0x175: {  	_ = 	snop;
	(pc) =	sbr.rel .LBB3_19-.Ltmp19, $4  }
0x176: {  	_ = 	snop  }
0x177: {  	vm0 =	vgt.s32 v1, v0  }
0x178: {  	v0 =	vsel vm0, v1, v0  }
0x179: {  	[tilespmem:s5+$0xE0] =	vst.msk $0x1, v0  }
.LBB3_20:
0x17a: {  	p0 =	slt.s32 s2, $0x1  }
.Ltmp20:
0x17b: {  	_ = 	snop;
	(pc) =	sbr.rel @p0 .LBB3_24-.Ltmp20, $3  }
0x17c: {  	_ =	sdelay $0x1  }
0x17d: {  	s0 =	simm.s32 $0x6  }
0x17e: {  	s3 =	simm.s32 $0x0;
	[sflag:s0] =	ssyncpa.u1 $0x1  }
0x17f: {  	s0 =	simm.s32 $0xC0  }
0x180: {  	v0 =	vld.msk [tilespmem:s0+$0x0], $0x1;
	_ =	sdelay $0x4  }
0x181: {  	(v2sf) =	vpush v0, $0x0;
	_ =	sdelay $0xe  }
0x182: {  	s2 =	sadd.s32 $0xFFFFFFFF, s2;
	s4 =	spop (v2sf)  }
0x183: {  	p1 =	sne.s32 s2, $0x0;
	p0 =	sgt.u32 s4, $0x3FFF  }
.Ltmp21:
0x184: {  	s5 =	sshrl.u32 @!p0 s4, $0x3;
	(pc) =	sbr.rel @!p1 .LBB3_23-.Ltmp21, $4  }
0x185: {  	s0 =	simm.s32 $0xE0;
	s4 =	sand.u32 @!p0 $0x7, s4;
	s5 =	sadd.s32 @!p0 s1, s5  }
0x186: {  	[hbm4b:s5+s4] =	stream.linear.scatter @!p0 [tilespmem:s0], [sflag:$0x5], $0x1, $0x38;
	[tilespmem:$0x10F20] =	vst v63  }
0x187: {  	s5 =	simm.s32 $0x0  }
0x188: {  	s4 =	simm.s32 $0xC1;
	s5 =	simm.s32 @!p0 $0x4  }
.LBB3_22:
0x189: {  	v0 =	vld.msk [tilespmem:s4+$0x0], $0x1;
	s2 =	sadd.s32 $0xFFFFFFFF, s2;
	s3 =	sadd.s32 s3, s5  }
0x18a: {  	p0 =	sne.s32 s2, $0x0;
	_ =	sdelay $0x3  }
0x18b: {  	(v2sf) =	vpush v0, $0x0;
	_ =	sdelay $0xe  }
.Ltmp22:
0x18c: {  	s6 =	spop (v2sf);
	(pc) =	sbr.rel @p0 .LBB3_22-.Ltmp22, $4  }
0x18d: {  	s5 =	simm.s32 $0x0;
	p1 =	sgt.u32 s6, $0x3FFF  }
0x18e: {  	s0 =	sadd.s32 $0x1, s0;
	s5 =	simm.s32 @!p1 $0x4;
	s7 =	sshrl.u32 @!p1 s6, $0x3  }
0x18f: {  	s4 =	sadd.s32 $0x1, s4;
	s6 =	sand.u32 @!p1 $0x7, s6;
	s7 =	sadd.s32 @!p1 s1, s7  }
0x190: {  	[hbm4b:s7+s6] =	stream.linear.scatter @!p1 [tilespmem:s0], [sflag:$0x5], $0x1, $0x38;
	[tilespmem:$0x10F20] =	vst v63  }
.LBB3_23:
0x191: {  	s0 =	sadd.s32 s3, s5  }
0x192: {  	s3 =	sshrl.u32 s0, $0x2  }
.LBB3_24:
0x193: {  	s0 =	simm.s32 $0x5  }
0x194: {  	_ =	swait.ge [sflag:s0], s3  }
0x195: {  	s1 =	ssub.s32 $0x0, s3;
	[sflag:s0] =	ssyncset.done $0x0  }
0x196: {  	[sflag:s0] =	ssyncadd.s32 s1  }
0x197: {  	[sflag:s0] =	ssyncpa.u1 $0x1  }
0x198: {  	s29 =	simm.s32 $0x1;
	_ =	sfence  }
0x199: {  	s30 =	simm.s32 $0x2;
	[sflag:s29] =	ssyncpa.u1 $0x1  }
0x19a: {  	[sflag:s30] =	ssyncpa.u1 $0x1  }
0x19b: {  	_ =	strace $0x90000053  }
0x19c: {  	[bflag:$0x2] =	sbarrier.arrive $0xFFFF  }
0x19d: {  	s31 =	rddreg [dreg:$0x1]  }
0x19e: {  	s0 =	sadd.s32 $0x100000, s31  }
0x19f: {  	[sflag:s0] =	ssyncadd.tile.s32 $0x1;
	_ =	shalt  }
.Lfunc_end3:
_tile_overlayer_lowered:
.L_overlay_start_3:
0x1a0: {  	(tag) =	ssettag $0x3  }
0x1a1: {  	s0 =	rddreg [dreg:$0x0];
	s2 =	stileid.u32  }
0x1a2: {  	s1 =	rddreg [dreg:$0x1];
	p0 =	sne.s32 s2, $0x0  }
0x1a3: {  	s3 =	rddreg [dreg:$0x2];
	[bflag:$0x3] =	sbarrier.arrive $0xFFFF;
	s2 =	simm.s32 @!p0 $0x1C01  }
0x1a4: {  	[timem:s3], [sflag:s2] =	dma.local @!p0 [hbm:s0], s1  }
0x1a5: {  	s0 =	simm.s32 @!p0 $0x1  }
0x1a6: {  	_ =	swait.ge @!p0 [sflag:s0], s1  }
0x1a7: {  	s1 =	ssub.s32 @!p0 $0x0, s1;
	[sflag:s0] =	ssyncset.done @!p0 $0x0  }
0x1a8: {  	[sflag:s0] =	ssyncadd.s32 @!p0 s1  }
0x1a9: {  	[bflag:$0x3] =	sbarrier.arrive $0xFFFF  }
0x1aa: {  	_ =	shalt  }

// kernel: scatter_offload_async_start.2
scs
__scs_entry_jumppad:
0x0: {  	(pc) =	sbr.rel $0x88, $3  }
0x1: {  	(tag) =	ssettag $0x0;
	lr =	simm.s32 $0x1  }
0x2: {  	[smem:$0x3F80] =	sst lr;
	_ =	strace $0xD0000000  }
0x3: {  	_ = 	snop  }
0x4: {  	_ = 	snop  }
0x5: {  	_ = 	snop  }
0x6: {  	_ = 	snop  }
0x7: {  	_ = 	snop  }
__scs_overlays_trampoline_lowered:
0x8: {  	[smem:$0x3F8F] =	sst s0  }
0x9: {  	[smem:$0x3F90] =	sst s1  }
0xa: {  	[smem:$0x3F91] =	sst s2  }
0xb: {  	[smem:$0x3F92] =	sst s3  }
0xc: {  	[smem:$0x3F93] =	sst s4  }
0xd: {  	[smem:$0x3F94] =	sst s5  }
0xe: {  	[smem:$0x3F95] =	sst s6  }
0xf: {  	[smem:$0x3F96] =	sst s7  }
0x10: {  	[smem:$0x3F97] =	sst s8  }
0x11: {  	[smem:$0x3F98] =	sst s9;
	s0 =	simm.s32 @!p0 $0x0  }
0x12: {  	s1 =	sld [smem:$0x3F7E];
	s0 =	simm.s32 @p0 $0x1  }
0x13: {  	[smem:$0x3F99] =	sst s0;
	s0 =	simm.s32 @!p1 $0x0  }
0x14: {  	s2 =	sld [smem:$0x3F7D];
	s0 =	simm.s32 @p1 $0x1  }
0x15: {  	[smem:$0x3F9A] =	sst s0;
	s0 =	simm.s32 @!p2 $0x0  }
0x16: {  	s3 =	sld [smem:$0x3FDB];
	s0 =	simm.s32 @p2 $0x1  }
0x17: {  	s4 =	simm.s32 $0x1BF5;
	[smem:$0x3F9C] =	sst s0  }
0x18: {  	s0 =	sld [smem:$0x3F7F];
	_ =	swait.ge [sflag:s4], $0x0  }
0x19: {  	s7 =	sld [smem:$0x3F80]  }
0x1a: {  	s8 =	sadd.s32 $0xFFFFE003, lr  }
0x1b: {  	s9 =	sadd.s32 $0xFFFFFEF7, lr;
	s5 =	simm.s32 $0xFFFFFFFF;
	p2 =	slt.u32 s8, $0xFFFFF086  }
0x1c: {  	p1 =	slt.u32 s9, $0xF7A;
	s5 =	simm.s32 @!p2 $0x0  }
0x1d: {  	s5 =	simm.s32 @p1 $0x1;
	p0 =	seq.s32 s7, s2  }
0x1e: {  	s7 =	smul.u32 @!p0 $0xF7A, s2;
	p2 =	seq.s32 @!p0 s5, $0x0  }
0x1f: {  	s9 =	smul.u32 $0xF7A, s1;
	s8 =	simm.s32 @!p0 $0x1BF5;
	p2 =	por !p2, p0  }
0x20: {  	[sflag:s8] =	ssyncset.s32 @!p0 $0xFFFFF086;
	s6 =	sadd.s32 @!p0 s3, s7;
	s7 =	simm.s32 @!p0 $0x108  }
0x21: {  	s3 =	sadd.s32 s3, s9;
	s6 =	sadd.s32 @!p0 $0x88, s6;
	s7 =	simm.s32 @p2 $0x1082  }
0x22: {  	[simem:s7], [sflag:s8] =	dma.local @!p0 [hbm:s6], $0xF7A  }
0x23: {  	s9 =	sor.u32 $0xD0000000, s2;
	s6 =	simm.s32 $0x108;
	_ =	swait.ge @!p0 [sflag:s8], $0x0  }
0x24: {  	s3 =	sadd.s32 $0x88, s3;
	s6 =	simm.s32 @!p1 $0x1082;
	[sflag:s4] =	ssyncset.s32 $0xFFFFF086  }
0x25: {  	[simem:s6], [sflag:s4] =	dma.local [hbm:s3], $0xF7A  }
0x26: {  	[smem:$0x3F80] =	sst s1;
	(tag) =	ssettag s2;
	_ =	strace s9  }
0x27: {  	s1 =	sld [smem:$0x3F90]  }
0x28: {  	s2 =	sld [smem:$0x3F91]  }
0x29: {  	s4 =	sld [smem:$0x3F93]  }
0x2a: {  	p0 =	seq.s32 s5, $0x0;
	s5 =	sld [smem:$0x3F94]  }
0x2b: {  	s6 =	sld [smem:$0x3F95]  }
0x2c: {  	s7 =	sld [smem:$0x3F96]  }
0x2d: {  	s3 =	simm.s32 $0x108;
	s8 =	sld [smem:$0x3F97]  }
0x2e: {  	s3 =	simm.s32 @!p0 $0x1082;
	s9 =	sld [smem:$0x3F98]  }
0x2f: {  	lr =	sadd.s32 s0, s3;
	s0 =	sld [smem:$0x3F8F]  }
0x30: {  	s3 =	sld [smem:$0x3F92]  }
0x31: {  	[smem:$0x3F9B] =	sst s10  }
0x32: {  	s10 =	sld [smem:$0x3F99];
	_ =	sdelay $0x3  }
0x33: {  	p0 =	seq.s32 s10, $0x1;
	s10 =	sld [smem:$0x3F9B];
	_ =	sdelay $0x3  }
0x34: {  	[smem:$0x3F9B] =	sst s10  }
0x35: {  	s10 =	sld [smem:$0x3F9A];
	_ =	sdelay $0x3  }
0x36: {  	p1 =	seq.s32 s10, $0x1;
	s10 =	sld [smem:$0x3F9B];
	_ =	sdelay $0x3  }
0x37: {  	[smem:$0x3F9B] =	sst s10  }
0x38: {  	s10 =	sld [smem:$0x3F9C]  }
0x39: {  	_ = 	snop;
	(pc) =	sbr.ind lr, $3  }
0x3a: {  	_ = 	snop  }
0x3b: {  	_ = 	snop  }
0x3c: {  	p2 =	seq.s32 s10, $0x1;
	s10 =	sld [smem:$0x3F9B]  }
0x3d: {  	_ =	shalt  }
0x3e: {  	_ =	shalt  }
0x3f: {  	_ =	shalt  }
0x40: {  	_ =	shalt  }
0x41: {  	_ =	shalt  }
0x42: {  	_ =	shalt  }
0x43: {  	_ =	shalt  }
0x44: {  	_ =	shalt  }
0x45: {  	_ =	shalt  }
0x46: {  	_ =	shalt  }
0x47: {  	_ =	shalt  }
0x48: {  	_ =	shalt  }
0x49: {  	_ =	shalt  }
0x4a: {  	_ =	shalt  }
0x4b: {  	_ =	shalt  }
0x4c: {  	_ =	shalt  }
0x4d: {  	_ =	shalt  }
0x4e: {  	_ =	shalt  }
0x4f: {  	_ =	shalt  }
0x50: {  	_ =	shalt  }
0x51: {  	_ =	shalt  }
0x52: {  	_ =	shalt  }
0x53: {  	_ =	shalt  }
0x54: {  	_ =	shalt  }
0x55: {  	_ =	shalt  }
0x56: {  	_ =	shalt  }
0x57: {  	_ =	shalt  }
0x58: {  	_ =	shalt  }
0x59: {  	_ =	shalt  }
0x5a: {  	_ =	shalt  }
0x5b: {  	_ =	shalt  }
0x5c: {  	_ =	shalt  }
0x5d: {  	_ =	shalt  }
0x5e: {  	_ =	shalt  }
0x5f: {  	_ =	shalt  }
0x60: {  	_ =	shalt  }
0x61: {  	_ =	shalt  }
0x62: {  	_ =	shalt  }
0x63: {  	_ =	shalt  }
0x64: {  	_ =	shalt  }
0x65: {  	_ =	shalt  }
0x66: {  	_ =	shalt  }
0x67: {  	_ =	shalt  }
0x68: {  	_ =	shalt  }
0x69: {  	_ =	shalt  }
0x6a: {  	_ =	shalt  }
0x6b: {  	_ =	shalt  }
0x6c: {  	_ =	shalt  }
0x6d: {  	_ =	shalt  }
0x6e: {  	_ =	shalt  }
0x6f: {  	_ =	shalt  }
0x70: {  	_ =	shalt  }
0x71: {  	_ =	shalt  }
0x72: {  	_ =	shalt  }
0x73: {  	_ =	shalt  }
0x74: {  	_ =	shalt  }
0x75: {  	_ =	shalt  }
0x76: {  	_ =	shalt  }
0x77: {  	_ =	shalt  }
0x78: {  	_ =	shalt  }
0x79: {  	_ =	shalt  }
0x7a: {  	_ =	shalt  }
0x7b: {  	_ =	shalt  }
0x7c: {  	_ =	shalt  }
0x7d: {  	_ =	shalt  }
0x7e: {  	_ =	shalt  }
0x7f: {  	_ =	shalt  }
0x80: {  	_ =	shalt  }
0x81: {  	_ =	shalt  }
0x82: {  	_ =	shalt  }
0x83: {  	_ =	shalt  }
0x84: {  	_ =	shalt  }
0x85: {  	_ =	shalt  }
0x86: {  	_ =	shalt  }
0x87: {  	_ =	shalt  }
.Lfunc_end0:
.L_simem_size_0:
called_computation.2_lowered:
.L_overlay_start_0:
0x88: {  	s0 =	sld [smem:$0x3FD9]  }
0x89: {  	s1 =	sld [smem:$0x3FFE];
	_ =	sdelay $0x3  }
0x8a: {  	s0 =	sadd.s32 s1, s0  }
0x8b: {  	[smem:$0x3FA7] =	sst s0  }
0x8c: {  	_ = 	snop  }
0x8d: {  	(tm) =	ssettm $0x1  }
0x8e: {  	s15 =	sld [smem:$0x3FFB];
	_ =	sdelay $0x3  }
0x8f: {  	_ =	strace s15  }
0x90: {  	s0 =	sld [smem:$0x3FFC];
	_ =	sdelay $0x3  }
0x91: {  	_ =	strace s0  }
0x92: {  	s0 =	sld [smem:$0x3FFD];
	_ =	sdelay $0x3  }
0x93: {  	_ =	strace s0  }
0x94: {  	_ =	strace $0x8FFFFFFF  }
0x95: {  	s16 =	sld [smem:$0x3FDB];
	_ =	sdelay $0x1  }
0x96: {  	s17 =	simm.s32 $_scs_section_size  }
0x97: {  	s2 =	simm.s32 $_size__tile_overlayer_lowered;
	s3 =	simm.s32 $_tile_overlayer_lowered  }
0x98: {  	s20 =	simm.s32 $0x1BFF;
	s19 =	sshll.u32 s3, $0x1;
	s0 =	sadd.s32 s17, s16  }
0x99: {  	s4 =	simm.s32 $0x0;
	s18 =	sshll.u32 s2, $0x1;
	s2 =	sadd.s32 s19, s0  }
0x9a: {  	[timem:s4], [sflag:s20] =	dma.local [hbm:s2], s18  }
0x9b: {  	_ =	swait.ge [sflag:s20], s18  }
0x9c: {  	s1 =	ssub.s32 $0x0, s18;
	[sflag:s20] =	ssyncset.done $0x0  }
0x9d: {  	[sflag:s20] =	ssyncadd.s32 s1;
	_ =	sdelay $0x1  }
0x9e: {  	s21 =	simm.s32 $0x1B8B  }
0x9f: {  	_ =	swait.ge [sflag:s21], $0x1  }
0xa0: {  	[sflag:s21] =	ssyncset.done $0x0  }
0xa1: {  	s23 =	simm.s32 $0x1B8E;
	s22 =	sld [smem:$0x3FFE];
	[sflag:s21] =	ssyncadd.s32 $0xFFFFFFFF  }
0xa2: {  	s24 =	simm.s32 $execute0_lowered;
	[smem:$0x3FD2] =	sst s23  }
0xa3: {  	s2 =	sshll.u32 s24, $0x1;
	_ =	strace $0x8000004C;
	[dreg:$0x1] =	wrdreg $0xFFFFFFFF  }
0xa4: {  	s25 =	simm.s32 $_size_execute0_lowered;
	s0 =	sadd.s32 s0, s2;
	[dreg:$0x0] =	wrdreg $0x0  }
0xa5: {  	s2 =	sshll.u32 s25, $0x1;
	[dreg:$0x2] =	wrdreg s0  }
0xa6: {  	[dreg:$0x3] =	wrdreg s2  }
0xa7: {  	[dreg:$0x4] =	wrdreg $0xC0  }
0xa8: {  	_ =	task [dreg:s4], $0x5FFFF  }
0xa9: {  	[dreg:$0x1] =	wrdreg $0xFFFFFFFF  }
0xaa: {  	[dreg:$0x0] =	wrdreg $0x60  }
0xab: {  	[dreg:$0x2] =	wrdreg s22  }
0xac: {  	[dreg:$0x3] =	wrdreg $0x9  }
0xad: {  	_ =	task.clear_ibuf [dreg:s4], $0x4FFFF;
	_ =	strace $0x9000004C  }
0xae: {  	s26 =	simm.s32 $0x9;
	_ =	strace $0x8000004E  }
0xaf: {  	_ =	swait.ge [sflag:s26], $0x1  }
0xb0: {  	[sflag:s26] =	ssyncadd.s32 $0xFFFFFFFF  }
0xb1: {  	_ =	strace $0x9000004E  }
0xb2: {  	_ =	sfence  }
0xb3: {  	s28 =	sld [smem:$0x0];
	_ =	sdelay $0x1  }
0xb4: {  	s29 =	srdreg.scid  }
0xb5: {  	s30 =	sshll.u32 s29, $0xD;
	s31 =	sshrl.u32 s29, $0x2  }
0xb6: {  	s1 =	sand.u32 $0x1, s29;
	s2 =	sand.u32 $0x4000, s30;
	s0 =	sadd.s32 s31, s28  }
0xb7: {  	s1 =	sor.u32 s2, s1;
	s0 =	sshll.u32 s0, $0x11  }
0xb8: {  	s0 =	sor.u32 s0, s1  }
0xb9: {  	s0 =	sadd.s32 $0x8F2B, s0  }
0xba: {  	[sflag:s0] =	ssyncadd.remote.s32 $0x1  }
0xbb: {  	_ =	sfence.sel $0xFFFF  }
0xbc: {  	[dreg:$0x0] =	wrdreg $0xFFFFFFFF;
	(pc) =	sbr.abs _section_cstart, $3  }
0xbd: {  	[dreg:$0x1] =	wrdreg $0xFFFFFFFF  }
0xbe: {  	_ =	task.clear_ibuf [dreg:s4], $0x2FFFF;
	_ =	strace $0x9FFFFFFF  }
0xbf: {  	(tm) =	ssettm $0x7FFFFFFF  }
tec
execute0_lowered:
.L_overlay_start_1:
0x0: {  	(tag) =	ssettag $0x1  }
0x1: {  	s0 =	rddreg [dreg:$0x0];
	_ =	strace $0x8000004D;
	s15 =	stileid.u32  }
0x2: {  	s2 =	simm.s32 $0x1;
	s1 =	smin.u32 s15, $0x8;
	s3 =	sshll.u32 s15, $0x1  }
0x3: {  	[sflag:s2] =	ssyncpa.u1 $0x0;
	s1 =	sadd.s32 s1, s3  }
0x4: {  	v1 =	vimm.s32 $0xFFFFFFFF;
	p0 =	slt.u32 s15, $0x8;
	s4 =	smul.u32 $0x1E00, s1;
	s1 =	simm.s32 $0x5A00  }
0x5: {  	[tilespmem:$0x10] =	vst v1;
	s1 =	simm.s32 @!p0 $0x3C00  }
0x6: {  	v0 =	vimm.f32 $-Inf;
	[tilespmem:$0x20] =	vst v1;
	s1 =	sadd.s32 s1, s4  }
0x7: {  	[tilespmem:$0x30] =	vst v0;
	s5 =	smin.u32 s1, $0x4B000  }
0x8: {  	s7 =	simm.s32 $0x2;
	[tilespmem:$0x40] =	vst v0;
	s9 =	ssub.s32 s5, s4  }
0x9: {  	s8 =	simm.s32 $0x8;
	s30 =	simm.s32 $0x9;
	[tilespmem:$0x50] =	vst v0;
	p0 =	sgt.s32 s9, $0x0  }
0xa: {  	s16 =	simm.s32 $0x0;
	s17 =	simm.s32 $0xF0;
	[tilespmem:$0x60] =	vst v1;
	s9 =	simm.s32 @!p0 $0x0  }
0xb: {  	s18 =	simm.s32 $0xFFFFFFFF;
	s19 =	simm.s32 $0xFFFFC500;
	[tilespmem:$0x70] =	vst v1;
	s29 =	smulhi.u32 $0x88888889, s9  }
0xc: {  	s20 =	simm.s32 $0xFFFFFFFE;
	s21 =	simm.s32 $0xF;
	s25 =	simm.s32 $0x0;
	[tilespmem:$0x80] =	vst v1  }
0xd: {  	s24 =	simm.s32 $0x0;
	s6 =	sadd.s32 $0x4B5E00, s0;
	v1 =	vimm.s32 $0x0;
	[tilespmem:$0xB0] =	vst v0;
	s10 =	sshrl.u32 s29, $0xC  }
0xe: {  	s15 =	sshllo.u32 s15, $0x1;
	s13 =	sor.u32 $0x80, s3;
	[tilespmem:$0x90] =	vst v1;
	s11 =	smul.u32 $0x1E00, s10  }
0xf: {  	s14 =	sor.u32 $0x81, s3;
	[tilespmem:$0xA0] =	vst v1;
	[sflag:s7] =	ssyncpa.u1 $0x0;
	s7 =	simm.s32 $0x7  }
.Ltmp0:
0x10: {  	[sflag:s7] =	ssyncpa.u1 $0x0;
	p0 =	sne.s32 s9, s11;
	(pc) =	sbr.rel .LBB2_1-.Ltmp0, $4  }
0x11: {  	[sflag:s8] =	ssyncpa.u1 $0x0;
	s23 =	smov.u32 s4;
	s2 =	simm.s32 @!p0 $0x0  }
0x12: {  	s1 =	sadd.s32 $0x4F7800, s0;
	s0 =	sadd.s32 $0x5E00, s0;
	s10 =	sadd.s32 s2, s10  }
0x13: {  	vm0 =	vmmov $0xffff;
	v2 =	vlaneseq.u32;
	vm1 =	vmxor vm1, vm1;
	[sflag:s30] =	ssyncpa.u1 $0x0;
	[dreg:$0x2] =	wrdreg s0;
	s31 =	sadd.s32 $0x1, s10  }
0x14: {  	vm2 =	vmmov $0x1;
	v3 =	vimm.f32 $0.0e+00;
	vm3 =	vcmask $0x3F3C;
	p0 =	por $0x0, $0x0;
	s12 =	sadd.s32 $0x2, s10;
	[dreg:$0x3] =	wrdreg s31  }
.LBB2_9:
0x15: {  	p1 =	slt.u32 s24, $0x3  }
0x16: {  	s0 =	simm.s32 @!p1 $0x2  }
0x17: {  	_ =	swait.ge @!p1 [sflag:s0], $0x1E00  }
0x18: {  	[sflag:s0] =	ssyncset.done @!p1 $0x0  }
0x19: {  	[sflag:s0] =	ssyncadd.s32 @!p1 $0xFFFFE200;
	s0 =	simm.s32 @!p1 $0x9  }
0x1a: {  	_ =	swait.ge @!p1 [sflag:s0], $0x10  }
0x1b: {  	[sflag:s0] =	ssyncset.done @!p1 $0x0  }
0x1c: {  	[sflag:s0] =	ssyncadd.s32 @!p1 $0xFFFFFFF0;
	p1 =	sne.s32 s24, s12  }
.Ltmp1:
0x1d: {  	s2 =	sadd.s32 $0x1E00, s23;
	(pc) =	sbr.rel @!p1 .LBB2_10-.Ltmp1, $4  }
0x1e: {  	s9 =	smov.u32 s4;
	s31 =	sadd.s32 $0x1, s24;
	s17 =	sadd.s32 $0x1E00, s17  }
0x1f: {  	s18 =	sadd.s32 $0x1, s18;
	s25 =	smov.u32 s23;
	p2 =	slt.s32 s2, s5  }
0x20: {  	p0 =	por !p0, !p0;
	s19 =	sadd.s32 $0x1E00, s19;
	s9 =	smov.u32 @p2 s2  }
0x21: {  	s20 =	sadd.s32 $0x1, s20;
	s23 =	smov.u32 s9;
	s24 =	smov.u32 s31  }
.LBB2_1:
0x22: {  	p1 =	sge.u32 s24, s10  }
0x23: {  	s0 =	smulhi.u32 @!p1 $0xAAAAAAAB, s24;
	_ =	sdelay $0x1  }
0x24: {  	s0 =	sshrl.u32 @!p1 s0, $0x1  }
0x25: {  	s0 =	smul.u32 @!p1 $0x3, s0;
	_ =	sdelay $0x1  }
0x26: {  	s0 =	ssub.s32 @!p1 s24, s0  }
0x27: {  	s0 =	smul.u32 @!p1 $0x7800, s0;
	_ =	sdelay $0x1  }
0x28: {  	s2 =	sshrl.u32 @!p1 s23, $0x3;
	s0 =	sshrl.u32 @!p1 s0, $0x2  }
0x29: {  	s9 =	sand.u32 @!p1 $0x7, s23;
	s2 =	sadd.s32 @!p1 s6, s2;
	s0 =	sor.u32 @!p1 $0x100, s0  }
0x2a: {  	[tilespmem:s0], [sflag:$0x7] =	stream.linear.gather @!p1 [hbm4b:s2+s9], $0x1E00, $0x38;
	[tilespmem:$0x10F20] =	vst v63  }
0x2b: {  	s0 =	sadd.s32 $0xFFFFFFFF, s24  }
0x2c: {  	p1 =	sge.u32 s0, s10  }
.Ltmp2:
0x2d: {  	_ = 	snop;
	(pc) =	sbr.rel @p1 .LBB2_5-.Ltmp2, $1  }
0x2e: {  	_ =	sdelay $0x3  }
0x2f: {  	s2 =	smulhi.u32 $0xAAAAAAAB, s0;
	_ =	sdelay $0x1  }
0x30: {  	s2 =	sshrl.u32 s2, $0x1  }
0x31: {  	s2 =	smul.u32 $0x3, s2;
	_ =	sdelay $0x1  }
0x32: {  	s2 =	ssub.s32 s0, s2  }
0x33: {  	s2 =	smul.u32 $0x7800, s2;
	_ =	sdelay $0x1  }
0x34: {  	_ =	swait.ge [sflag:s7], $0x1E00;
	s2 =	sshrl.u32 s2, $0x2  }
0x35: {  	[sflag:s7] =	ssyncset.done $0x0;
	s2 =	sor.u32 $0x100, s2  }
0x36: {  	[sflag:s7] =	ssyncadd.s32 $0xFFFFE200;
	(ifvalue) =	ssetifvalue $0xFFFFFFFF;
	v4 =	vld.msk [tilespmem:s2+$0x0 ss:$0x1], $0xffff;
	_ =	sdelay $0x2  }
0x37: {  	s29 =	smulhi.u32 $0xAAAAAAAB, s18;
	p1 =	sne.s32 s24, $0x1  }
0x38: {  	v5 =	vimm.s32 @!p1 $0x0  }
0x39: {  	s2 =	sshrl.u32 s29, $0x1;
	v5 =	vperm.xlane @!p1 v4, v5  }
0x3a: {  	s9 =	sshll.u32 s24, $0x4;
	s2 =	smul.u32 $0xFFFE9800, s2;
	vm4 =	vlt.u32 v4, $0x4000  }
0x3b: {  	s9 =	sand.u32 $0x10, s9;
	v4 =	vnsel vm4, $0xFFFFFFFE, v4;
	vm4 =	vlt.u32 @!p1 v5, $0x4000  }
0x3c: {  	s2 =	sshra.s32 s2, $0x2;
	[tilespmem:s9+$0x60] =	vst v4;
	v4 =	vnsel @!p1 vm4, $0xFFFFFFFE, v5  }
0x3d: {  	s30 =	sadd.s32 s2, s17;
	[tilespmem:$0x80] =	vst @!p1 v4  }
0x3e: {  	v4 =	vld.msk [tilespmem:s30+$0x0 ss:$0x1], $0xffff;
	_ =	sdelay $0x4  }
0x3f: {  	(xrf1) =	vunique.msk.u32 $0xffff, v4;
	_ =	sdelay $0xd  }
0x40: {  	v5 =	vimm.s32 $0xFFFFFFFF;
	v6, _, _ =	vpop (xrf1)  }
0x41: {  	vm5 =	vne.s32 v4, v5;
	vm4 =	veq.s32 v6, v2  }
0x42: {  	vm6 =	vlt.u32 v4, $0x4000;
	vm4 =	vmand vm5, vm4  }
0x43: {  	vm4 =	vmand vm6, vm4  }
0x44: {  	v5 =	vnsel vm4, $0xFFFFFFFF, v4  }
0x45: {  	s31 =	sand.u32 $0x1, s0  }
0x46: {  	s26 =	simm.s32 $0x1E00;
	p1 =	seq.s32 s31, $0x1  }
0x47: {  	s26 =	simm.s32 @!p1 $0x0  }
0x48: {  	s28 =	sadd.s32 $0x78F0, s26;
	(ifvalue) =	ssetifvalue $0xFFFFFFFF  }
0x49: {  	v4 =	vperm.xlane v4, v1;
	[tilespmem:s28], [sflag:$0x8] =	stream.indirect_vreg.gather [hbm4b:s1+s16], $0x1, v5, vm0, $0x4038;
	v5 =	vnsel vm6, $0xFFFFFFFE, v5;
	[tilespmem:$0x10F20] =	vst v63  }
0x4a: {  	s0 =	simm.s32 $0x0;
	s2 =	sadd.s32 $0xFFFFFFF0, s30;
	[tilespmem:s30+$0x0] =	vst v5  }
.LBB2_3:
0x4b: {  	v5 =	vld.msk [tilespmem:s2+$0x0 ss:$0x1], $0xffff;
	s0 =	sadd.s32 $0x10, s0;
	v6 =	vmov v4;
	s9 =	smov.u32 s2  }
0x4c: {  	p1 =	slt.u32 s0, $0x1DF0;
	_ =	sdelay $0x4  }
0x4d: {  	v4 =	vperm.xlane v5, v1;
	(xrf1) =	vunique.msk.u32 $0xffff, v5;
	_ =	sdelay $0xd  }
0x4e: {  	v7, _, _ =	vpop (xrf1)  }
0x4f: {  	vm5 =	vne.s32 v5, v6;
	vm4 =	veq.s32 v7, v2  }
0x50: {  	vm6 =	vlt.u32 v5, $0x4000;
	vm4 =	vmand vm5, vm4  }
0x51: {  	vm4 =	vmand vm6, vm4  }
0x52: {  	v5 =	vnsel vm4, $0xFFFFFFFF, v5  }
.Ltmp3:
0x53: {  	v6 =	vnsel vm6, $0xFFFFFFFE, v5;
	(pc) =	sbr.rel @p1 .LBB2_3-.Ltmp3, $3  }
0x54: {  	_ =	sdelay $0x1  }
0x55: {  	s2 =	sadd.s32 $0xFFFFFFF0, s2;
	s28 =	sadd.s32 $0xFFFFFFF0, s28;
	(ifvalue) =	ssetifvalue $0xFFFFFFFF  }
0x56: {  	[tilespmem:s28], [sflag:$0x8] =	stream.indirect_vreg.gather [hbm4b:s1+s16], $0x1, v5, vm0, $0x4038;
	[tilespmem:s9+$0x0] =	vst v6  }
0x57: {  	s0 =	sshrl.u32 s25, $0x3;
	s2 =	rddreg [dreg:$0x2]  }
0x58: {  	s31 =	sadd.s32 $0x9700, s26;
	s0 =	sadd.s32 s2, s0  }
0x59: {  	[tilespmem:s31], [sflag:$0x8] =	stream.linear.gather [hbm:s0], $0x1E00, $0x38;
	[tilespmem:$0x10F20] =	vst v63  }
.LBB2_5:
0x5a: {  	p1 =	slt.u32 s24, $0x2  }
0x5b: {  	p2 =	sge.u32 @!p1 s24, s12  }
0x5c: {  	p1 =	por p1, p2  }
.Ltmp4:
0x5d: {  	_ = 	snop;
	(pc) =	sbr.rel @p1 .LBB2_9-.Ltmp4, $1  }
0x5e: {  	_ =	sdelay $0x3  }
0x5f: {  	s0 =	sadd.s32 $0xFFFFFFFE, s24  }
0x60: {  	s2 =	smulhi.u32 $0xAAAAAAAB, s0;
	_ =	sdelay $0x1  }
0x61: {  	s2 =	sshrl.u32 s2, $0x1  }
0x62: {  	s2 =	smul.u32 $0x3, s2;
	_ =	sdelay $0x1  }
0x63: {  	_ =	swait.ge [sflag:s8], $0x3C00;
	s0 =	ssub.s32 s0, s2  }
0x64: {  	s9 =	rddreg [dreg:$0x3];
	s0 =	smul.u32 $0x1E00, s0  }
0x65: {  	[sflag:s8] =	ssyncset.done $0x0;
	p1 =	sne.s32 s24, s9  }
0x66: {  	[sflag:s8] =	ssyncadd.s32 $0xFFFFC400;
	s2 =	sadd.s32 @!p1 $0x1EFF, s0  }
0x67: {  	[spmem:s14] =	stream.linear.scatter @!p1 [tilespmem:s2], [sflag:$0x1], $0x1, $0x38;
	[tilespmem:$0x10F20] =	vst v63  }
0x68: {  	s2 =	simm.s32 @!p1 $0x1  }
0x69: {  	_ =	swait.ge @!p1 [sflag:s2], $0x1  }
0x6a: {  	s9 =	sshll.u32 s24, $0x4;
	[sflag:s2] =	ssyncset.done @!p1 $0x0  }
0x6b: {  	s25 =	sand.u32 $0x10, s9;
	[sflag:s2] =	ssyncadd.s32 @!p1 $0xFFFFFFFF  }
0x6c: {  	s2 =	sxor.u32 $0x10, s25;
	v5 =	vld [tilespmem:s25+$0x10]  }
0x6d: {  	v6 =	vld [tilespmem:s2+$0x60]  }
0x6e: {  	v4 =	vld [tilespmem:$0x80];
	_ =	sdelay $0x2  }
0x6f: {  	(v2sf) =	vpush v5, $0x0  }
0x70: {  	(v2sf) =	vpush v6, $0x0  }
0x71: {  	(v2sf) =	vpush v4, $0x0;
	_ =	sdelay $0xc  }
0x72: {  	s11 =	spop (v2sf)  }
0x73: {  	s22 =	spop (v2sf)  }
0x74: {  	s28 =	spop (v2sf)  }
0x75: {  	p2 =	seq.s32 s11, s22;
	p3 =	seq.s32 s28, s11  }
0x76: {  	p3 =	por p2, p3  }
0x77: {  	s26 =	sand.u32 $0x1, s24;
	v5 =	vpsel p3, $0xFFFFFFFF, v5  }
0x78: {  	s29 =	smul.u32 $0x1E00, s26;
	[tilespmem:s25+$0x10] =	vst.msk $0x1, v5  }
0x79: {  	v5 =	vld [tilespmem:$0x30]  }
0x7a: {  	v6 =	vld [tilespmem:s29+$0x9700]  }
0x7b: {  	v7 =	vld [tilespmem:s25+$0x40];
	_ =	sdelay $0x2  }
0x7c: {  	vm4 =	vmmov vm1  }
0x7d: {  	vm5 =	vmmov vm2;
	s9 =	sshll.u32 s26, $0x4;
	vm4 =	vmmov @p2 vm2;
	v6 =	vmax.f32 v5, v6  }
0x7e: {  	s26 =	sor.u32 $0x10F00, s9;
	vm5 =	vmmov @p3 vm1;
	v5 =	vmax.f32 v5, v7;
	[tilespmem:s29+$0x9700] =	vst.msk vm4, v6  }
0x7f: {  	[tilespmem:s26+$0x0] =	vst.msk vm5, v5  }
0x80: {  	v5 =	vld [tilespmem:s29+$0x78F0];
	_ =	sdelay $0x4  }
0x81: {  	v5 =	vshift.insert v5, v3, s21  }
0x82: {  	s11 =	sor.u32 $0x40, s2  }
0x83: {  	v6 =	vimm.f32 $-Inf;
	[tilespmem:s11+$0x0] =	vst.msk $0x1, v5  }
0x84: {  	[tilespmem:s29+$0x78FF] =	vst.msk $0x1, v6  }
0x85: {  	v5 =	vld [tilespmem:s0+$0x1EF0]  }
0x86: {  	s22 =	smulhi.u32 $0xAAAAAAAB, s20;
	_ =	sdelay $0x1  }
0x87: {  	s9 =	simm.s32 $0x1;
	s0 =	sshrl.u32 s22, $0x1  }
0x88: {  	s9 =	simm.s32 @!p0 $0x0;
	s0 =	smul.u32 $0xFFFE9800, s0  }
0x89: {  	s9 =	smul.u32 $0x7800, s9;
	v5 =	vshift.insert v5, v1, s21  }
0x8a: {  	s0 =	sshra.s32 s0, $0x2  }
0x8b: {  	s9 =	sshrl.u32 s9, $0x2;
	s22 =	sadd.s32 s0, s19;
	[tilespmem:s2+$0x10] =	vst.msk $0x1, v5  }
0x8c: {  	s2 =	sadd.s32 $0x9700, s9;
	v7 =	vld [tilespmem:s22+$0x0]  }
0x8d: {  	v8 =	vld [tilespmem:s2+$0x0];
	_ =	sdelay $0x4  }
0x8e: {  	vm4 =	vne.s32 v7, $0xFFFFFFFF;
	v6 =	vmax.f32 v8, v6  }
0x8f: {  	(xrf0) =	vmax.seg.scan.f32 vm4, v6  }
0x90: {  	s11 =	sadd.s32 $0x5B00, s9;
	v8 =	vld [tilespmem:$0xA0]  }
0x91: {  	v9 =	vld [tilespmem:s11+$0x0];
	_ =	sdelay $0x1  }
0x92: {  	v6 =	vperm.xlane v5, v1;
	_ =	sdelay $0x1  }
0x93: {  	vm6 =	veq.s32 v7, v4;
	vm7 =	veq.s32 v7, v6;
	vm5 =	veq.s32 v8, $0x1;
	v8, _, _ =	vpop (xrf0)  }
0x94: {  	vm8 =	vgt.u32 v7, $0xFFFFFFFD;
	vm7 =	vmor vm7, vm6;
	v9 =	vmax.f32 v8, v9  }
0x95: {  	s30 =	sadd.s32 $0xD300, s9;
	v10 =	vld [tilespmem:$0x90];
	vm7 =	vmor vm7, vm8;
	v9 =	vsel vm6, v8, v9  }
0x96: {  	[tilespmem:s30+$0x0] =	vst v9;
	v9 =	vsel vm7, $0xFFFFFFFF, v7;
	_ =	sdelay $0x1  }
0x97: {  	vm9 =	vmand vm4, vm3  }
0x98: {  	s31 =	simm.s32 $0x0;
	s9 =	sadd.s32 $0x10, s11;
	s0 =	sadd.s32 $0x10, s2;
	v11 =	vsel vm9, $0xFF800000, v8  }
0x99: {  	s2 =	sadd.s32 $0x10, s22;
	s22 =	sadd.s32 $0x10, s30;
	vm4 =	vmor vm5, vm6;
	v7 =	vsel vm6, v8, v10;
	v8 =	vshift.insert v11, v0, s21;
	(ifvalue) =	ssetifvalue $0xFFFFFFFF  }
.LBB2_7:
0x9a: {  	[hbm4b:s1+s16] =	stream.indirect_vreg.scatter [tilespmem:s30], [sflag:$0x2], $0x1, v9, vm0, $0x4038;
	[tilespmem:$0x10F20] =	vst v63  }
0x9b: {  	s31 =	sadd.s32 $0x10, s31;
	s30 =	smov.u32 s22;
	v9 =	vld [tilespmem:s2+$0x0]  }
0x9c: {  	p2 =	slt.u32 s31, $0x1DF0;
	v10 =	vld [tilespmem:s0+$0x0];
	_ =	sdelay $0x4  }
0x9d: {  	vm5 =	vne.s32 v9, $0xFFFFFFFF;
	v8 =	vmax.f32 v10, v8  }
0x9e: {  	(xrf0) =	vmax.seg.scan.f32 vm5, v8;
	_ =	sdelay $0x1  }
0x9f: {  	v8 =	vld [tilespmem:s9+$0x0]  }
0xa0: {  	vm6 =	veq.s32 v9, v4;
	vm7 =	veq.s32 v9, v6  }
0xa1: {  	vm8 =	vgt.u32 v9, $0xFFFFFFFD;
	vm4 =	vmor vm4, vm6;
	vm7 =	vmor vm7, vm6  }
0xa2: {  	vm7 =	vmor vm7, vm8  }
.Ltmp5:
0xa3: {  	vm5 =	vmand vm5, vm3;
	v9 =	vsel vm7, $0xFFFFFFFF, v9;
	v10, _, _ =	vpop (xrf0);
	(pc) =	sbr.rel @p2 .LBB2_7-.Ltmp5, $4  }
0xa4: {  	v7 =	vsel vm6, v10, v7;
	v8 =	vmax.f32 v10, v8;
	v11 =	vsel vm5, $0xFF800000, v10  }
0xa5: {  	v10 =	vsel vm6, v10, v8;
	v8 =	vshift.insert v11, v0, s21  }
0xa6: {  	s2 =	sadd.s32 $0x10, s2;
	s0 =	sadd.s32 $0x10, s0;
	[tilespmem:s22+$0x0] =	vst v10  }
0xa7: {  	s9 =	sadd.s32 $0x10, s9;
	s22 =	sadd.s32 $0x10, s22;
	(ifvalue) =	ssetifvalue $0xFFFFFFFF  }
0xa8: {  	_ =	sdelay $0x3  }
0xa9: {  	[hbm4b:s1+s16] =	stream.indirect_vreg.scatter [tilespmem:s30], [sflag:$0x2], $0x1, v9, vm0, $0x4038;
	[tilespmem:$0x10F20] =	vst v63  }
0xaa: {  	v4 =	vld [tilespmem:s29+$0xF0F0];
	_ =	sdelay $0x4  }
0xab: {  	v4 =	vshift.insert v4, v3, s21  }
0xac: {  	s0 =	simm.s32 $0x30  }
0xad: {  	[tilespmem:s0+$0x0] =	vst.msk $0x1, v4  }
0xae: {  	v4 =	vsel vm4, $0x1, v1;
	[tilespmem:$0x90] =	vst v7  }
0xaf: {  	s0 =	sadd.s32 @!p1 $0xF0FF, s29;
	[tilespmem:$0xA0] =	vst v4  }
0xb0: {  	[spmem:s15] =	stream.linear.scatter @!p1 [tilespmem:s0], [sflag:$0x1], $0x1, $0x38;
	[tilespmem:$0x10F20] =	vst v63  }
0xb1: {  	s0 =	simm.s32 @!p1 $0x1  }
0xb2: {  	v4 =	vmctz.xlane @!p1 vm4;
	_ =	swait.ge @!p1 [sflag:s0], $0x1  }
0xb3: {  	(v2sf) =	vpush @!p1 v5, $0x0  }
0xb4: {  	(v2sf) =	vpush @!p1 v4, $0x0;
	_ =	sdelay $0xd  }
0xb5: {  	s2 =	spop @!p1 (v2sf)  }
0xb6: {  	s9 =	spop @!p1 (v2sf)  }
0xb7: {  	p2 =	sne.s32 @!p1 s28, s2;
	p3 =	slt.s32 @!p1 s9, $0xF  }
0xb8: {  	[sflag:s0] =	ssyncset.done @!p1 $0x0;
	p2 =	por p2, p1;
	p3 =	por !p3, p1  }
0xb9: {  	[sflag:s0] =	ssyncadd.s32 @!p1 $0xFFFFFFFF;
	v4 =	vimm.s32 @!p2 $0xFFFFFFFF;
	s9 =	simm.s32 @p3 $0xF  }
0xba: {  	[tilespmem:$0x80] =	vst @!p2 v4;
	s2 =	sadd.s32 @!p1 $0x90, s9  }
0xbb: {  	[spmem:s3] =	stream.linear.scatter @!p1 [tilespmem:s2], [sflag:$0x1], $0x1, $0x38;
	[tilespmem:$0x10F20] =	vst v63  }
0xbc: {  	_ =	swait.ge @!p1 [sflag:s0], $0x1  }
0xbd: {  	[sflag:s0] =	ssyncset.done @!p1 $0x0  }
0xbe: {  	s2 =	simm.s32 @!p1 $0x80;
	[sflag:s0] =	ssyncadd.s32 @!p1 $0xFFFFFFFF  }
0xbf: {  	[spmem:s13] =	stream.linear.scatter @!p1 [tilespmem:s2], [sflag:$0x1], $0x1, $0x38;
	[tilespmem:$0x10F20] =	vst v63  }
0xc0: {  	_ =	swait.ge @!p1 [sflag:s0], $0x1  }
0xc1: {  	[sflag:s0] =	ssyncset.done @!p1 $0x0  }
0xc2: {  	[sflag:s0] =	ssyncadd.s32 @!p1 $0xFFFFFFFF;
	(ifvalue) =	ssetifvalue $0xFFFFFFFF;
	v4 =	vld [tilespmem:s25+$0x10];
	_ =	sdelay $0x3  }
.Ltmp6:
0xc3: {  	_ = 	snop;
	(pc) =	sbr.rel .LBB2_9-.Ltmp6, $3  }
0xc4: {  	_ =	sdelay $0x1  }
0xc5: {  	(ifvalue) =	ssetifvalue $0xFFFFFFFF  }
0xc6: {  	[hbm4b:s1+s16] =	stream.indirect_vreg.scatter [tilespmem:s26], [sflag:$0x9], $0x1, v4, vm0, $0x4038;
	[tilespmem:$0x10F20] =	vst v63  }
.LBB2_10:
0xc7: {  	_ =	sfence.sel $0x180000  }
0xc8: {  	s0 =	simm.s32 $0x7;
	[bflag:$0x0] =	sbarrier.arrive $0xFFFF  }
0xc9: {  	s26 =	simm.s32 $0x8;
	[sflag:s0] =	ssyncpa.u1 $0x1  }
0xca: {  	s28 =	simm.s32 $0x9;
	[sflag:s26] =	ssyncpa.u1 $0x1  }
0xcb: {  	[sflag:s28] =	ssyncpa.u1 $0x1  }
0xcc: {  	_ =	sfence.stream.spmem  }
0xcd: {  	s29 =	simm.s32 $0x3;
	[bflag:$0x0] =	sbarrier.arrive $0xFFFF  }
0xce: {  	s30 =	simm.s32 $0x4;
	[sflag:s29] =	ssyncpa.u1 $0x1  }
0xcf: {  	s31 =	simm.s32 $0x3C;
	s2 =	stileid.u32;
	[sflag:s30] =	ssyncpa.u1 $0x1  }
0xd0: {  	p0 =	sne.s32 s2, $0x0;
	[sflag:s31] =	ssyncpa.u1 $0x1  }
0xd1: {  	s0 =	simm.s32 @p0 $0x1;
	_ =	sfence @p0  }
0xd2: {  	[sflag:s0] =	ssyncpa.u1 @p0 $0x1;
	s0 =	simm.s32 @p0 $0x2  }
0xd3: {  	[sflag:s0] =	ssyncpa.u1 @p0 $0x1  }
0xd4: {  	_ =	strace @p0 $0x9000004D  }
0xd5: {  	[bflag:$0x2] =	sbarrier.arrive @p0 $0xFFFF  }
0xd6: {  	_ =	shalt @p0  }
.LBB2_11:
0xd7: {  	_ =	sfence.stream.spmem;
	s0 =	simm.s32 $0x5  }
0xd8: {  	s2 =	simm.s32 $0x80;
	s3 =	simm.s32 $0xC0;
	[sflag:s0] =	ssyncpa.u1 $0x0  }
0xd9: {  	[tilespmem:s3], [sflag:$0x5] =	stream.linear.gather [spmem:s2], $0x20, $0x38;
	[tilespmem:$0x10F20] =	vst v63  }
0xda: {  	s30 =	simm.s32 $0xE0;
	s2 =	simm.s32 $0x0  }
0xdb: {  	[tilespmem:s30], [sflag:$0x5] =	stream.linear.gather [spmem:s2], $0x20, $0x38;
	[tilespmem:$0x10F20] =	vst v63  }
.Ltmp7:
0xdc: {  	_ = 	snop;
	(pc) =	sbr.rel .LBB2_12-.Ltmp7, $4  }
0xdd: {  	_ =	swait.ge [sflag:s0], $0x40  }
0xde: {  	[sflag:s0] =	ssyncset.done $0x0  }
0xdf: {  	s31 =	simm.s32 $0x6;
	[sflag:s0] =	ssyncadd.s32 $0xFFFFFFC0  }
0xe0: {  	s3 =	simm.s32 $0x0;
	[sflag:s31] =	ssyncpa.u1 $0x0  }
.LBB2_17:
0xe1: {  	p0 =	sgt.u32 s4, $0x3FFF  }
0xe2: {  	s0 =	sshrl.u32 @!p0 s4, $0x3  }
0xe3: {  	s4 =	sand.u32 @!p0 $0x7, s4;
	s5 =	simm.s32 @!p0 $0xB0;
	s0 =	sadd.s32 @!p0 s1, s0  }
0xe4: {  	[tilespmem:s5], [sflag:$0x6] =	stream.linear.gather @!p0 [hbm4b:s0+s4], $0x1, $0x38;
	[tilespmem:$0x10F20] =	vst v63  }
0xe5: {  	s0 =	simm.s32 @!p0 $0x6  }
0xe6: {  	_ =	swait.ge @!p0 [sflag:s0], $0x1  }
0xe7: {  	[sflag:s0] =	ssyncset.done @!p0 $0x0  }
0xe8: {  	[sflag:s0] =	ssyncadd.s32 @!p0 $0xFFFFFFFF  }
0xe9: {  	v1 =	vld.msk @!p0 [tilespmem:$0xB0], $0x1  }
0xea: {  	v2 =	vld.msk @!p0 [tilespmem:s3+$0xE0], $0x1;
	_ =	sdelay $0x4  }
0xeb: {  	v1 =	vmax.f32 @!p0 v2, v1  }
0xec: {  	[tilespmem:s3+$0xE0] =	vst.msk @!p0 $0x1, v1  }
0xed: {  	[tilespmem:s2+$0xC0] =	vst.msk $0x1, v0  }
0xee: {  	v0 =	vld.msk [tilespmem:s3+$0xE0], $0x1;
	_ =	sdelay $0x4  }
0xef: {  	[tilespmem:s2+$0xE0] =	vst.msk $0x1, v0;
	s2 =	sadd.s32 $0x1, s2  }
.LBB2_19:
0xf0: {  	s3 =	sadd.s32 $0x1, s3  }
0xf1: {  	p0 =	sne.s32 s3, $0x20  }
.Ltmp8:
0xf2: {  	_ = 	snop;
	(pc) =	sbr.rel @!p0 .LBB2_20-.Ltmp8, $1  }
0xf3: {  	_ =	sdelay $0x3  }
.LBB2_12:
0xf4: {  	v0 =	vld.msk [tilespmem:s3+$0xC0], $0x1;
	_ =	sdelay $0x4  }
0xf5: {  	(v2sf) =	vpush v0, $0x0;
	_ =	sdelay $0xe  }
0xf6: {  	s4 =	spop (v2sf)  }
0xf7: {  	p0 =	seq.s32 s4, $0xFFFFFFFF  }
.Ltmp9:
0xf8: {  	_ = 	snop;
	(pc) =	sbr.rel @p0 .LBB2_19-.Ltmp9, $1  }
0xf9: {  	_ =	sdelay $0x3  }
0xfa: {  	p0 =	slt.s32 s2, $0x1  }
.Ltmp10:
0xfb: {  	_ = 	snop;
	(pc) =	sbr.rel @p0 .LBB2_17-.Ltmp10, $1  }
0xfc: {  	_ =	sdelay $0x3  }
0xfd: {  	s0 =	simm.s32 $0xC0;
	p0 =	por $0x0, $0x0  }
0xfe: {  	v1 =	vld.msk @!p0 [tilespmem:s0+$0x0], $0x1;
	_ =	sdelay $0x4  }
0xff: {  	(v2sf) =	vpush @!p0 v1, $0x0;
	_ =	sdelay $0xd  }
0x100: {  	p2 =	sne.s32 s2, $0x1  }
.Ltmp11:
0x101: {  	s5 =	spop @!p0 (v2sf);
	(pc) =	sbr.rel @!p2 .LBB2_16-.Ltmp11, $4  }
0x102: {  	p1 =	seq.s32 @!p0 s4, s5  }
0x103: {  	s5 =	simm.s32 $0x0;
	p1 =	por !p1, p0  }
0x104: {  	s7 =	simm.s32 $0xFFFFFFFF;
	s5 =	simm.s32 @p1 $0xFFFFFFFF  }
0x105: {  	s6 =	simm.s32 $0x1;
	s5 =	smov.u32 @p0 s7  }
.LBB2_15:
0x106: {  	s7 =	smov.u32 s5;
	p0 =	sne.s32 s5, $0xFFFFFFFF  }
0x107: {  	s0 =	sadd.s32 $0x1, s0;
	s5 =	smov.u32 s6;
	s6 =	sadd.s32 $0x1, s6  }
0x108: {  	p1 =	sne.s32 s2, s6;
	v1 =	vld.msk @!p0 [tilespmem:s0+$0x0], $0x1;
	_ =	sdelay $0x4  }
0x109: {  	(v2sf) =	vpush @!p0 v1, $0x0;
	_ =	sdelay $0xe  }
.Ltmp12:
0x10a: {  	s8 =	spop @!p0 (v2sf);
	(pc) =	sbr.rel @p1 .LBB2_15-.Ltmp12, $4  }
0x10b: {  	p2 =	seq.s32 @!p0 s4, s8  }
0x10c: {  	p2 =	por !p2, p0  }
0x10d: {  	s5 =	simm.s32 @p2 $0xFFFFFFFF  }
0x10e: {  	s5 =	smov.u32 @p0 s7  }
.LBB2_16:
0x10f: {  	p0 =	sne.s32 s5, $0xFFFFFFFF  }
.Ltmp13:
0x110: {  	_ = 	snop;
	(pc) =	sbr.rel @!p0 .LBB2_17-.Ltmp13, $1  }
0x111: {  	_ =	sdelay $0x3  }
0x112: {  	v0 =	vld.msk [tilespmem:s3+$0xE0], $0x1  }
0x113: {  	v1 =	vld.msk [tilespmem:s5+$0xE0], $0x1;
	_ =	sdelay $0x1  }
.Ltmp14:
0x114: {  	_ = 	snop;
	(pc) =	sbr.rel .LBB2_19-.Ltmp14, $3  }
0x115: {  	_ =	sdelay $0x1  }
0x116: {  	v0 =	vmax.f32 v1, v0  }
0x117: {  	[tilespmem:s5+$0xE0] =	vst.msk $0x1, v0  }
.LBB2_20:
0x118: {  	p0 =	slt.s32 s2, $0x1  }
.Ltmp15:
0x119: {  	_ = 	snop;
	(pc) =	sbr.rel @p0 .LBB2_24-.Ltmp15, $3  }
0x11a: {  	_ =	sdelay $0x1  }
0x11b: {  	s0 =	simm.s32 $0x6  }
0x11c: {  	s3 =	simm.s32 $0x0;
	[sflag:s0] =	ssyncpa.u1 $0x1  }
0x11d: {  	s0 =	simm.s32 $0xC0  }
0x11e: {  	v0 =	vld.msk [tilespmem:s0+$0x0], $0x1;
	_ =	sdelay $0x4  }
0x11f: {  	(v2sf) =	vpush v0, $0x0;
	_ =	sdelay $0xe  }
0x120: {  	s2 =	sadd.s32 $0xFFFFFFFF, s2;
	s4 =	spop (v2sf)  }
0x121: {  	p1 =	sne.s32 s2, $0x0;
	p0 =	sgt.u32 s4, $0x3FFF  }
.Ltmp16:
0x122: {  	s5 =	sshrl.u32 @!p0 s4, $0x3;
	(pc) =	sbr.rel @!p1 .LBB2_23-.Ltmp16, $4  }
0x123: {  	s0 =	simm.s32 $0xE0;
	s4 =	sand.u32 @!p0 $0x7, s4;
	s5 =	sadd.s32 @!p0 s1, s5  }
0x124: {  	[hbm4b:s5+s4] =	stream.linear.scatter @!p0 [tilespmem:s0], [sflag:$0x5], $0x1, $0x38;
	[tilespmem:$0x10F20] =	vst v63  }
0x125: {  	s5 =	simm.s32 $0x0  }
0x126: {  	s4 =	simm.s32 $0xC1;
	s5 =	simm.s32 @!p0 $0x4  }
.LBB2_22:
0x127: {  	v0 =	vld.msk [tilespmem:s4+$0x0], $0x1;
	s2 =	sadd.s32 $0xFFFFFFFF, s2;
	s3 =	sadd.s32 s3, s5  }
0x128: {  	p0 =	sne.s32 s2, $0x0;
	_ =	sdelay $0x3  }
0x129: {  	(v2sf) =	vpush v0, $0x0;
	_ =	sdelay $0xe  }
.Ltmp17:
0x12a: {  	s6 =	spop (v2sf);
	(pc) =	sbr.rel @p0 .LBB2_22-.Ltmp17, $4  }
0x12b: {  	s5 =	simm.s32 $0x0;
	p1 =	sgt.u32 s6, $0x3FFF  }
0x12c: {  	s0 =	sadd.s32 $0x1, s0;
	s5 =	simm.s32 @!p1 $0x4;
	s7 =	sshrl.u32 @!p1 s6, $0x3  }
0x12d: {  	s4 =	sadd.s32 $0x1, s4;
	s6 =	sand.u32 @!p1 $0x7, s6;
	s7 =	sadd.s32 @!p1 s1, s7  }
0x12e: {  	[hbm4b:s7+s6] =	stream.linear.scatter @!p1 [tilespmem:s0], [sflag:$0x5], $0x1, $0x38;
	[tilespmem:$0x10F20] =	vst v63  }
.LBB2_23:
0x12f: {  	s0 =	sadd.s32 s3, s5  }
0x130: {  	s3 =	sshrl.u32 s0, $0x2  }
.LBB2_24:
0x131: {  	s0 =	simm.s32 $0x5  }
0x132: {  	_ =	swait.ge [sflag:s0], s3  }
0x133: {  	s1 =	ssub.s32 $0x0, s3;
	[sflag:s0] =	ssyncset.done $0x0  }
0x134: {  	[sflag:s0] =	ssyncadd.s32 s1  }
0x135: {  	[sflag:s0] =	ssyncpa.u1 $0x1  }
0x136: {  	s29 =	simm.s32 $0x1;
	_ =	sfence  }
0x137: {  	s30 =	simm.s32 $0x2;
	[sflag:s29] =	ssyncpa.u1 $0x1  }
0x138: {  	[sflag:s30] =	ssyncpa.u1 $0x1  }
0x139: {  	_ =	strace $0x9000004D  }
0x13a: {  	[bflag:$0x2] =	sbarrier.arrive $0xFFFF  }
0x13b: {  	s31 =	rddreg [dreg:$0x1]  }
0x13c: {  	s0 =	sadd.s32 $0x100000, s31  }
0x13d: {  	[sflag:s0] =	ssyncadd.tile.s32 $0x1;
	_ =	shalt  }
.Lfunc_end2:
_tile_overlayer_lowered:
.L_overlay_start_2:
0x13e: {  	(tag) =	ssettag $0x2  }
0x13f: {  	s0 =	rddreg [dreg:$0x0];
	s2 =	stileid.u32  }
0x140: {  	s1 =	rddreg [dreg:$0x1];
	p0 =	sne.s32 s2, $0x0  }
0x141: {  	s3 =	rddreg [dreg:$0x2];
	[bflag:$0x3] =	sbarrier.arrive $0xFFFF;
	s2 =	simm.s32 @!p0 $0x1C01  }
0x142: {  	[timem:s3], [sflag:s2] =	dma.local @!p0 [hbm:s0], s1  }
0x143: {  	s0 =	simm.s32 @!p0 $0x1  }
0x144: {  	_ =	swait.ge @!p0 [sflag:s0], s1  }
0x145: {  	s1 =	ssub.s32 @!p0 $0x0, s1;
	[sflag:s0] =	ssyncset.done @!p0 $0x0  }
0x146: {  	[sflag:s0] =	ssyncadd.s32 @!p0 s1  }
0x147: {  	[bflag:$0x3] =	sbarrier.arrive $0xFFFF  }
0x148: {  	_ =	shalt  }

// kernel: scatter_offload_async_start.3
scs
__scs_entry_jumppad:
0x0: {  	(pc) =	sbr.rel $0x88, $3  }
0x1: {  	(tag) =	ssettag $0x0;
	lr =	simm.s32 $0x1  }
0x2: {  	[smem:$0x3F80] =	sst lr;
	_ =	strace $0xD0000000  }
0x3: {  	_ = 	snop  }
0x4: {  	_ = 	snop  }
0x5: {  	_ = 	snop  }
0x6: {  	_ = 	snop  }
0x7: {  	_ = 	snop  }
__scs_overlays_trampoline_lowered:
0x8: {  	[smem:$0x3F8F] =	sst s0  }
0x9: {  	[smem:$0x3F90] =	sst s1  }
0xa: {  	[smem:$0x3F91] =	sst s2  }
0xb: {  	[smem:$0x3F92] =	sst s3  }
0xc: {  	[smem:$0x3F93] =	sst s4  }
0xd: {  	[smem:$0x3F94] =	sst s5  }
0xe: {  	[smem:$0x3F95] =	sst s6  }
0xf: {  	[smem:$0x3F96] =	sst s7  }
0x10: {  	[smem:$0x3F97] =	sst s8  }
0x11: {  	[smem:$0x3F98] =	sst s9;
	s0 =	simm.s32 @!p0 $0x0  }
0x12: {  	s1 =	sld [smem:$0x3F7E];
	s0 =	simm.s32 @p0 $0x1  }
0x13: {  	[smem:$0x3F99] =	sst s0;
	s0 =	simm.s32 @!p1 $0x0  }
0x14: {  	s2 =	sld [smem:$0x3F7D];
	s0 =	simm.s32 @p1 $0x1  }
0x15: {  	[smem:$0x3F9A] =	sst s0;
	s0 =	simm.s32 @!p2 $0x0  }
0x16: {  	s3 =	sld [smem:$0x3FDB];
	s0 =	simm.s32 @p2 $0x1  }
0x17: {  	s4 =	simm.s32 $0x1BF5;
	[smem:$0x3F9C] =	sst s0  }
0x18: {  	s0 =	sld [smem:$0x3F7F];
	_ =	swait.ge [sflag:s4], $0x0  }
0x19: {  	s7 =	sld [smem:$0x3F80]  }
0x1a: {  	s8 =	sadd.s32 $0xFFFFE003, lr  }
0x1b: {  	s9 =	sadd.s32 $0xFFFFFEF7, lr;
	s5 =	simm.s32 $0xFFFFFFFF;
	p2 =	slt.u32 s8, $0xFFFFF086  }
0x1c: {  	p1 =	slt.u32 s9, $0xF7A;
	s5 =	simm.s32 @!p2 $0x0  }
0x1d: {  	s5 =	simm.s32 @p1 $0x1;
	p0 =	seq.s32 s7, s2  }
0x1e: {  	s7 =	smul.u32 @!p0 $0xF7A, s2;
	p2 =	seq.s32 @!p0 s5, $0x0  }
0x1f: {  	s9 =	smul.u32 $0xF7A, s1;
	s8 =	simm.s32 @!p0 $0x1BF5;
	p2 =	por !p2, p0  }
0x20: {  	[sflag:s8] =	ssyncset.s32 @!p0 $0xFFFFF086;
	s6 =	sadd.s32 @!p0 s3, s7;
	s7 =	simm.s32 @!p0 $0x108  }
0x21: {  	s3 =	sadd.s32 s3, s9;
	s6 =	sadd.s32 @!p0 $0x88, s6;
	s7 =	simm.s32 @p2 $0x1082  }
0x22: {  	[simem:s7], [sflag:s8] =	dma.local @!p0 [hbm:s6], $0xF7A  }
0x23: {  	s9 =	sor.u32 $0xD0000000, s2;
	s6 =	simm.s32 $0x108;
	_ =	swait.ge @!p0 [sflag:s8], $0x0  }
0x24: {  	s3 =	sadd.s32 $0x88, s3;
	s6 =	simm.s32 @!p1 $0x1082;
	[sflag:s4] =	ssyncset.s32 $0xFFFFF086  }
0x25: {  	[simem:s6], [sflag:s4] =	dma.local [hbm:s3], $0xF7A  }
0x26: {  	[smem:$0x3F80] =	sst s1;
	(tag) =	ssettag s2;
	_ =	strace s9  }
0x27: {  	s1 =	sld [smem:$0x3F90]  }
0x28: {  	s2 =	sld [smem:$0x3F91]  }
0x29: {  	s4 =	sld [smem:$0x3F93]  }
0x2a: {  	p0 =	seq.s32 s5, $0x0;
	s5 =	sld [smem:$0x3F94]  }
0x2b: {  	s6 =	sld [smem:$0x3F95]  }
0x2c: {  	s7 =	sld [smem:$0x3F96]  }
0x2d: {  	s3 =	simm.s32 $0x108;
	s8 =	sld [smem:$0x3F97]  }
0x2e: {  	s3 =	simm.s32 @!p0 $0x1082;
	s9 =	sld [smem:$0x3F98]  }
0x2f: {  	lr =	sadd.s32 s0, s3;
	s0 =	sld [smem:$0x3F8F]  }
0x30: {  	s3 =	sld [smem:$0x3F92]  }
0x31: {  	[smem:$0x3F9B] =	sst s10  }
0x32: {  	s10 =	sld [smem:$0x3F99];
	_ =	sdelay $0x3  }
0x33: {  	p0 =	seq.s32 s10, $0x1;
	s10 =	sld [smem:$0x3F9B];
	_ =	sdelay $0x3  }
0x34: {  	[smem:$0x3F9B] =	sst s10  }
0x35: {  	s10 =	sld [smem:$0x3F9A];
	_ =	sdelay $0x3  }
0x36: {  	p1 =	seq.s32 s10, $0x1;
	s10 =	sld [smem:$0x3F9B];
	_ =	sdelay $0x3  }
0x37: {  	[smem:$0x3F9B] =	sst s10  }
0x38: {  	s10 =	sld [smem:$0x3F9C]  }
0x39: {  	_ = 	snop;
	(pc) =	sbr.ind lr, $3  }
0x3a: {  	_ = 	snop  }
0x3b: {  	_ = 	snop  }
0x3c: {  	p2 =	seq.s32 s10, $0x1;
	s10 =	sld [smem:$0x3F9B]  }
0x3d: {  	_ =	shalt  }
0x3e: {  	_ =	shalt  }
0x3f: {  	_ =	shalt  }
0x40: {  	_ =	shalt  }
0x41: {  	_ =	shalt  }
0x42: {  	_ =	shalt  }
0x43: {  	_ =	shalt  }
0x44: {  	_ =	shalt  }
0x45: {  	_ =	shalt  }
0x46: {  	_ =	shalt  }
0x47: {  	_ =	shalt  }
0x48: {  	_ =	shalt  }
0x49: {  	_ =	shalt  }
0x4a: {  	_ =	shalt  }
0x4b: {  	_ =	shalt  }
0x4c: {  	_ =	shalt  }
0x4d: {  	_ =	shalt  }
0x4e: {  	_ =	shalt  }
0x4f: {  	_ =	shalt  }
0x50: {  	_ =	shalt  }
0x51: {  	_ =	shalt  }
0x52: {  	_ =	shalt  }
0x53: {  	_ =	shalt  }
0x54: {  	_ =	shalt  }
0x55: {  	_ =	shalt  }
0x56: {  	_ =	shalt  }
0x57: {  	_ =	shalt  }
0x58: {  	_ =	shalt  }
0x59: {  	_ =	shalt  }
0x5a: {  	_ =	shalt  }
0x5b: {  	_ =	shalt  }
0x5c: {  	_ =	shalt  }
0x5d: {  	_ =	shalt  }
0x5e: {  	_ =	shalt  }
0x5f: {  	_ =	shalt  }
0x60: {  	_ =	shalt  }
0x61: {  	_ =	shalt  }
0x62: {  	_ =	shalt  }
0x63: {  	_ =	shalt  }
0x64: {  	_ =	shalt  }
0x65: {  	_ =	shalt  }
0x66: {  	_ =	shalt  }
0x67: {  	_ =	shalt  }
0x68: {  	_ =	shalt  }
0x69: {  	_ =	shalt  }
0x6a: {  	_ =	shalt  }
0x6b: {  	_ =	shalt  }
0x6c: {  	_ =	shalt  }
0x6d: {  	_ =	shalt  }
0x6e: {  	_ =	shalt  }
0x6f: {  	_ =	shalt  }
0x70: {  	_ =	shalt  }
0x71: {  	_ =	shalt  }
0x72: {  	_ =	shalt  }
0x73: {  	_ =	shalt  }
0x74: {  	_ =	shalt  }
0x75: {  	_ =	shalt  }
0x76: {  	_ =	shalt  }
0x77: {  	_ =	shalt  }
0x78: {  	_ =	shalt  }
0x79: {  	_ =	shalt  }
0x7a: {  	_ =	shalt  }
0x7b: {  	_ =	shalt  }
0x7c: {  	_ =	shalt  }
0x7d: {  	_ =	shalt  }
0x7e: {  	_ =	shalt  }
0x7f: {  	_ =	shalt  }
0x80: {  	_ =	shalt  }
0x81: {  	_ =	shalt  }
0x82: {  	_ =	shalt  }
0x83: {  	_ =	shalt  }
0x84: {  	_ =	shalt  }
0x85: {  	_ =	shalt  }
0x86: {  	_ =	shalt  }
0x87: {  	_ =	shalt  }
.Lfunc_end0:
.L_simem_size_0:
called_computation.3_lowered:
.L_overlay_start_0:
0x88: {  	s0 =	sld [smem:$0x3FD9]  }
0x89: {  	s1 =	sld [smem:$0x3FFE];
	_ =	sdelay $0x3  }
0x8a: {  	s0 =	sadd.s32 s1, s0  }
0x8b: {  	[smem:$0x3FA7] =	sst s0  }
0x8c: {  	_ = 	snop  }
0x8d: {  	s14 =	sld [smem:$0x3FD0];
	(tm) =	ssettm $0x1  }
0x8e: {  	s15 =	sld [smem:$0x3FFB];
	_ =	sdelay $0x3  }
0x8f: {  	_ =	strace s15  }
0x90: {  	s0 =	sld [smem:$0x3FFC];
	_ =	sdelay $0x3  }
0x91: {  	_ =	strace s0  }
0x92: {  	s0 =	sld [smem:$0x3FFD];
	_ =	sdelay $0x3  }
0x93: {  	_ =	strace s0  }
0x94: {  	_ =	strace $0x8FFFFFFF  }
0x95: {  	s16 =	sld [smem:$0x3FDB];
	_ =	sdelay $0x1  }
0x96: {  	s2 =	simm.s32 $_scs_section_size  }
0x97: {  	s3 =	simm.s32 $_size__tile_overlayer_lowered;
	s4 =	simm.s32 $_tile_overlayer_lowered  }
0x98: {  	s5 =	simm.s32 $0x1BFF;
	s17 =	sshll.u32 s4, $0x1;
	s2 =	sadd.s32 s2, s16  }
0x99: {  	s18 =	simm.s32 $0x0;
	s3 =	sshll.u32 s3, $0x1;
	s4 =	sadd.s32 s17, s2  }
0x9a: {  	[timem:s18], [sflag:s5] =	dma.local [hbm:s4], s3  }
0x9b: {  	_ =	swait.ge [sflag:s5], s3  }
0x9c: {  	s3 =	ssub.s32 $0x0, s3;
	[sflag:s5] =	ssyncset.done $0x0  }
0x9d: {  	[sflag:s5] =	ssyncadd.s32 s3;
	_ =	sdelay $0x1  }
0x9e: {  	s19 =	simm.s32 $0x1B8B  }
0x9f: {  	_ =	swait.ge [sflag:s19], $0x1  }
0xa0: {  	[sflag:s19] =	ssyncset.done $0x0  }
0xa1: {  	s21 =	simm.s32 $0x1B8E;
	s20 =	sld [smem:$0x3FFE];
	[sflag:s19] =	ssyncadd.s32 $0xFFFFFFFF  }
0xa2: {  	s22 =	simm.s32 $execute0_lowered;
	[smem:$0x3FD2] =	sst s21  }
0xa3: {  	s4 =	sshll.u32 s22, $0x1;
	_ =	strace $0x80000055;
	[dreg:$0x1] =	wrdreg $0xFFFFFFFF  }
0xa4: {  	s23 =	simm.s32 $_size_execute0_lowered;
	s4 =	sadd.s32 s2, s4;
	[dreg:$0x0] =	wrdreg $0x0  }
0xa5: {  	s5 =	sshll.u32 s23, $0x1;
	[dreg:$0x2] =	wrdreg s4  }
0xa6: {  	[dreg:$0x3] =	wrdreg s5  }
0xa7: {  	[dreg:$0x4] =	wrdreg $0xC0  }
0xa8: {  	s24 =	simm.s32 $execute1_lowered;
	_ =	task [dreg:s18], $0x5FFFF  }
0xa9: {  	s4 =	sshll.u32 s24, $0x1;
	[dreg:$0x1] =	wrdreg $0xFFFFFFFF  }
0xaa: {  	s2 =	sadd.s32 s2, s4;
	[dreg:$0x0] =	wrdreg $0x60  }
0xab: {  	[dreg:$0x2] =	wrdreg s2  }
0xac: {  	[dreg:$0x3] =	wrdreg s20  }
0xad: {  	[dreg:$0x4] =	wrdreg $0x9  }
0xae: {  	_ =	task.clear_ibuf [dreg:s18], $0x5FFFF;
	_ =	strace $0x90000055  }
0xaf: {  	s25 =	simm.s32 $0x9;
	_ =	strace $0x80000057  }
0xb0: {  	_ =	swait.ge [sflag:s25], $0x1  }
0xb1: {  	[sflag:s25] =	ssyncadd.s32 $0xFFFFFFFF  }
0xb2: {  	_ =	strace $0x90000057  }
0xb3: {  	_ =	strace $0x80000058;
	[dreg:$0x1] =	wrdreg $0xFFFFFFFF  }
0xb4: {  	[dreg:$0x0] =	wrdreg $0x2030  }
0xb5: {  	[dreg:$0x2] =	wrdreg s20  }
0xb6: {  	[dreg:$0x3] =	wrdreg s14  }
0xb7: {  	[dreg:$0x4] =	wrdreg $0xA  }
0xb8: {  	_ =	task.clear_ibuf [dreg:s18], $0x5FFFF;
	_ =	strace $0x90000058  }
0xb9: {  	s26 =	simm.s32 $0xA;
	_ =	strace $0x8000005A  }
0xba: {  	_ =	swait.ge [sflag:s26], $0x1  }
0xbb: {  	[sflag:s26] =	ssyncadd.s32 $0xFFFFFFFF  }
0xbc: {  	_ =	strace $0x9000005A  }
0xbd: {  	_ =	sfence  }
0xbe: {  	s28 =	sld [smem:$0x0];
	_ =	sdelay $0x1  }
0xbf: {  	s29 =	srdreg.scid  }
0xc0: {  	s30 =	sshll.u32 s29, $0xD;
	s31 =	sshrl.u32 s29, $0x2  }
0xc1: {  	s3 =	sand.u32 $0x4000, s30;
	s2 =	sand.u32 $0x1, s29;
	s1 =	sadd.s32 s31, s28  }
0xc2: {  	s2 =	sor.u32 s3, s2;
	s1 =	sshll.u32 s1, $0x11  }
0xc3: {  	s1 =	sor.u32 s1, s2  }
0xc4: {  	s1 =	sadd.s32 $0x8F2B, s1  }
0xc5: {  	[sflag:s1] =	ssyncadd.remote.s32 $0x1  }
0xc6: {  	_ =	sfence.sel $0xFFFF  }
0xc7: {  	[dreg:$0x0] =	wrdreg $0xFFFFFFFF;
	(pc) =	sbr.abs _section_cstart, $3  }
0xc8: {  	[dreg:$0x1] =	wrdreg $0xFFFFFFFF  }
0xc9: {  	_ =	task.clear_ibuf [dreg:s18], $0x2FFFF;
	_ =	strace $0x9FFFFFFF  }
0xca: {  	(tm) =	ssettm $0x7FFFFFFF  }
0xcb: {  	_ =	shalt  }
tec
execute0_lowered:
.L_overlay_start_1:
0x0: {  	(tag) =	ssettag $0x1  }
0x1: {  	s2 =	rddreg [dreg:$0x0]  }
0x2: {  	s3 =	rddreg [dreg:$0x1]  }
0x3: {  	s0 =	rddreg [dreg:$0x2];
	s4 =	stileid.u32;
	[bflag:$0x3] =	sbarrier.arrive $0xFFFF  }
0x4: {  	s1 =	simm.s32 $_size_execute1_lowered;
	s7 =	simm.s32 $0x1;
	p0 =	sne.s32 s4, $0x0  }
0x5: {  	s1 =	sshll.u32 s1, $0x1;
	s5 =	simm.s32 @!p0 $0x1C3F;
	s6 =	simm.s32 @!p0 $0x4060  }
0x6: {  	[timem:s6], [sflag:s5] =	dma.local @!p0 [hbm:s2], s1  }
0x7: {  	s8 =	simm.s32 $0x2;
	s10 =	simm.s32 $0x0;
	s2 =	sshll.u32 s4, $0xA  }
0x8: {  	s9 =	simm.s32 $0x0;
	s4 =	sshll.u32 s4, $0x7;
	s29 =	ssub.s32 $0x4000, s2  }
.Ltmp0:
0x9: {  	_ =	strace $0x80000056;
	s31 =	sand.u32 $0x3C00, s29;
	(pc) =	sbr.rel .LBB2_1-.Ltmp0, $4  }
0xa: {  	s30 =	sadd.s32 s4, s3;
	s3 =	sadd.s32 $0x4C0400, s3;
	p1 =	sne.s32 s31, $0x0  }
0xb: {  	s4 =	simm.s32 $0x1;
	s5 =	sshrl.u32 s29, $0xE;
	s7 =	simm.s32 @!p1 $0x0  }
0xc: {  	[sflag:s4] =	ssyncpa.u1 $0x0;
	s6 =	sadd.s32 $0x4BF400, s30;
	s5 =	sadd.s32 s7, s5  }
0xd: {  	[sflag:s8] =	ssyncpa.u1 $0x0;
	s8 =	simm.s32 $0x0;
	s7 =	sadd.s32 $0x1, s5  }
.LBB2_5:
0xe: {  	p2 =	sne.s32 s9, s7  }
.Ltmp1:
0xf: {  	p1 =	slt.u32 s9, $0x2;
	(pc) =	sbr.rel @!p2 .LBB2_6-.Ltmp1, $4  }
0x10: {  	s10 =	simm.s32 @!p1 $0x2  }
0x11: {  	_ =	swait.ge @!p1 [sflag:s10], $0x400  }
0x12: {  	s11 =	sadd.s32 $0x1, s9;
	[sflag:s10] =	ssyncset.done @!p1 $0x0  }
0x13: {  	s9 =	smov.u32 s11;
	[sflag:s10] =	ssyncadd.s32 @!p1 $0xFFFFFC00;
	s10 =	smov.u32 s2  }
.LBB2_1:
0x14: {  	p1 =	sge.u32 s9, s5  }
0x15: {  	s11 =	sxor.u32 @!p1 $0xFFFFFFFF, s9  }
0x16: {  	s11 =	sshll.u32 @!p1 s11, $0xA  }
0x17: {  	s31 =	sadd.s32 $0xFFFFFFFF, s9;
	s12 =	simm.s32 @!p1 $0x0;
	s11 =	sand.u32 @!p1 $0x400, s11  }
0x18: {  	[tilespmem:s11], [sflag:$0x1] =	stream.linear.gather @!p1 [hbm4b:s6+s12], $0x400, $0x38;
	[tilespmem:$0x1000] =	vst v63  }
0x19: {  	p1 =	sge.u32 s31, s5  }
.Ltmp2:
0x1a: {  	_ = 	snop;
	(pc) =	sbr.rel @p1 .LBB2_5-.Ltmp2, $1  }
0x1b: {  	_ =	sdelay $0x3  }
0x1c: {  	s11 =	sshll.u32 s9, $0xA  }
0x1d: {  	s13 =	sand.u32 $0x400, s11  }
0x1e: {  	v0 =	vmov s13  }
0x1f: {  	_ =	swait.ge [sflag:s4], $0x400  }
0x20: {  	[sflag:s4] =	ssyncset.done $0x0;
	s11 =	sor.u32 $0x800, s13  }
0x21: {  	s12 =	simm.s32 $0x0;
	p1 =	por $0x1, $0x1;
	[sflag:s4] =	ssyncadd.s32 $0xFFFFFC00;
	v1 =	vmov s11  }
.LBB2_3:
0x22: {  	s13 =	sor.u32 $0x10, s12  }
0x23: {  	s14 =	sor.u32 $0x20, s12;
	v2 =	vld.idx.msk [tilespmem:v0+s13+$0x0 ss:$0x1], $0xffff  }
0x24: {  	s15 =	sor.u32 $0x30, s12;
	v3 =	vld.idx.msk [tilespmem:v0+s14+$0x0 ss:$0x1], $0xffff  }
0x25: {  	s16 =	sor.u32 $0x40, s12;
	v4 =	vld.idx.msk [tilespmem:v0+s15+$0x0 ss:$0x1], $0xffff  }
0x26: {  	s17 =	sor.u32 $0x50, s12;
	v5 =	vld.idx.msk [tilespmem:v0+s16+$0x0 ss:$0x1], $0xffff  }
0x27: {  	s18 =	sor.u32 $0x60, s12;
	v6 =	vld.idx.msk [tilespmem:v0+s17+$0x0 ss:$0x1], $0xffff  }
0x28: {  	s31 =	sor.u32 $0x70, s12;
	[tilespmem:v1+s13+$0x0 ss:$0x1] =	vst.idx.msk $0xffff, v2;
	v2 =	vld.idx.msk [tilespmem:v0+s18+$0x0 ss:$0x1], $0xffff  }
0x29: {  	s19 =	sor.u32 $0x80, s12;
	[tilespmem:v1+s14+$0x0 ss:$0x1] =	vst.idx.msk $0xffff, v3;
	v3 =	vld.idx.msk [tilespmem:v0+s31+$0x0 ss:$0x1], $0xffff  }
0x2a: {  	s20 =	sor.u32 $0x90, s12;
	v49 =	vld.idx.msk [tilespmem:v0+s19+$0x0 ss:$0x1], $0xffff;
	[tilespmem:v1+s15+$0x0 ss:$0x1] =	vst.idx.msk $0xffff, v4  }
0x2b: {  	s21 =	sor.u32 $0xA0, s12;
	v50 =	vld.idx.msk [tilespmem:v0+s20+$0x0 ss:$0x1], $0xffff;
	[tilespmem:v1+s16+$0x0 ss:$0x1] =	vst.idx.msk $0xffff, v5  }
0x2c: {  	s22 =	sor.u32 $0xB0, s12;
	v51 =	vld.idx.msk [tilespmem:v0+s21+$0x0 ss:$0x1], $0xffff;
	[tilespmem:v1+s17+$0x0 ss:$0x1] =	vst.idx.msk $0xffff, v6  }
0x2d: {  	s23 =	sor.u32 $0xC0, s12;
	[tilespmem:v1+s18+$0x0 ss:$0x1] =	vst.idx.msk $0xffff, v2;
	v2 =	vld.idx.msk [tilespmem:v0+s22+$0x0 ss:$0x1], $0xffff  }
0x2e: {  	s24 =	sor.u32 $0xD0, s12;
	[tilespmem:v1+s31+$0x0 ss:$0x1] =	vst.idx.msk $0xffff, v3;
	v3 =	vld.idx.msk [tilespmem:v0+s23+$0x0 ss:$0x1], $0xffff  }
0x2f: {  	s25 =	sor.u32 $0xE0, s12;
	v52 =	vld.idx.msk [tilespmem:v0+s24+$0x0 ss:$0x1], $0xffff;
	[tilespmem:v1+s19+$0x0 ss:$0x1] =	vst.idx.msk $0xffff, v49  }
0x30: {  	s26 =	sor.u32 $0xF0, s12;
	v53 =	vld.idx.msk [tilespmem:v0+s25+$0x0 ss:$0x1], $0xffff;
	[tilespmem:v1+s20+$0x0 ss:$0x1] =	vst.idx.msk $0xffff, v50  }
0x31: {  	s28 =	sor.u32 $0x100, s12;
	v54 =	vld.idx.msk [tilespmem:v0+s26+$0x0 ss:$0x1], $0xffff;
	[tilespmem:v1+s21+$0x0 ss:$0x1] =	vst.idx.msk $0xffff, v51  }
0x32: {  	s29 =	sor.u32 $0x110, s12;
	[tilespmem:v1+s22+$0x0 ss:$0x1] =	vst.idx.msk $0xffff, v2;
	v2 =	vld.idx.msk [tilespmem:v0+s28+$0x0 ss:$0x1], $0xffff  }
0x33: {  	s30 =	sor.u32 $0x120, s12;
	[tilespmem:v1+s23+$0x0 ss:$0x1] =	vst.idx.msk $0xffff, v3;
	v3 =	vld.idx.msk [tilespmem:v0+s29+$0x0 ss:$0x1], $0xffff  }
0x34: {  	v55 =	vld.idx.msk [tilespmem:v0+s30+$0x0 ss:$0x1], $0xffff;
	[tilespmem:v1+s24+$0x0 ss:$0x1] =	vst.idx.msk $0xffff, v52;
	s19 =	sor.u32 $0x140, s12  }
0x35: {  	[tilespmem:v1+s25+$0x0 ss:$0x1] =	vst.idx.msk $0xffff, v53;
	s24 =	sor.u32 $0x190, s12;
	v57 =	vld.idx.msk [tilespmem:v0+s19+$0x0 ss:$0x1], $0xffff  }
0x36: {  	[tilespmem:v1+s26+$0x0 ss:$0x1] =	vst.idx.msk $0xffff, v54;
	s20 =	sor.u32 $0x150, s12;
	v60 =	vld.idx.msk [tilespmem:v0+s24+$0x0 ss:$0x1], $0xffff  }
0x37: {  	s21 =	sor.u32 $0x160, s12;
	[tilespmem:v1+s28+$0x0 ss:$0x1] =	vst.idx.msk $0xffff, v2;
	v2 =	vld.idx.msk [tilespmem:v0+s20+$0x0 ss:$0x1], $0xffff  }
0x38: {  	s26 =	sor.u32 $0x1B0, s12;
	[tilespmem:v1+s29+$0x0 ss:$0x1] =	vst.idx.msk $0xffff, v3;
	v3 =	vld.idx.msk [tilespmem:v0+s21+$0x0 ss:$0x1], $0xffff  }
0x39: {  	[tilespmem:v1+s30+$0x0 ss:$0x1] =	vst.idx.msk $0xffff, v55;
	v61 =	vld.idx.msk [tilespmem:v0+s26+$0x0 ss:$0x1], $0xffff;
	s31 =	sor.u32 $0x130, s12  }
0x3a: {  	v56 =	vld.idx.msk [tilespmem:v0+s31+$0x0 ss:$0x1], $0xffff;
	[tilespmem:v1+s19+$0x0 ss:$0x1] =	vst.idx.msk $0xffff, v57;
	s22 =	sor.u32 $0x170, s12  }
0x3b: {  	[tilespmem:v1+s24+$0x0 ss:$0x1] =	vst.idx.msk $0xffff, v60;
	v58 =	vld.idx.msk [tilespmem:v0+s22+$0x0 ss:$0x1], $0xffff  }
0x3c: {  	s25 =	sor.u32 $0x1A0, s12;
	[tilespmem:v1+s20+$0x0 ss:$0x1] =	vst.idx.msk $0xffff, v2;
	v2 =	vld.idx.msk [tilespmem:v0+s12+$0x0 ss:$0x1], $0xffff  }
0x3d: {  	s23 =	sor.u32 $0x180, s12;
	[tilespmem:v1+s21+$0x0 ss:$0x1] =	vst.idx.msk $0xffff, v3;
	v3 =	vld.idx.msk [tilespmem:v0+s25+$0x0 ss:$0x1], $0xffff  }
0x3e: {  	[tilespmem:v1+s26+$0x0 ss:$0x1] =	vst.idx.msk $0xffff, v61;
	v59 =	vld.idx.msk [tilespmem:v0+s23+$0x0 ss:$0x1], $0xffff;
	s28 =	sor.u32 $0x1C0, s12  }
0x3f: {  	[tilespmem:v1+s31+$0x0 ss:$0x1] =	vst.idx.msk $0xffff, v56;
	s29 =	sor.u32 $0x1D0, s12;
	v62 =	vld.idx.msk [tilespmem:v0+s28+$0x0 ss:$0x1], $0xffff  }
0x40: {  	s30 =	sor.u32 $0x1E0, s12;
	[tilespmem:v1+s22+$0x0 ss:$0x1] =	vst.idx.msk $0xffff, v58;
	v63 =	vld.idx.msk [tilespmem:v0+s29+$0x0 ss:$0x1], $0xffff  }
0x41: {  	s31 =	sor.u32 $0x1F0, s12;
	[tilespmem:v1+s12+$0x0 ss:$0x1] =	vst.idx.msk $0xffff, v2;
	v2 =	vld.idx.msk [tilespmem:v0+s30+$0x0 ss:$0x1], $0xffff  }
0x42: {  	p2 =	por p1, p1;
	[tilespmem:v1+s25+$0x0 ss:$0x1] =	vst.idx.msk $0xffff, v3;
	v3 =	vld.idx.msk [tilespmem:v0+s31+$0x0 ss:$0x1], $0xffff  }
.Ltmp3:
0x43: {  	[tilespmem:v1+s23+$0x0 ss:$0x1] =	vst.idx.msk $0xffff, v59;
	(pc) =	sbr.rel @p2 .LBB2_3-.Ltmp3, $4  }
0x44: {  	[tilespmem:v1+s28+$0x0 ss:$0x1] =	vst.idx.msk $0xffff, v62  }
0x45: {  	[tilespmem:v1+s29+$0x0 ss:$0x1] =	vst.idx.msk $0xffff, v63  }
0x46: {  	[tilespmem:v1+s30+$0x0 ss:$0x1] =	vst.idx.msk $0xffff, v2  }
0x47: {  	p1 =	por $0x0, $0x0;
	s12 =	simm.s32 $0x200;
	[tilespmem:v1+s31+$0x0 ss:$0x1] =	vst.idx.msk $0xffff, v3  }
.Ltmp4:
0x48: {  	(pc) =	sbr.rel .LBB2_5-.Ltmp4, $4  }
0x49: {  	_ = 	snop  }
0x4a: {  	s10 =	sshrl.u32 s10, $0x3  }
0x4b: {  	s10 =	sadd.s32 s3, s10  }
0x4c: {  	[hbm4b:s10+s8] =	stream.linear.scatter [tilespmem:s11], [sflag:$0x2], $0x400, $0x38;
	[tilespmem:$0x1000] =	vst v63  }
.LBB2_6:
0x4d: {  	_ =	sfence.sel $0x180000  }
0x4e: {  	s2 =	simm.s32 $0x1;
	[bflag:$0x0] =	sbarrier.arrive $0xFFFF  }
0x4f: {  	s31 =	simm.s32 $0x2;
	[sflag:s2] =	ssyncpa.u1 $0x1  }
0x50: {  	[sflag:s31] =	ssyncpa.u1 $0x1  }
0x51: {  	_ =	strace $0x90000056  }
0x52: {  	s0 =	sadd.s32 @!p0 $0x100000, s0;
	[bflag:$0x2] =	sbarrier.arrive $0xFFFF  }
0x53: {  	[sflag:s0] =	ssyncadd.tile.s32 @!p0 $0x1;
	s0 =	simm.s32 @!p0 $0x3F  }
0x54: {  	_ =	swait.ge @!p0 [sflag:s0], s1  }
0x55: {  	s1 =	ssub.s32 @!p0 $0x0, s1;
	[sflag:s0] =	ssyncset.done @!p0 $0x0  }
0x56: {  	[sflag:s0] =	ssyncadd.s32 @!p0 s1  }
0x57: {  	[bflag:$0x3] =	sbarrier.arrive $0xFFFF  }
0x58: {  	_ =	shalt  }
.Lfunc_end2:
execute1_lowered:
.L_overlay_start_2:
0x59: {  	(tag) =	ssettag $0x2  }
0x5a: {  	s0 =	rddreg [dreg:$0x0];
	_ =	strace $0x80000059;
	s15 =	stileid.u32  }
0x5b: {  	s2 =	simm.s32 $0x1;
	s1 =	smin.u32 s15, $0x8;
	s4 =	sshll.u32 s15, $0x1  }
0x5c: {  	v1 =	vimm.s32 $0xFFFFFFFF;
	[sflag:s2] =	ssyncpa.u1 $0x0;
	s1 =	sadd.s32 s1, s4  }
0x5d: {  	p0 =	slt.u32 s15, $0x8;
	[tilespmem:$0x10] =	vst v1;
	s5 =	smul.u32 $0x1E00, s1;
	s1 =	simm.s32 $0x5A00  }
0x5e: {  	v0 =	vimm.s32 $0x80000000;
	[tilespmem:$0x20] =	vst v1;
	s1 =	simm.s32 @!p0 $0x3C00  }
0x5f: {  	[tilespmem:$0x30] =	vst v0;
	s1 =	sadd.s32 s1, s5  }
0x60: {  	[tilespmem:$0x40] =	vst v0;
	s6 =	smin.u32 s1, $0x4B000  }
0x61: {  	s7 =	simm.s32 $0x2;
	[tilespmem:$0x50] =	vst v0;
	s3 =	ssub.s32 s6, s5  }
0x62: {  	s8 =	simm.s32 $0x8;
	s31 =	simm.s32 $0x9;
	[tilespmem:$0x60] =	vst v1;
	p0 =	sgt.s32 s3, $0x0  }
0x63: {  	s16 =	simm.s32 $0x0;
	s17 =	simm.s32 $0xF0;
	[tilespmem:$0x70] =	vst v1;
	s3 =	simm.s32 @!p0 $0x0  }
0x64: {  	s18 =	simm.s32 $0xFFFFFFFF;
	s19 =	simm.s32 $0xFFFFC500;
	[tilespmem:$0x80] =	vst v1;
	s30 =	smulhi.u32 $0x88888889, s3  }
0x65: {  	s20 =	simm.s32 $0xFFFFFFFE;
	s21 =	simm.s32 $0xF;
	s25 =	simm.s32 $0x0;
	v1 =	vimm.s32 $0x0;
	[tilespmem:$0xB0] =	vst v0  }
0x66: {  	s24 =	simm.s32 $0x0;
	s15 =	sshllo.u32 s15, $0x1;
	[tilespmem:$0x90] =	vst v1;
	s10 =	sshrl.u32 s30, $0xC  }
0x67: {  	[tilespmem:$0xA0] =	vst v1;
	[sflag:s7] =	ssyncpa.u1 $0x0;
	s7 =	simm.s32 $0x7;
	s9 =	smul.u32 $0x1E00, s10  }
.Ltmp5:
0x68: {  	s13 =	sor.u32 $0x80, s4;
	[sflag:s7] =	ssyncpa.u1 $0x0;
	(pc) =	sbr.rel .LBB3_1-.Ltmp5, $4  }
0x69: {  	s14 =	sor.u32 $0x81, s4;
	[sflag:s8] =	ssyncpa.u1 $0x0;
	p0 =	sne.s32 s3, s9  }
0x6a: {  	s23 =	smov.u32 s5;
	s1 =	sadd.s32 $0x4C0400, s0;
	s2 =	simm.s32 @!p0 $0x0  }
0x6b: {  	vm0 =	vmmov $0xffff;
	v2 =	vlaneseq.u32;
	[sflag:s31] =	ssyncpa.u1 $0x0;
	s9 =	sadd.s32 $0x4B5E00, s0;
	s10 =	sadd.s32 s2, s10  }
0x6c: {  	vm1 =	vmxor vm1, vm1;
	vm2 =	vmmov $0x1;
	vm3 =	vcmask $0x3F3C;
	p0 =	por $0x0, $0x0;
	s11 =	sadd.s32 $0x1, s10;
	s12 =	sadd.s32 $0x2, s10  }
.LBB3_9:
0x6d: {  	p1 =	slt.u32 s24, $0x3  }
0x6e: {  	s0 =	simm.s32 @!p1 $0x2  }
0x6f: {  	_ =	swait.ge @!p1 [sflag:s0], $0x1E00  }
0x70: {  	[sflag:s0] =	ssyncset.done @!p1 $0x0  }
0x71: {  	[sflag:s0] =	ssyncadd.s32 @!p1 $0xFFFFE200;
	s0 =	simm.s32 @!p1 $0x9  }
0x72: {  	_ =	swait.ge @!p1 [sflag:s0], $0x10  }
0x73: {  	[sflag:s0] =	ssyncset.done @!p1 $0x0  }
0x74: {  	[sflag:s0] =	ssyncadd.s32 @!p1 $0xFFFFFFF0;
	p1 =	sne.s32 s24, s12  }
.Ltmp6:
0x75: {  	s2 =	sadd.s32 $0x1E00, s23;
	(pc) =	sbr.rel @!p1 .LBB3_10-.Ltmp6, $4  }
0x76: {  	s3 =	smov.u32 s5;
	s31 =	sadd.s32 $0x1, s24;
	s17 =	sadd.s32 $0x1E00, s17  }
0x77: {  	s18 =	sadd.s32 $0x1, s18;
	s25 =	smov.u32 s23;
	p2 =	slt.s32 s2, s6  }
0x78: {  	p0 =	por !p0, !p0;
	s19 =	sadd.s32 $0x1E00, s19;
	s3 =	smov.u32 @p2 s2  }
0x79: {  	s20 =	sadd.s32 $0x1, s20;
	s23 =	smov.u32 s3;
	s24 =	smov.u32 s31  }
.LBB3_1:
0x7a: {  	p1 =	sge.u32 s24, s10  }
0x7b: {  	s0 =	smulhi.u32 @!p1 $0xAAAAAAAB, s24;
	_ =	sdelay $0x1  }
0x7c: {  	s0 =	sshrl.u32 @!p1 s0, $0x1  }
0x7d: {  	s0 =	smul.u32 @!p1 $0x3, s0;
	_ =	sdelay $0x1  }
0x7e: {  	s0 =	ssub.s32 @!p1 s24, s0  }
0x7f: {  	s0 =	smul.u32 @!p1 $0x7800, s0;
	_ =	sdelay $0x1  }
0x80: {  	s3 =	rddreg [dreg:$0x1];
	s2 =	sshrl.u32 @!p1 s23, $0x3;
	s0 =	sshrl.u32 @!p1 s0, $0x2  }
0x81: {  	s2 =	sadd.s32 @!p1 s3, s2;
	s3 =	sand.u32 @!p1 $0x7, s23;
	s0 =	sor.u32 @!p1 $0x100, s0  }
0x82: {  	[tilespmem:s0], [sflag:$0x7] =	stream.linear.gather @!p1 [hbm4b:s2+s3], $0x1E00, $0x38;
	[tilespmem:$0x10F20] =	vst v63  }
0x83: {  	s0 =	sadd.s32 $0xFFFFFFFF, s24  }
0x84: {  	p1 =	sge.u32 s0, s10  }
.Ltmp7:
0x85: {  	_ = 	snop;
	(pc) =	sbr.rel @p1 .LBB3_5-.Ltmp7, $1  }
0x86: {  	_ =	sdelay $0x3  }
0x87: {  	s2 =	smulhi.u32 $0xAAAAAAAB, s0;
	_ =	sdelay $0x1  }
0x88: {  	s2 =	sshrl.u32 s2, $0x1  }
0x89: {  	s2 =	smul.u32 $0x3, s2;
	_ =	sdelay $0x1  }
0x8a: {  	s2 =	ssub.s32 s0, s2  }
0x8b: {  	s2 =	smul.u32 $0x7800, s2;
	_ =	sdelay $0x1  }
0x8c: {  	_ =	swait.ge [sflag:s7], $0x1E00;
	s2 =	sshrl.u32 s2, $0x2  }
0x8d: {  	[sflag:s7] =	ssyncset.done $0x0;
	s2 =	sor.u32 $0x100, s2  }
0x8e: {  	[sflag:s7] =	ssyncadd.s32 $0xFFFFE200;
	(ifvalue) =	ssetifvalue $0xFFFFFFFF;
	v3 =	vld.msk [tilespmem:s2+$0x0 ss:$0x1], $0xffff;
	_ =	sdelay $0x2  }
0x8f: {  	s30 =	smulhi.u32 $0xAAAAAAAB, s18;
	p1 =	sne.s32 s24, $0x1  }
0x90: {  	v4 =	vimm.s32 @!p1 $0x0  }
0x91: {  	s2 =	sshrl.u32 s30, $0x1;
	v4 =	vperm.xlane @!p1 v3, v4  }
0x92: {  	s3 =	sshll.u32 s24, $0x4;
	s2 =	smul.u32 $0xFFFE9800, s2;
	vm4 =	vlt.u32 v3, $0x4000  }
0x93: {  	s3 =	sand.u32 $0x10, s3;
	v3 =	vnsel vm4, $0xFFFFFFFE, v3;
	vm4 =	vlt.u32 @!p1 v4, $0x4000  }
0x94: {  	s2 =	sshra.s32 s2, $0x2;
	[tilespmem:s3+$0x60] =	vst v3;
	v3 =	vnsel @!p1 vm4, $0xFFFFFFFE, v4  }
0x95: {  	s26 =	sadd.s32 s2, s17;
	[tilespmem:$0x80] =	vst @!p1 v3  }
0x96: {  	v3 =	vld.msk [tilespmem:s26+$0x0 ss:$0x1], $0xffff;
	_ =	sdelay $0x4  }
0x97: {  	(xrf1) =	vunique.msk.u32 $0xffff, v3;
	_ =	sdelay $0xd  }
0x98: {  	v4 =	vimm.s32 $0xFFFFFFFF;
	v5, _, _ =	vpop (xrf1)  }
0x99: {  	vm5 =	vne.s32 v3, v4;
	vm4 =	veq.s32 v5, v2  }
0x9a: {  	vm6 =	vlt.u32 v3, $0x4000;
	vm4 =	vmand vm5, vm4  }
0x9b: {  	vm4 =	vmand vm6, vm4  }
0x9c: {  	v4 =	vnsel vm4, $0xFFFFFFFF, v3  }
0x9d: {  	s31 =	sand.u32 $0x1, s0  }
0x9e: {  	s0 =	simm.s32 $0x1E00;
	p1 =	seq.s32 s31, $0x1  }
0x9f: {  	s0 =	simm.s32 @!p1 $0x0  }
0xa0: {  	s2 =	sadd.s32 $0x78F0, s0;
	(ifvalue) =	ssetifvalue $0xFFFFFFFF  }
0xa1: {  	v3 =	vperm.xlane v3, v1;
	[tilespmem:s2], [sflag:$0x8] =	stream.indirect_vreg.gather [hbm4b:s1+s16], $0x1, v4, vm0, $0x4038;
	v4 =	vnsel vm6, $0xFFFFFFFE, v4;
	[tilespmem:$0x10F20] =	vst v63  }
0xa2: {  	s22 =	sadd.s32 $0xFFFFFFF0, s26;
	s3 =	simm.s32 $0x0;
	[tilespmem:s26+$0x0] =	vst v4  }
.LBB3_3:
0xa3: {  	v4 =	vld.msk [tilespmem:s22+$0x0 ss:$0x1], $0xffff;
	s3 =	sadd.s32 $0x10, s3;
	v5 =	vmov v3;
	s26 =	smov.u32 s22  }
0xa4: {  	p1 =	slt.u32 s3, $0x1DF0;
	_ =	sdelay $0x4  }
0xa5: {  	v3 =	vperm.xlane v4, v1;
	(xrf1) =	vunique.msk.u32 $0xffff, v4;
	_ =	sdelay $0xd  }
0xa6: {  	v6, _, _ =	vpop (xrf1)  }
0xa7: {  	vm5 =	vne.s32 v4, v5;
	vm4 =	veq.s32 v6, v2  }
0xa8: {  	vm6 =	vlt.u32 v4, $0x4000;
	vm4 =	vmand vm5, vm4  }
0xa9: {  	vm4 =	vmand vm6, vm4  }
0xaa: {  	v4 =	vnsel vm4, $0xFFFFFFFF, v4  }
.Ltmp8:
0xab: {  	v5 =	vnsel vm6, $0xFFFFFFFE, v4;
	(pc) =	sbr.rel @p1 .LBB3_3-.Ltmp8, $3  }
0xac: {  	_ =	sdelay $0x1  }
0xad: {  	s22 =	sadd.s32 $0xFFFFFFF0, s22;
	s2 =	sadd.s32 $0xFFFFFFF0, s2;
	(ifvalue) =	ssetifvalue $0xFFFFFFFF  }
0xae: {  	[tilespmem:s2], [sflag:$0x8] =	stream.indirect_vreg.gather [hbm4b:s1+s16], $0x1, v4, vm0, $0x4038;
	[tilespmem:s26+$0x0] =	vst v5  }
0xaf: {  	s2 =	sshrl.u32 s25, $0x3  }
0xb0: {  	s0 =	sadd.s32 $0x9700, s0;
	s2 =	sadd.s32 s9, s2  }
0xb1: {  	[tilespmem:s0], [sflag:$0x8] =	stream.linear.gather [hbm:s2], $0x1E00, $0x38;
	[tilespmem:$0x10F20] =	vst v63  }
.LBB3_5:
0xb2: {  	p1 =	slt.u32 s24, $0x2  }
0xb3: {  	p2 =	sge.u32 @!p1 s24, s12  }
0xb4: {  	p1 =	por p1, p2  }
.Ltmp9:
0xb5: {  	_ = 	snop;
	(pc) =	sbr.rel @p1 .LBB3_9-.Ltmp9, $1  }
0xb6: {  	_ =	sdelay $0x3  }
0xb7: {  	s0 =	sadd.s32 $0xFFFFFFFE, s24  }
0xb8: {  	s2 =	smulhi.u32 $0xAAAAAAAB, s0;
	_ =	sdelay $0x1  }
0xb9: {  	s2 =	sshrl.u32 s2, $0x1  }
0xba: {  	s2 =	smul.u32 $0x3, s2;
	_ =	sdelay $0x1  }
0xbb: {  	s0 =	ssub.s32 s0, s2  }
0xbc: {  	_ =	swait.ge [sflag:s8], $0x3C00;
	s0 =	smul.u32 $0x1E00, s0  }
0xbd: {  	p1 =	sne.s32 s24, s11;
	[sflag:s8] =	ssyncset.done $0x0  }
0xbe: {  	[sflag:s8] =	ssyncadd.s32 $0xFFFFC400;
	s2 =	sadd.s32 @!p1 $0x1EFF, s0  }
0xbf: {  	[spmem:s14] =	stream.linear.scatter @!p1 [tilespmem:s2], [sflag:$0x1], $0x1, $0x38;
	[tilespmem:$0x10F20] =	vst v63  }
0xc0: {  	s2 =	simm.s32 @!p1 $0x1  }
0xc1: {  	_ =	swait.ge @!p1 [sflag:s2], $0x1  }
0xc2: {  	s3 =	sshll.u32 s24, $0x4;
	[sflag:s2] =	ssyncset.done @!p1 $0x0  }
0xc3: {  	s25 =	sand.u32 $0x10, s3;
	[sflag:s2] =	ssyncadd.s32 @!p1 $0xFFFFFFFF  }
0xc4: {  	s2 =	sxor.u32 $0x10, s25;
	v4 =	vld [tilespmem:s25+$0x10]  }
0xc5: {  	v5 =	vld [tilespmem:s2+$0x60]  }
0xc6: {  	v3 =	vld [tilespmem:$0x80];
	_ =	sdelay $0x2  }
0xc7: {  	(v2sf) =	vpush v4, $0x0  }
0xc8: {  	(v2sf) =	vpush v5, $0x0  }
0xc9: {  	(v2sf) =	vpush v3, $0x0;
	_ =	sdelay $0xc  }
0xca: {  	s26 =	spop (v2sf)  }
0xcb: {  	s22 =	spop (v2sf)  }
0xcc: {  	s28 =	spop (v2sf)  }
0xcd: {  	p3 =	seq.s32 s26, s22;
	p2 =	seq.s32 s28, s26  }
0xce: {  	p2 =	por p3, p2  }
0xcf: {  	s26 =	sand.u32 $0x1, s24;
	v4 =	vpsel p2, $0xFFFFFFFF, v4  }
0xd0: {  	s29 =	smul.u32 $0x1E00, s26;
	[tilespmem:s25+$0x10] =	vst.msk $0x1, v4  }
0xd1: {  	v4 =	vld [tilespmem:$0x30]  }
0xd2: {  	v5 =	vld [tilespmem:s29+$0x9700]  }
0xd3: {  	v6 =	vld [tilespmem:s25+$0x40];
	_ =	sdelay $0x3  }
0xd4: {  	vm4 =	vmmov vm1;
	vm6 =	vmmov vm2;
	vm5 =	vgt.s32 v4, v5  }
0xd5: {  	vm4 =	vmmov @p3 vm2;
	s3 =	sshll.u32 s26, $0x4;
	v5 =	vsel vm5, v4, v5;
	vm5 =	vgt.s32 v4, v6  }
0xd6: {  	vm6 =	vmmov @p2 vm1;
	s26 =	sor.u32 $0x10F00, s3;
	v4 =	vsel vm5, v4, v6;
	[tilespmem:s29+$0x9700] =	vst.msk vm4, v5  }
0xd7: {  	[tilespmem:s26+$0x0] =	vst.msk vm6, v4  }
0xd8: {  	v4 =	vld [tilespmem:s29+$0x78F0];
	_ =	sdelay $0x4  }
0xd9: {  	v4 =	vshift.insert v4, v1, s21  }
0xda: {  	s22 =	sor.u32 $0x40, s2  }
0xdb: {  	v5 =	vimm.s32 $0x80000000;
	[tilespmem:s22+$0x0] =	vst.msk $0x1, v4  }
0xdc: {  	[tilespmem:s29+$0x78FF] =	vst.msk $0x1, v5  }
0xdd: {  	v4 =	vld [tilespmem:s0+$0x1EF0];
	_ =	sdelay $0x1  }
0xde: {  	s0 =	simm.s32 $0x1  }
0xdf: {  	s22 =	smulhi.u32 $0xAAAAAAAB, s20;
	s0 =	simm.s32 @!p0 $0x0  }
0xe0: {  	s0 =	smul.u32 $0x7800, s0  }
0xe1: {  	s3 =	sshrl.u32 s22, $0x1;
	v4 =	vshift.insert v4, v1, s21  }
0xe2: {  	s3 =	smul.u32 $0xFFFE9800, s3;
	s0 =	sshrl.u32 s0, $0x2  }
0xe3: {  	s22 =	sadd.s32 $0x9700, s0;
	[tilespmem:s2+$0x10] =	vst.msk $0x1, v4  }
0xe4: {  	s3 =	sshra.s32 s3, $0x2;
	v6 =	vld [tilespmem:s22+$0x0]  }
0xe5: {  	s2 =	sadd.s32 s3, s19  }
0xe6: {  	v7 =	vld [tilespmem:s2+$0x0];
	_ =	sdelay $0x2  }
0xe7: {  	vm4 =	vgt.s32 v6, v5  }
0xe8: {  	v5 =	vsel vm4, v6, v5  }
0xe9: {  	vm4 =	vne.s32 v7, $0xFFFFFFFF;
	v5 =	vxor.u32 $0x80000000, v5  }
0xea: {  	(xrf0) =	vmax.seg.scan.u32 vm4, v5  }
0xeb: {  	s3 =	sadd.s32 $0x5B00, s0  }
0xec: {  	v8 =	vld [tilespmem:s3+$0x0]  }
0xed: {  	v6 =	vld [tilespmem:$0xA0];
	_ =	sdelay $0x2  }
0xee: {  	v5 =	vperm.xlane v4, v1;
	v9, _, _ =	vpop (xrf0)  }
0xef: {  	vm6 =	veq.s32 v7, v3;
	v9 =	vxor.u32 $0x80000000, v9  }
0xf0: {  	vm8 =	veq.s32 v7, v5;
	vm5 =	veq.s32 v6, $0x1;
	vm7 =	vgt.s32 v9, v8  }
0xf1: {  	vm8 =	vmor vm8, vm6;
	v6 =	vsel vm7, v9, v8;
	vm7 =	vgt.u32 v7, $0xFFFFFFFD  }
0xf2: {  	v10 =	vld [tilespmem:$0x90];
	vm9 =	vmand vm4, vm3;
	vm4 =	vmor vm5, vm6;
	vm5 =	vmor vm8, vm7  }
0xf3: {  	v8 =	vsel vm5, $0xFFFFFFFF, v7;
	_ =	sdelay $0x1  }
0xf4: {  	s31 =	simm.s32 $0x0  }
0xf5: {  	s30 =	sadd.s32 $0xD300, s0;
	s0 =	sadd.s32 $0x10, s22;
	s2 =	sadd.s32 $0x10, s2;
	v11 =	vsel vm9, $0x80000000, v9;
	v6 =	vsel vm6, v9, v6  }
0xf6: {  	s22 =	sadd.s32 $0x10, s30;
	s3 =	sadd.s32 $0x10, s3;
	[tilespmem:s30+$0x0] =	vst v6;
	v6 =	vsel vm6, v9, v10;
	v7 =	vshift.insert v11, v0, s21;
	(ifvalue) =	ssetifvalue $0xFFFFFFFF  }
.LBB3_7:
0xf7: {  	[hbm4b:s1+s16] =	stream.indirect_vreg.scatter [tilespmem:s30], [sflag:$0x2], $0x1, v8, vm0, $0x4038;
	[tilespmem:$0x10F20] =	vst v63  }
0xf8: {  	s31 =	sadd.s32 $0x10, s31;
	s30 =	smov.u32 s22;
	v8 =	vld [tilespmem:s0+$0x0]  }
0xf9: {  	p2 =	slt.u32 s31, $0x1DF0  }
0xfa: {  	v9 =	vld [tilespmem:s2+$0x0];
	_ =	sdelay $0x2  }
0xfb: {  	vm5 =	vgt.s32 v8, v7  }
0xfc: {  	v7 =	vsel vm5, v8, v7  }
0xfd: {  	vm5 =	vne.s32 v9, $0xFFFFFFFF;
	v7 =	vxor.u32 $0x80000000, v7  }
0xfe: {  	(xrf0) =	vmax.seg.scan.u32 vm5, v7;
	_ =	sdelay $0x2  }
0xff: {  	v7 =	vld [tilespmem:s3+$0x0];
	_ =	sdelay $0x1  }
0x100: {  	vm6 =	veq.s32 v9, v3;
	vm7 =	veq.s32 v9, v5  }
0x101: {  	vm8 =	vgt.u32 v9, $0xFFFFFFFD;
	vm4 =	vmor vm4, vm6;
	vm7 =	vmor vm7, vm6;
	v8, _, _ =	vpop (xrf0)  }
0x102: {  	vm5 =	vmand vm5, vm3;
	vm7 =	vmor vm7, vm8;
	v10 =	vxor.u32 $0x80000000, v8  }
.Ltmp10:
0x103: {  	v8 =	vsel vm7, $0xFFFFFFFF, v9;
	vm7 =	vgt.s32 v10, v7;
	v9 =	vsel vm5, $0x80000000, v10;
	(pc) =	sbr.rel @p2 .LBB3_7-.Ltmp10, $4  }
0x104: {  	v6 =	vsel vm6, v10, v6;
	v11 =	vsel vm7, v10, v7;
	v7 =	vshift.insert v9, v0, s21  }
0x105: {  	v9 =	vsel vm6, v10, v11  }
0x106: {  	s0 =	sadd.s32 $0x10, s0;
	s2 =	sadd.s32 $0x10, s2;
	[tilespmem:s22+$0x0] =	vst v9  }
0x107: {  	s3 =	sadd.s32 $0x10, s3;
	s22 =	sadd.s32 $0x10, s22;
	(ifvalue) =	ssetifvalue $0xFFFFFFFF  }
0x108: {  	_ =	sdelay $0x3  }
0x109: {  	[hbm4b:s1+s16] =	stream.indirect_vreg.scatter [tilespmem:s30], [sflag:$0x2], $0x1, v8, vm0, $0x4038;
	[tilespmem:$0x10F20] =	vst v63  }
0x10a: {  	v3 =	vld [tilespmem:s29+$0xF0F0];
	_ =	sdelay $0x4  }
0x10b: {  	v3 =	vshift.insert v3, v1, s21  }
0x10c: {  	s0 =	simm.s32 $0x30  }
0x10d: {  	[tilespmem:s0+$0x0] =	vst.msk $0x1, v3  }
0x10e: {  	v3 =	vsel vm4, $0x1, v1;
	[tilespmem:$0x90] =	vst v6  }
0x10f: {  	s0 =	sadd.s32 @!p1 $0xF0FF, s29;
	[tilespmem:$0xA0] =	vst v3  }
0x110: {  	[spmem:s15] =	stream.linear.scatter @!p1 [tilespmem:s0], [sflag:$0x1], $0x1, $0x38;
	[tilespmem:$0x10F20] =	vst v63  }
0x111: {  	s0 =	simm.s32 @!p1 $0x1  }
0x112: {  	v3 =	vmctz.xlane @!p1 vm4;
	_ =	swait.ge @!p1 [sflag:s0], $0x1  }
0x113: {  	(v2sf) =	vpush @!p1 v4, $0x0  }
0x114: {  	(v2sf) =	vpush @!p1 v3, $0x0;
	_ =	sdelay $0xd  }
0x115: {  	s2 =	spop @!p1 (v2sf)  }
0x116: {  	s3 =	spop @!p1 (v2sf)  }
0x117: {  	p2 =	sne.s32 @!p1 s28, s2;
	p3 =	slt.s32 @!p1 s3, $0xF  }
0x118: {  	[sflag:s0] =	ssyncset.done @!p1 $0x0;
	p2 =	por p2, p1;
	p3 =	por !p3, p1  }
0x119: {  	[sflag:s0] =	ssyncadd.s32 @!p1 $0xFFFFFFFF;
	v3 =	vimm.s32 @!p2 $0xFFFFFFFF;
	s3 =	simm.s32 @p3 $0xF  }
0x11a: {  	[tilespmem:$0x80] =	vst @!p2 v3;
	s2 =	sadd.s32 @!p1 $0x90, s3  }
0x11b: {  	[spmem:s4] =	stream.linear.scatter @!p1 [tilespmem:s2], [sflag:$0x1], $0x1, $0x38;
	[tilespmem:$0x10F20] =	vst v63  }
0x11c: {  	_ =	swait.ge @!p1 [sflag:s0], $0x1  }
0x11d: {  	[sflag:s0] =	ssyncset.done @!p1 $0x0  }
0x11e: {  	s2 =	simm.s32 @!p1 $0x80;
	[sflag:s0] =	ssyncadd.s32 @!p1 $0xFFFFFFFF  }
0x11f: {  	[spmem:s13] =	stream.linear.scatter @!p1 [tilespmem:s2], [sflag:$0x1], $0x1, $0x38;
	[tilespmem:$0x10F20] =	vst v63  }
0x120: {  	_ =	swait.ge @!p1 [sflag:s0], $0x1  }
0x121: {  	[sflag:s0] =	ssyncset.done @!p1 $0x0  }
0x122: {  	[sflag:s0] =	ssyncadd.s32 @!p1 $0xFFFFFFFF;
	(ifvalue) =	ssetifvalue $0xFFFFFFFF;
	v3 =	vld [tilespmem:s25+$0x10];
	_ =	sdelay $0x3  }
.Ltmp11:
0x123: {  	_ = 	snop;
	(pc) =	sbr.rel .LBB3_9-.Ltmp11, $3  }
0x124: {  	_ =	sdelay $0x1  }
0x125: {  	(ifvalue) =	ssetifvalue $0xFFFFFFFF  }
0x126: {  	[hbm4b:s1+s16] =	stream.indirect_vreg.scatter [tilespmem:s26], [sflag:$0x9], $0x1, v3, vm0, $0x4038;
	[tilespmem:$0x10F20] =	vst v63  }
.LBB3_10:
0x127: {  	_ =	sfence.sel $0x180000  }
0x128: {  	s0 =	simm.s32 $0x7;
	[bflag:$0x0] =	sbarrier.arrive $0xFFFF  }
0x129: {  	s26 =	simm.s32 $0x8;
	[sflag:s0] =	ssyncpa.u1 $0x1  }
0x12a: {  	s28 =	simm.s32 $0x9;
	[sflag:s26] =	ssyncpa.u1 $0x1  }
0x12b: {  	[sflag:s28] =	ssyncpa.u1 $0x1  }
0x12c: {  	_ =	sfence.stream.spmem  }
0x12d: {  	s29 =	simm.s32 $0x3;
	[bflag:$0x0] =	sbarrier.arrive $0xFFFF  }
0x12e: {  	s30 =	simm.s32 $0x4;
	[sflag:s29] =	ssyncpa.u1 $0x1  }
0x12f: {  	s31 =	simm.s32 $0x3C;
	s2 =	stileid.u32;
	[sflag:s30] =	ssyncpa.u1 $0x1  }
0x130: {  	p0 =	sne.s32 s2, $0x0;
	[sflag:s31] =	ssyncpa.u1 $0x1  }
0x131: {  	s0 =	simm.s32 @p0 $0x1;
	_ =	sfence @p0  }
0x132: {  	[sflag:s0] =	ssyncpa.u1 @p0 $0x1;
	s0 =	simm.s32 @p0 $0x2  }
0x133: {  	[sflag:s0] =	ssyncpa.u1 @p0 $0x1  }
0x134: {  	_ =	strace @p0 $0x90000059  }
0x135: {  	[bflag:$0x2] =	sbarrier.arrive @p0 $0xFFFF  }
0x136: {  	_ =	shalt @p0  }
.LBB3_11:
0x137: {  	_ =	sfence.stream.spmem;
	s0 =	simm.s32 $0x5  }
0x138: {  	s2 =	simm.s32 $0x80;
	s3 =	simm.s32 $0xC0;
	[sflag:s0] =	ssyncpa.u1 $0x0  }
0x139: {  	[tilespmem:s3], [sflag:$0x5] =	stream.linear.gather [spmem:s2], $0x20, $0x38;
	[tilespmem:$0x10F20] =	vst v63  }
0x13a: {  	s30 =	simm.s32 $0xE0;
	s2 =	simm.s32 $0x0  }
0x13b: {  	[tilespmem:s30], [sflag:$0x5] =	stream.linear.gather [spmem:s2], $0x20, $0x38;
	[tilespmem:$0x10F20] =	vst v63  }
.Ltmp12:
0x13c: {  	_ = 	snop;
	(pc) =	sbr.rel .LBB3_12-.Ltmp12, $4  }
0x13d: {  	_ =	swait.ge [sflag:s0], $0x40  }
0x13e: {  	[sflag:s0] =	ssyncset.done $0x0  }
0x13f: {  	s31 =	simm.s32 $0x6;
	[sflag:s0] =	ssyncadd.s32 $0xFFFFFFC0  }
0x140: {  	s3 =	simm.s32 $0x0;
	[sflag:s31] =	ssyncpa.u1 $0x0  }
.LBB3_17:
0x141: {  	p0 =	sgt.u32 s4, $0x3FFF  }
0x142: {  	s0 =	sshrl.u32 @!p0 s4, $0x3  }
0x143: {  	s4 =	sand.u32 @!p0 $0x7, s4;
	s5 =	simm.s32 @!p0 $0xB0;
	s0 =	sadd.s32 @!p0 s1, s0  }
0x144: {  	[tilespmem:s5], [sflag:$0x6] =	stream.linear.gather @!p0 [hbm4b:s0+s4], $0x1, $0x38;
	[tilespmem:$0x10F20] =	vst v63  }
0x145: {  	s0 =	simm.s32 @!p0 $0x6  }
0x146: {  	_ =	swait.ge @!p0 [sflag:s0], $0x1  }
0x147: {  	[sflag:s0] =	ssyncset.done @!p0 $0x0  }
0x148: {  	[sflag:s0] =	ssyncadd.s32 @!p0 $0xFFFFFFFF  }
0x149: {  	v1 =	vld.msk @!p0 [tilespmem:$0xB0], $0x1  }
0x14a: {  	v2 =	vld.msk @!p0 [tilespmem:s3+$0xE0], $0x1;
	_ =	sdelay $0x4  }
0x14b: {  	vm0 =	vgt.s32 @!p0 v2, v1  }
0x14c: {  	v1 =	vsel @!p0 vm0, v2, v1  }
0x14d: {  	[tilespmem:s3+$0xE0] =	vst.msk @!p0 $0x1, v1  }
0x14e: {  	[tilespmem:s2+$0xC0] =	vst.msk $0x1, v0  }
0x14f: {  	v0 =	vld.msk [tilespmem:s3+$0xE0], $0x1;
	_ =	sdelay $0x4  }
0x150: {  	[tilespmem:s2+$0xE0] =	vst.msk $0x1, v0;
	s2 =	sadd.s32 $0x1, s2  }
.LBB3_19:
0x151: {  	s3 =	sadd.s32 $0x1, s3  }
0x152: {  	p0 =	sne.s32 s3, $0x20  }
.Ltmp13:
0x153: {  	_ = 	snop;
	(pc) =	sbr.rel @!p0 .LBB3_20-.Ltmp13, $1  }
0x154: {  	_ =	sdelay $0x3  }
.LBB3_12:
0x155: {  	v0 =	vld.msk [tilespmem:s3+$0xC0], $0x1;
	_ =	sdelay $0x4  }
0x156: {  	(v2sf) =	vpush v0, $0x0;
	_ =	sdelay $0xe  }
0x157: {  	s4 =	spop (v2sf)  }
0x158: {  	p0 =	seq.s32 s4, $0xFFFFFFFF  }
.Ltmp14:
0x159: {  	_ = 	snop;
	(pc) =	sbr.rel @p0 .LBB3_19-.Ltmp14, $1  }
0x15a: {  	_ =	sdelay $0x3  }
0x15b: {  	p0 =	slt.s32 s2, $0x1  }
.Ltmp15:
0x15c: {  	_ = 	snop;
	(pc) =	sbr.rel @p0 .LBB3_17-.Ltmp15, $1  }
0x15d: {  	_ =	sdelay $0x3  }
0x15e: {  	s0 =	simm.s32 $0xC0;
	p0 =	por $0x0, $0x0  }
0x15f: {  	v1 =	vld.msk @!p0 [tilespmem:s0+$0x0], $0x1;
	_ =	sdelay $0x4  }
0x160: {  	(v2sf) =	vpush @!p0 v1, $0x0;
	_ =	sdelay $0xd  }
0x161: {  	p2 =	sne.s32 s2, $0x1  }
.Ltmp16:
0x162: {  	s5 =	spop @!p0 (v2sf);
	(pc) =	sbr.rel @!p2 .LBB3_16-.Ltmp16, $4  }
0x163: {  	p1 =	seq.s32 @!p0 s4, s5  }
0x164: {  	s5 =	simm.s32 $0x0;
	p1 =	por !p1, p0  }
0x165: {  	s7 =	simm.s32 $0xFFFFFFFF;
	s5 =	simm.s32 @p1 $0xFFFFFFFF  }
0x166: {  	s6 =	simm.s32 $0x1;
	s5 =	smov.u32 @p0 s7  }
.LBB3_15:
0x167: {  	s7 =	smov.u32 s5;
	p0 =	sne.s32 s5, $0xFFFFFFFF  }
0x168: {  	s0 =	sadd.s32 $0x1, s0;
	s5 =	smov.u32 s6;
	s6 =	sadd.s32 $0x1, s6  }
0x169: {  	p1 =	sne.s32 s2, s6;
	v1 =	vld.msk @!p0 [tilespmem:s0+$0x0], $0x1;
	_ =	sdelay $0x4  }
0x16a: {  	(v2sf) =	vpush @!p0 v1, $0x0;
	_ =	sdelay $0xe  }
.Ltmp17:
0x16b: {  	s8 =	spop @!p0 (v2sf);
	(pc) =	sbr.rel @p1 .LBB3_15-.Ltmp17, $4  }
0x16c: {  	p2 =	seq.s32 @!p0 s4, s8  }
0x16d: {  	p2 =	por !p2, p0  }
0x16e: {  	s5 =	simm.s32 @p2 $0xFFFFFFFF  }
0x16f: {  	s5 =	smov.u32 @p0 s7  }
.LBB3_16:
0x170: {  	p0 =	sne.s32 s5, $0xFFFFFFFF  }
.Ltmp18:
0x171: {  	_ = 	snop;
	(pc) =	sbr.rel @!p0 .LBB3_17-.Ltmp18, $1  }
0x172: {  	_ =	sdelay $0x3  }
0x173: {  	v0 =	vld.msk [tilespmem:s3+$0xE0], $0x1  }
0x174: {  	v1 =	vld.msk [tilespmem:s5+$0xE0], $0x1;
	_ =	sdelay $0x2  }
.Ltmp19:
0x175: {  	_ = 	snop;
	(pc) =	sbr.rel .LBB3_19-.Ltmp19, $4  }
0x176: {  	_ = 	snop  }
0x177: {  	vm0 =	vgt.s32 v1, v0  }
0x178: {  	v0 =	vsel vm0, v1, v0  }
0x179: {  	[tilespmem:s5+$0xE0] =	vst.msk $0x1, v0  }
.LBB3_20:
0x17a: {  	p0 =	slt.s32 s2, $0x1  }
.Ltmp20:
0x17b: {  	_ = 	snop;
	(pc) =	sbr.rel @p0 .LBB3_24-.Ltmp20, $3  }
0x17c: {  	_ =	sdelay $0x1  }
0x17d: {  	s0 =	simm.s32 $0x6  }
0x17e: {  	s3 =	simm.s32 $0x0;
	[sflag:s0] =	ssyncpa.u1 $0x1  }
0x17f: {  	s0 =	simm.s32 $0xC0  }
0x180: {  	v0 =	vld.msk [tilespmem:s0+$0x0], $0x1;
	_ =	sdelay $0x4  }
0x181: {  	(v2sf) =	vpush v0, $0x0;
	_ =	sdelay $0xe  }
0x182: {  	s2 =	sadd.s32 $0xFFFFFFFF, s2;
	s4 =	spop (v2sf)  }
0x183: {  	p1 =	sne.s32 s2, $0x0;
	p0 =	sgt.u32 s4, $0x3FFF  }
.Ltmp21:
0x184: {  	s5 =	sshrl.u32 @!p0 s4, $0x3;
	(pc) =	sbr.rel @!p1 .LBB3_23-.Ltmp21, $4  }
0x185: {  	s0 =	simm.s32 $0xE0;
	s4 =	sand.u32 @!p0 $0x7, s4;
	s5 =	sadd.s32 @!p0 s1, s5  }
0x186: {  	[hbm4b:s5+s4] =	stream.linear.scatter @!p0 [tilespmem:s0], [sflag:$0x5], $0x1, $0x38;
	[tilespmem:$0x10F20] =	vst v63  }
0x187: {  	s5 =	simm.s32 $0x0  }
0x188: {  	s4 =	simm.s32 $0xC1;
	s5 =	simm.s32 @!p0 $0x4  }
.LBB3_22:
0x189: {  	v0 =	vld.msk [tilespmem:s4+$0x0], $0x1;
	s2 =	sadd.s32 $0xFFFFFFFF, s2;
	s3 =	sadd.s32 s3, s5  }
0x18a: {  	p0 =	sne.s32 s2, $0x0;
	_ =	sdelay $0x3  }
0x18b: {  	(v2sf) =	vpush v0, $0x0;
	_ =	sdelay $0xe  }
.Ltmp22:
0x18c: {  	s6 =	spop (v2sf);
	(pc) =	sbr.rel @p0 .LBB3_22-.Ltmp22, $4  }
0x18d: {  	s5 =	simm.s32 $0x0;
	p1 =	sgt.u32 s6, $0x3FFF  }
0x18e: {  	s0 =	sadd.s32 $0x1, s0;
	s5 =	simm.s32 @!p1 $0x4;
	s7 =	sshrl.u32 @!p1 s6, $0x3  }
0x18f: {  	s4 =	sadd.s32 $0x1, s4;
	s6 =	sand.u32 @!p1 $0x7, s6;
	s7 =	sadd.s32 @!p1 s1, s7  }
0x190: {  	[hbm4b:s7+s6] =	stream.linear.scatter @!p1 [tilespmem:s0], [sflag:$0x5], $0x1, $0x38;
	[tilespmem:$0x10F20] =	vst v63  }
.LBB3_23:
0x191: {  	s0 =	sadd.s32 s3, s5  }
0x192: {  	s3 =	sshrl.u32 s0, $0x2  }
.LBB3_24:
0x193: {  	s0 =	simm.s32 $0x5  }
0x194: {  	_ =	swait.ge [sflag:s0], s3  }
0x195: {  	s1 =	ssub.s32 $0x0, s3;
	[sflag:s0] =	ssyncset.done $0x0  }
0x196: {  	[sflag:s0] =	ssyncadd.s32 s1  }
0x197: {  	[sflag:s0] =	ssyncpa.u1 $0x1  }
0x198: {  	s29 =	simm.s32 $0x1;
	_ =	sfence  }
0x199: {  	s30 =	simm.s32 $0x2;
	[sflag:s29] =	ssyncpa.u1 $0x1  }
0x19a: {  	[sflag:s30] =	ssyncpa.u1 $0x1  }
0x19b: {  	_ =	strace $0x90000059  }
0x19c: {  	[bflag:$0x2] =	sbarrier.arrive $0xFFFF  }
0x19d: {  	s31 =	rddreg [dreg:$0x2]  }
0x19e: {  	s0 =	sadd.s32 $0x100000, s31  }
0x19f: {  	[sflag:s0] =	ssyncadd.tile.s32 $0x1;
	_ =	shalt  }
.Lfunc_end3:
_tile_overlayer_lowered:
.L_overlay_start_3:
0x1a0: {  	(tag) =	ssettag $0x3  }
0x1a1: {  	s0 =	rddreg [dreg:$0x0];
	s2 =	stileid.u32  }
0x1a2: {  	s1 =	rddreg [dreg:$0x1];
	p0 =	sne.s32 s2, $0x0  }
0x1a3: {  	s3 =	rddreg [dreg:$0x2];
	[bflag:$0x3] =	sbarrier.arrive $0xFFFF;
	s2 =	simm.s32 @!p0 $0x1C01  }
0x1a4: {  	[timem:s3], [sflag:s2] =	dma.local @!p0 [hbm:s0], s1  }
0x1a5: {  	s0 =	simm.s32 @!p0 $0x1  }
0x1a6: {  	_ =	swait.ge @!p0 [sflag:s0], s1  }
0x1a7: {  	s1 =	ssub.s32 @!p0 $0x0, s1;
	[sflag:s0] =	ssyncset.done @!p0 $0x0  }
0x1a8: {  	[sflag:s0] =	ssyncadd.s32 @!p0 s1  }
0x1a9: {  	[bflag:$0x3] =	sbarrier.arrive $0xFFFF  }
0x1aa: {  	_ =	shalt  }

// kernel: scatter_offload_async_start
scs
__scs_entry_jumppad:
0x0: {  	(pc) =	sbr.rel $0x88, $3  }
0x1: {  	(tag) =	ssettag $0x0;
	lr =	simm.s32 $0x1  }
0x2: {  	[smem:$0x3F80] =	sst lr;
	_ =	strace $0xD0000000  }
0x3: {  	_ = 	snop  }
0x4: {  	_ = 	snop  }
0x5: {  	_ = 	snop  }
0x6: {  	_ = 	snop  }
0x7: {  	_ = 	snop  }
__scs_overlays_trampoline_lowered:
0x8: {  	[smem:$0x3F8F] =	sst s0  }
0x9: {  	[smem:$0x3F90] =	sst s1  }
0xa: {  	[smem:$0x3F91] =	sst s2  }
0xb: {  	[smem:$0x3F92] =	sst s3  }
0xc: {  	[smem:$0x3F93] =	sst s4  }
0xd: {  	[smem:$0x3F94] =	sst s5  }
0xe: {  	[smem:$0x3F95] =	sst s6  }
0xf: {  	[smem:$0x3F96] =	sst s7  }
0x10: {  	[smem:$0x3F97] =	sst s8  }
0x11: {  	[smem:$0x3F98] =	sst s9;
	s0 =	simm.s32 @!p0 $0x0  }
0x12: {  	s1 =	sld [smem:$0x3F7E];
	s0 =	simm.s32 @p0 $0x1  }
0x13: {  	[smem:$0x3F99] =	sst s0;
	s0 =	simm.s32 @!p1 $0x0  }
0x14: {  	s2 =	sld [smem:$0x3F7D];
	s0 =	simm.s32 @p1 $0x1  }
0x15: {  	[smem:$0x3F9A] =	sst s0;
	s0 =	simm.s32 @!p2 $0x0  }
0x16: {  	s3 =	sld [smem:$0x3FDB];
	s0 =	simm.s32 @p2 $0x1  }
0x17: {  	s4 =	simm.s32 $0x1BF5;
	[smem:$0x3F9C] =	sst s0  }
0x18: {  	s0 =	sld [smem:$0x3F7F];
	_ =	swait.ge [sflag:s4], $0x0  }
0x19: {  	s7 =	sld [smem:$0x3F80]  }
0x1a: {  	s8 =	sadd.s32 $0xFFFFE003, lr  }
0x1b: {  	s9 =	sadd.s32 $0xFFFFFEF7, lr;
	s5 =	simm.s32 $0xFFFFFFFF;
	p2 =	slt.u32 s8, $0xFFFFF086  }
0x1c: {  	p1 =	slt.u32 s9, $0xF7A;
	s5 =	simm.s32 @!p2 $0x0  }
0x1d: {  	s5 =	simm.s32 @p1 $0x1;
	p0 =	seq.s32 s7, s2  }
0x1e: {  	s7 =	smul.u32 @!p0 $0xF7A, s2;
	p2 =	seq.s32 @!p0 s5, $0x0  }
0x1f: {  	s9 =	smul.u32 $0xF7A, s1;
	s8 =	simm.s32 @!p0 $0x1BF5;
	p2 =	por !p2, p0  }
0x20: {  	[sflag:s8] =	ssyncset.s32 @!p0 $0xFFFFF086;
	s6 =	sadd.s32 @!p0 s3, s7;
	s7 =	simm.s32 @!p0 $0x108  }
0x21: {  	s3 =	sadd.s32 s3, s9;
	s6 =	sadd.s32 @!p0 $0x88, s6;
	s7 =	simm.s32 @p2 $0x1082  }
0x22: {  	[simem:s7], [sflag:s8] =	dma.local @!p0 [hbm:s6], $0xF7A  }
0x23: {  	s9 =	sor.u32 $0xD0000000, s2;
	s6 =	simm.s32 $0x108;
	_ =	swait.ge @!p0 [sflag:s8], $0x0  }
0x24: {  	s3 =	sadd.s32 $0x88, s3;
	s6 =	simm.s32 @!p1 $0x1082;
	[sflag:s4] =	ssyncset.s32 $0xFFFFF086  }
0x25: {  	[simem:s6], [sflag:s4] =	dma.local [hbm:s3], $0xF7A  }
0x26: {  	[smem:$0x3F80] =	sst s1;
	(tag) =	ssettag s2;
	_ =	strace s9  }
0x27: {  	s1 =	sld [smem:$0x3F90]  }
0x28: {  	s2 =	sld [smem:$0x3F91]  }
0x29: {  	s4 =	sld [smem:$0x3F93]  }
0x2a: {  	p0 =	seq.s32 s5, $0x0;
	s5 =	sld [smem:$0x3F94]  }
0x2b: {  	s6 =	sld [smem:$0x3F95]  }
0x2c: {  	s7 =	sld [smem:$0x3F96]  }
0x2d: {  	s3 =	simm.s32 $0x108;
	s8 =	sld [smem:$0x3F97]  }
0x2e: {  	s3 =	simm.s32 @!p0 $0x1082;
	s9 =	sld [smem:$0x3F98]  }
0x2f: {  	lr =	sadd.s32 s0, s3;
	s0 =	sld [smem:$0x3F8F]  }
0x30: {  	s3 =	sld [smem:$0x3F92]  }
0x31: {  	[smem:$0x3F9B] =	sst s10  }
0x32: {  	s10 =	sld [smem:$0x3F99];
	_ =	sdelay $0x3  }
0x33: {  	p0 =	seq.s32 s10, $0x1;
	s10 =	sld [smem:$0x3F9B];
	_ =	sdelay $0x3  }
0x34: {  	[smem:$0x3F9B] =	sst s10  }
0x35: {  	s10 =	sld [smem:$0x3F9A];
	_ =	sdelay $0x3  }
0x36: {  	p1 =	seq.s32 s10, $0x1;
	s10 =	sld [smem:$0x3F9B];
	_ =	sdelay $0x3  }
0x37: {  	[smem:$0x3F9B] =	sst s10  }
0x38: {  	s10 =	sld [smem:$0x3F9C]  }
0x39: {  	_ = 	snop;
	(pc) =	sbr.ind lr, $3  }
0x3a: {  	_ = 	snop  }
0x3b: {  	_ = 	snop  }
0x3c: {  	p2 =	seq.s32 s10, $0x1;
	s10 =	sld [smem:$0x3F9B]  }
0x3d: {  	_ =	shalt  }
0x3e: {  	_ =	shalt  }
0x3f: {  	_ =	shalt  }
0x40: {  	_ =	shalt  }
0x41: {  	_ =	shalt  }
0x42: {  	_ =	shalt  }
0x43: {  	_ =	shalt  }
0x44: {  	_ =	shalt  }
0x45: {  	_ =	shalt  }
0x46: {  	_ =	shalt  }
0x47: {  	_ =	shalt  }
0x48: {  	_ =	shalt  }
0x49: {  	_ =	shalt  }
0x4a: {  	_ =	shalt  }
0x4b: {  	_ =	shalt  }
0x4c: {  	_ =	shalt  }
0x4d: {  	_ =	shalt  }
0x4e: {  	_ =	shalt  }
0x4f: {  	_ =	shalt  }
0x50: {  	_ =	shalt  }
0x51: {  	_ =	shalt  }
0x52: {  	_ =	shalt  }
0x53: {  	_ =	shalt  }
0x54: {  	_ =	shalt  }
0x55: {  	_ =	shalt  }
0x56: {  	_ =	shalt  }
0x57: {  	_ =	shalt  }
0x58: {  	_ =	shalt  }
0x59: {  	_ =	shalt  }
0x5a: {  	_ =	shalt  }
0x5b: {  	_ =	shalt  }
0x5c: {  	_ =	shalt  }
0x5d: {  	_ =	shalt  }
0x5e: {  	_ =	shalt  }
0x5f: {  	_ =	shalt  }
0x60: {  	_ =	shalt  }
0x61: {  	_ =	shalt  }
0x62: {  	_ =	shalt  }
0x63: {  	_ =	shalt  }
0x64: {  	_ =	shalt  }
0x65: {  	_ =	shalt  }
0x66: {  	_ =	shalt  }
0x67: {  	_ =	shalt  }
0x68: {  	_ =	shalt  }
0x69: {  	_ =	shalt  }
0x6a: {  	_ =	shalt  }
0x6b: {  	_ =	shalt  }
0x6c: {  	_ =	shalt  }
0x6d: {  	_ =	shalt  }
0x6e: {  	_ =	shalt  }
0x6f: {  	_ =	shalt  }
0x70: {  	_ =	shalt  }
0x71: {  	_ =	shalt  }
0x72: {  	_ =	shalt  }
0x73: {  	_ =	shalt  }
0x74: {  	_ =	shalt  }
0x75: {  	_ =	shalt  }
0x76: {  	_ =	shalt  }
0x77: {  	_ =	shalt  }
0x78: {  	_ =	shalt  }
0x79: {  	_ =	shalt  }
0x7a: {  	_ =	shalt  }
0x7b: {  	_ =	shalt  }
0x7c: {  	_ =	shalt  }
0x7d: {  	_ =	shalt  }
0x7e: {  	_ =	shalt  }
0x7f: {  	_ =	shalt  }
0x80: {  	_ =	shalt  }
0x81: {  	_ =	shalt  }
0x82: {  	_ =	shalt  }
0x83: {  	_ =	shalt  }
0x84: {  	_ =	shalt  }
0x85: {  	_ =	shalt  }
0x86: {  	_ =	shalt  }
0x87: {  	_ =	shalt  }
.Lfunc_end0:
.L_simem_size_0:
called_computation_lowered:
.L_overlay_start_0:
0x88: {  	s0 =	sld [smem:$0x3FD9]  }
0x89: {  	s1 =	sld [smem:$0x3FFE];
	_ =	sdelay $0x3  }
0x8a: {  	s0 =	sadd.s32 s1, s0  }
0x8b: {  	[smem:$0x3FA7] =	sst s0  }
0x8c: {  	_ = 	snop  }
0x8d: {  	(tm) =	ssettm $0x1  }
0x8e: {  	s14 =	sld [smem:$0x3FFB];
	_ =	sdelay $0x3  }
0x8f: {  	_ =	strace s14  }
0x90: {  	s0 =	sld [smem:$0x3FFC];
	_ =	sdelay $0x3  }
0x91: {  	_ =	strace s0  }
0x92: {  	s0 =	sld [smem:$0x3FFD];
	_ =	sdelay $0x3  }
0x93: {  	_ =	strace s0  }
0x94: {  	_ =	strace $0x8FFFFFFF  }
0x95: {  	s15 =	sld [smem:$0x3FDB];
	_ =	sdelay $0x1  }
0x96: {  	s16 =	simm.s32 $_scs_section_size  }
0x97: {  	s2 =	simm.s32 $_size__tile_overlayer_lowered;
	s3 =	simm.s32 $_tile_overlayer_lowered  }
0x98: {  	s4 =	simm.s32 $0x1BFF;
	s17 =	sshll.u32 s3, $0x1;
	s1 =	sadd.s32 s16, s15  }
0x99: {  	s18 =	simm.s32 $0x0;
	s2 =	sshll.u32 s2, $0x1;
	s3 =	sadd.s32 s17, s1  }
0x9a: {  	[timem:s18], [sflag:s4] =	dma.local [hbm:s3], s2  }
0x9b: {  	_ =	swait.ge [sflag:s4], s2  }
0x9c: {  	s2 =	ssub.s32 $0x0, s2;
	[sflag:s4] =	ssyncset.done $0x0  }
0x9d: {  	[sflag:s4] =	ssyncadd.s32 s2;
	_ =	sdelay $0x1  }
0x9e: {  	s19 =	simm.s32 $0x1B8B  }
0x9f: {  	_ =	swait.ge [sflag:s19], $0x1  }
0xa0: {  	[sflag:s19] =	ssyncset.done $0x0  }
0xa1: {  	s21 =	simm.s32 $0x1B8E;
	s20 =	sld [smem:$0x3FFE];
	[sflag:s19] =	ssyncadd.s32 $0xFFFFFFFF  }
0xa2: {  	s22 =	simm.s32 $execute0_lowered;
	[smem:$0x3FD2] =	sst s21  }
0xa3: {  	s3 =	sshll.u32 s22, $0x1;
	_ =	strace $0x80000046;
	[dreg:$0x1] =	wrdreg $0xFFFFFFFF  }
0xa4: {  	s23 =	simm.s32 $_size_execute0_lowered;
	s3 =	sadd.s32 s1, s3;
	[dreg:$0x0] =	wrdreg $0x0  }
0xa5: {  	s4 =	sshll.u32 s23, $0x1;
	[dreg:$0x2] =	wrdreg s3  }
0xa6: {  	[dreg:$0x3] =	wrdreg s4  }
0xa7: {  	[dreg:$0x4] =	wrdreg $0xC0  }
0xa8: {  	s24 =	simm.s32 $execute1_lowered;
	_ =	task [dreg:s18], $0x5FFFF  }
0xa9: {  	s3 =	sshll.u32 s24, $0x1;
	[dreg:$0x1] =	wrdreg $0xFFFFFFFF  }
0xaa: {  	s1 =	sadd.s32 s1, s3;
	[dreg:$0x0] =	wrdreg $0x60  }
0xab: {  	[dreg:$0x2] =	wrdreg s1  }
0xac: {  	[dreg:$0x3] =	wrdreg s20  }
0xad: {  	[dreg:$0x4] =	wrdreg $0x9  }
0xae: {  	_ =	task.clear_ibuf [dreg:s18], $0x5FFFF;
	_ =	strace $0x90000046  }
0xaf: {  	s25 =	simm.s32 $0x9;
	_ =	strace $0x80000048  }
0xb0: {  	_ =	swait.ge [sflag:s25], $0x1  }
0xb1: {  	[sflag:s25] =	ssyncadd.s32 $0xFFFFFFFF  }
0xb2: {  	_ =	strace $0x90000048  }
0xb3: {  	_ =	strace $0x80000049;
	[dreg:$0x1] =	wrdreg $0xFFFFFFFF  }
0xb4: {  	[dreg:$0x0] =	wrdreg $0x2030  }
0xb5: {  	[dreg:$0x2] =	wrdreg s20  }
0xb6: {  	[dreg:$0x3] =	wrdreg $0xA  }
0xb7: {  	_ =	task.clear_ibuf [dreg:s18], $0x4FFFF;
	_ =	strace $0x90000049  }
0xb8: {  	s26 =	simm.s32 $0xA;
	_ =	strace $0x8000004B  }
0xb9: {  	_ =	swait.ge [sflag:s26], $0x1  }
0xba: {  	[sflag:s26] =	ssyncadd.s32 $0xFFFFFFFF  }
0xbb: {  	_ =	strace $0x9000004B  }
0xbc: {  	_ =	sfence  }
0xbd: {  	s28 =	sld [smem:$0x0];
	_ =	sdelay $0x1  }
0xbe: {  	s29 =	srdreg.scid  }
0xbf: {  	s30 =	sshll.u32 s29, $0xD;
	s31 =	sshrl.u32 s29, $0x2  }
0xc0: {  	s2 =	sand.u32 $0x1, s29;
	s3 =	sand.u32 $0x4000, s30;
	s1 =	sadd.s32 s31, s28  }
0xc1: {  	s2 =	sor.u32 s3, s2;
	s1 =	sshll.u32 s1, $0x11  }
0xc2: {  	s1 =	sor.u32 s1, s2  }
0xc3: {  	s1 =	sadd.s32 $0x8F2B, s1  }
0xc4: {  	[sflag:s1] =	ssyncadd.remote.s32 $0x1  }
0xc5: {  	_ =	sfence.sel $0xFFFF  }
0xc6: {  	[dreg:$0x0] =	wrdreg $0xFFFFFFFF;
	(pc) =	sbr.abs _section_cstart, $3  }
0xc7: {  	[dreg:$0x1] =	wrdreg $0xFFFFFFFF  }
0xc8: {  	_ =	task.clear_ibuf [dreg:s18], $0x2FFFF;
	_ =	strace $0x9FFFFFFF  }
0xc9: {  	(tm) =	ssettm $0x7FFFFFFF  }
tec
execute0_lowered:
.L_overlay_start_1:
0x0: {  	(tag) =	ssettag $0x1  }
0x1: {  	s2 =	rddreg [dreg:$0x0]  }
0x2: {  	s3 =	rddreg [dreg:$0x1]  }
0x3: {  	s0 =	rddreg [dreg:$0x2];
	s4 =	stileid.u32;
	[bflag:$0x3] =	sbarrier.arrive $0xFFFF  }
0x4: {  	s1 =	simm.s32 $_size_execute1_lowered;
	s7 =	simm.s32 $0x1;
	p0 =	sne.s32 s4, $0x0  }
0x5: {  	s1 =	sshll.u32 s1, $0x1;
	s5 =	simm.s32 @!p0 $0x1C3F;
	s6 =	simm.s32 @!p0 $0x4060  }
0x6: {  	[timem:s6], [sflag:s5] =	dma.local @!p0 [hbm:s2], s1  }
0x7: {  	s8 =	simm.s32 $0x2;
	s10 =	simm.s32 $0x0;
	s2 =	sshll.u32 s4, $0xA  }
0x8: {  	s9 =	simm.s32 $0x0;
	s4 =	sshll.u32 s4, $0x7;
	s29 =	ssub.s32 $0x4000, s2  }
.Ltmp0:
0x9: {  	_ =	strace $0x80000047;
	s31 =	sand.u32 $0x3C00, s29;
	(pc) =	sbr.rel .LBB2_1-.Ltmp0, $4  }
0xa: {  	s30 =	sadd.s32 s4, s3;
	s3 =	sadd.s32 $0x4F8000, s3;
	p1 =	sne.s32 s31, $0x0  }
0xb: {  	s4 =	simm.s32 $0x1;
	s5 =	sshrl.u32 s29, $0xE;
	s7 =	simm.s32 @!p1 $0x0  }
0xc: {  	[sflag:s4] =	ssyncpa.u1 $0x0;
	s6 =	sadd.s32 $0x4F7800, s30;
	s5 =	sadd.s32 s7, s5  }
0xd: {  	[sflag:s8] =	ssyncpa.u1 $0x0;
	s8 =	simm.s32 $0x0;
	s7 =	sadd.s32 $0x1, s5  }
.LBB2_5:
0xe: {  	p2 =	sne.s32 s9, s7  }
.Ltmp1:
0xf: {  	p1 =	slt.u32 s9, $0x2;
	(pc) =	sbr.rel @!p2 .LBB2_6-.Ltmp1, $4  }
0x10: {  	s10 =	simm.s32 @!p1 $0x2  }
0x11: {  	_ =	swait.ge @!p1 [sflag:s10], $0x400  }
0x12: {  	s11 =	sadd.s32 $0x1, s9;
	[sflag:s10] =	ssyncset.done @!p1 $0x0  }
0x13: {  	s9 =	smov.u32 s11;
	[sflag:s10] =	ssyncadd.s32 @!p1 $0xFFFFFC00;
	s10 =	smov.u32 s2  }
.LBB2_1:
0x14: {  	p1 =	sge.u32 s9, s5  }
0x15: {  	s11 =	sxor.u32 @!p1 $0xFFFFFFFF, s9  }
0x16: {  	s11 =	sshll.u32 @!p1 s11, $0xA  }
0x17: {  	s31 =	sadd.s32 $0xFFFFFFFF, s9;
	s12 =	simm.s32 @!p1 $0x0;
	s11 =	sand.u32 @!p1 $0x400, s11  }
0x18: {  	[tilespmem:s11], [sflag:$0x1] =	stream.linear.gather @!p1 [hbm4b:s6+s12], $0x400, $0x38;
	[tilespmem:$0x1000] =	vst v63  }
0x19: {  	p1 =	sge.u32 s31, s5  }
.Ltmp2:
0x1a: {  	_ = 	snop;
	(pc) =	sbr.rel @p1 .LBB2_5-.Ltmp2, $1  }
0x1b: {  	_ =	sdelay $0x3  }
0x1c: {  	s11 =	sshll.u32 s9, $0xA  }
0x1d: {  	s13 =	sand.u32 $0x400, s11  }
0x1e: {  	v0 =	vmov s13  }
0x1f: {  	_ =	swait.ge [sflag:s4], $0x400  }
0x20: {  	[sflag:s4] =	ssyncset.done $0x0;
	s11 =	sor.u32 $0x800, s13  }
0x21: {  	s12 =	simm.s32 $0x0;
	p1 =	por $0x1, $0x1;
	[sflag:s4] =	ssyncadd.s32 $0xFFFFFC00;
	v1 =	vmov s11  }
.LBB2_3:
0x22: {  	s13 =	sor.u32 $0x10, s12  }
0x23: {  	s14 =	sor.u32 $0x20, s12;
	v2 =	vld.idx.msk [tilespmem:v0+s13+$0x0 ss:$0x1], $0xffff  }
0x24: {  	s15 =	sor.u32 $0x30, s12;
	v3 =	vld.idx.msk [tilespmem:v0+s14+$0x0 ss:$0x1], $0xffff  }
0x25: {  	s16 =	sor.u32 $0x40, s12;
	v4 =	vld.idx.msk [tilespmem:v0+s15+$0x0 ss:$0x1], $0xffff  }
0x26: {  	s17 =	sor.u32 $0x50, s12;
	v5 =	vld.idx.msk [tilespmem:v0+s16+$0x0 ss:$0x1], $0xffff  }
0x27: {  	s18 =	sor.u32 $0x60, s12;
	v6 =	vld.idx.msk [tilespmem:v0+s17+$0x0 ss:$0x1], $0xffff  }
0x28: {  	s31 =	sor.u32 $0x70, s12;
	[tilespmem:v1+s13+$0x0 ss:$0x1] =	vst.idx.msk $0xffff, v2;
	v2 =	vld.idx.msk [tilespmem:v0+s18+$0x0 ss:$0x1], $0xffff  }
0x29: {  	s19 =	sor.u32 $0x80, s12;
	[tilespmem:v1+s14+$0x0 ss:$0x1] =	vst.idx.msk $0xffff, v3;
	v3 =	vld.idx.msk [tilespmem:v0+s31+$0x0 ss:$0x1], $0xffff  }
0x2a: {  	s20 =	sor.u32 $0x90, s12;
	v49 =	vld.idx.msk [tilespmem:v0+s19+$0x0 ss:$0x1], $0xffff;
	[tilespmem:v1+s15+$0x0 ss:$0x1] =	vst.idx.msk $0xffff, v4  }
0x2b: {  	s21 =	sor.u32 $0xA0, s12;
	v50 =	vld.idx.msk [tilespmem:v0+s20+$0x0 ss:$0x1], $0xffff;
	[tilespmem:v1+s16+$0x0 ss:$0x1] =	vst.idx.msk $0xffff, v5  }
0x2c: {  	s22 =	sor.u32 $0xB0, s12;
	v51 =	vld.idx.msk [tilespmem:v0+s21+$0x0 ss:$0x1], $0xffff;
	[tilespmem:v1+s17+$0x0 ss:$0x1] =	vst.idx.msk $0xffff, v6  }
0x2d: {  	s23 =	sor.u32 $0xC0, s12;
	[tilespmem:v1+s18+$0x0 ss:$0x1] =	vst.idx.msk $0xffff, v2;
	v2 =	vld.idx.msk [tilespmem:v0+s22+$0x0 ss:$0x1], $0xffff  }
0x2e: {  	s24 =	sor.u32 $0xD0, s12;
	[tilespmem:v1+s31+$0x0 ss:$0x1] =	vst.idx.msk $0xffff, v3;
	v3 =	vld.idx.msk [tilespmem:v0+s23+$0x0 ss:$0x1], $0xffff  }
0x2f: {  	s25 =	sor.u32 $0xE0, s12;
	v52 =	vld.idx.msk [tilespmem:v0+s24+$0x0 ss:$0x1], $0xffff;
	[tilespmem:v1+s19+$0x0 ss:$0x1] =	vst.idx.msk $0xffff, v49  }
0x30: {  	s26 =	sor.u32 $0xF0, s12;
	v53 =	vld.idx.msk [tilespmem:v0+s25+$0x0 ss:$0x1], $0xffff;
	[tilespmem:v1+s20+$0x0 ss:$0x1] =	vst.idx.msk $0xffff, v50  }
0x31: {  	s28 =	sor.u32 $0x100, s12;
	v54 =	vld.idx.msk [tilespmem:v0+s26+$0x0 ss:$0x1], $0xffff;
	[tilespmem:v1+s21+$0x0 ss:$0x1] =	vst.idx.msk $0xffff, v51  }
0x32: {  	s29 =	sor.u32 $0x110, s12;
	[tilespmem:v1+s22+$0x0 ss:$0x1] =	vst.idx.msk $0xffff, v2;
	v2 =	vld.idx.msk [tilespmem:v0+s28+$0x0 ss:$0x1], $0xffff  }
0x33: {  	s30 =	sor.u32 $0x120, s12;
	[tilespmem:v1+s23+$0x0 ss:$0x1] =	vst.idx.msk $0xffff, v3;
	v3 =	vld.idx.msk [tilespmem:v0+s29+$0x0 ss:$0x1], $0xffff  }
0x34: {  	v55 =	vld.idx.msk [tilespmem:v0+s30+$0x0 ss:$0x1], $0xffff;
	[tilespmem:v1+s24+$0x0 ss:$0x1] =	vst.idx.msk $0xffff, v52;
	s19 =	sor.u32 $0x140, s12  }
0x35: {  	[tilespmem:v1+s25+$0x0 ss:$0x1] =	vst.idx.msk $0xffff, v53;
	s24 =	sor.u32 $0x190, s12;
	v57 =	vld.idx.msk [tilespmem:v0+s19+$0x0 ss:$0x1], $0xffff  }
0x36: {  	[tilespmem:v1+s26+$0x0 ss:$0x1] =	vst.idx.msk $0xffff, v54;
	s20 =	sor.u32 $0x150, s12;
	v60 =	vld.idx.msk [tilespmem:v0+s24+$0x0 ss:$0x1], $0xffff  }
0x37: {  	s21 =	sor.u32 $0x160, s12;
	[tilespmem:v1+s28+$0x0 ss:$0x1] =	vst.idx.msk $0xffff, v2;
	v2 =	vld.idx.msk [tilespmem:v0+s20+$0x0 ss:$0x1], $0xffff  }
0x38: {  	s26 =	sor.u32 $0x1B0, s12;
	[tilespmem:v1+s29+$0x0 ss:$0x1] =	vst.idx.msk $0xffff, v3;
	v3 =	vld.idx.msk [tilespmem:v0+s21+$0x0 ss:$0x1], $0xffff  }
0x39: {  	[tilespmem:v1+s30+$0x0 ss:$0x1] =	vst.idx.msk $0xffff, v55;
	v61 =	vld.idx.msk [tilespmem:v0+s26+$0x0 ss:$0x1], $0xffff;
	s31 =	sor.u32 $0x130, s12  }
0x3a: {  	v56 =	vld.idx.msk [tilespmem:v0+s31+$0x0 ss:$0x1], $0xffff;
	[tilespmem:v1+s19+$0x0 ss:$0x1] =	vst.idx.msk $0xffff, v57;
	s22 =	sor.u32 $0x170, s12  }
0x3b: {  	[tilespmem:v1+s24+$0x0 ss:$0x1] =	vst.idx.msk $0xffff, v60;
	v58 =	vld.idx.msk [tilespmem:v0+s22+$0x0 ss:$0x1], $0xffff  }
0x3c: {  	s25 =	sor.u32 $0x1A0, s12;
	[tilespmem:v1+s20+$0x0 ss:$0x1] =	vst.idx.msk $0xffff, v2;
	v2 =	vld.idx.msk [tilespmem:v0+s12+$0x0 ss:$0x1], $0xffff  }
0x3d: {  	s23 =	sor.u32 $0x180, s12;
	[tilespmem:v1+s21+$0x0 ss:$0x1] =	vst.idx.msk $0xffff, v3;
	v3 =	vld.idx.msk [tilespmem:v0+s25+$0x0 ss:$0x1], $0xffff  }
0x3e: {  	[tilespmem:v1+s26+$0x0 ss:$0x1] =	vst.idx.msk $0xffff, v61;
	v59 =	vld.idx.msk [tilespmem:v0+s23+$0x0 ss:$0x1], $0xffff;
	s28 =	sor.u32 $0x1C0, s12  }
0x3f: {  	[tilespmem:v1+s31+$0x0 ss:$0x1] =	vst.idx.msk $0xffff, v56;
	s29 =	sor.u32 $0x1D0, s12;
	v62 =	vld.idx.msk [tilespmem:v0+s28+$0x0 ss:$0x1], $0xffff  }
0x40: {  	s30 =	sor.u32 $0x1E0, s12;
	[tilespmem:v1+s22+$0x0 ss:$0x1] =	vst.idx.msk $0xffff, v58;
	v63 =	vld.idx.msk [tilespmem:v0+s29+$0x0 ss:$0x1], $0xffff  }
0x41: {  	s31 =	sor.u32 $0x1F0, s12;
	[tilespmem:v1+s12+$0x0 ss:$0x1] =	vst.idx.msk $0xffff, v2;
	v2 =	vld.idx.msk [tilespmem:v0+s30+$0x0 ss:$0x1], $0xffff  }
0x42: {  	p2 =	por p1, p1;
	[tilespmem:v1+s25+$0x0 ss:$0x1] =	vst.idx.msk $0xffff, v3;
	v3 =	vld.idx.msk [tilespmem:v0+s31+$0x0 ss:$0x1], $0xffff  }
.Ltmp3:
0x43: {  	[tilespmem:v1+s23+$0x0 ss:$0x1] =	vst.idx.msk $0xffff, v59;
	(pc) =	sbr.rel @p2 .LBB2_3-.Ltmp3, $4  }
0x44: {  	[tilespmem:v1+s28+$0x0 ss:$0x1] =	vst.idx.msk $0xffff, v62  }
0x45: {  	[tilespmem:v1+s29+$0x0 ss:$0x1] =	vst.idx.msk $0xffff, v63  }
0x46: {  	[tilespmem:v1+s30+$0x0 ss:$0x1] =	vst.idx.msk $0xffff, v2  }
0x47: {  	p1 =	por $0x0, $0x0;
	s12 =	simm.s32 $0x200;
	[tilespmem:v1+s31+$0x0 ss:$0x1] =	vst.idx.msk $0xffff, v3  }
.Ltmp4:
0x48: {  	(pc) =	sbr.rel .LBB2_5-.Ltmp4, $4  }
0x49: {  	_ = 	snop  }
0x4a: {  	s10 =	sshrl.u32 s10, $0x3  }
0x4b: {  	s10 =	sadd.s32 s3, s10  }
0x4c: {  	[hbm4b:s10+s8] =	stream.linear.scatter [tilespmem:s11], [sflag:$0x2], $0x400, $0x38;
	[tilespmem:$0x1000] =	vst v63  }
.LBB2_6:
0x4d: {  	_ =	sfence.sel $0x180000  }
0x4e: {  	s2 =	simm.s32 $0x1;
	[bflag:$0x0] =	sbarrier.arrive $0xFFFF  }
0x4f: {  	s31 =	simm.s32 $0x2;
	[sflag:s2] =	ssyncpa.u1 $0x1  }
0x50: {  	[sflag:s31] =	ssyncpa.u1 $0x1  }
0x51: {  	_ =	strace $0x90000047  }
0x52: {  	s0 =	sadd.s32 @!p0 $0x100000, s0;
	[bflag:$0x2] =	sbarrier.arrive $0xFFFF  }
0x53: {  	[sflag:s0] =	ssyncadd.tile.s32 @!p0 $0x1;
	s0 =	simm.s32 @!p0 $0x3F  }
0x54: {  	_ =	swait.ge @!p0 [sflag:s0], s1  }
0x55: {  	s1 =	ssub.s32 @!p0 $0x0, s1;
	[sflag:s0] =	ssyncset.done @!p0 $0x0  }
0x56: {  	[sflag:s0] =	ssyncadd.s32 @!p0 s1  }
0x57: {  	[bflag:$0x3] =	sbarrier.arrive $0xFFFF  }
0x58: {  	_ =	shalt  }
.Lfunc_end2:
execute1_lowered:
.L_overlay_start_2:
0x59: {  	(tag) =	ssettag $0x2  }
0x5a: {  	s0 =	rddreg [dreg:$0x0];
	_ =	strace $0x8000004A;
	s15 =	stileid.u32  }
0x5b: {  	s2 =	simm.s32 $0x1;
	s1 =	smin.u32 s15, $0x8;
	s3 =	sshll.u32 s15, $0x1  }
0x5c: {  	[sflag:s2] =	ssyncpa.u1 $0x0;
	s1 =	sadd.s32 s1, s3  }
0x5d: {  	v1 =	vimm.s32 $0xFFFFFFFF;
	p0 =	slt.u32 s15, $0x8;
	s4 =	smul.u32 $0x1E00, s1;
	s1 =	simm.s32 $0x5A00  }
0x5e: {  	[tilespmem:$0x10] =	vst v1;
	s1 =	simm.s32 @!p0 $0x3C00  }
0x5f: {  	v0 =	vimm.f32 $-Inf;
	[tilespmem:$0x20] =	vst v1;
	s1 =	sadd.s32 s1, s4  }
0x60: {  	[tilespmem:$0x30] =	vst v0;
	s5 =	smin.u32 s1, $0x4B000  }
0x61: {  	s7 =	simm.s32 $0x2;
	[tilespmem:$0x40] =	vst v0;
	s9 =	ssub.s32 s5, s4  }
0x62: {  	s8 =	simm.s32 $0x8;
	s30 =	simm.s32 $0x9;
	[tilespmem:$0x50] =	vst v0;
	p0 =	sgt.s32 s9, $0x0  }
0x63: {  	s16 =	simm.s32 $0x0;
	s17 =	simm.s32 $0xF0;
	[tilespmem:$0x60] =	vst v1;
	s9 =	simm.s32 @!p0 $0x0  }
0x64: {  	s18 =	simm.s32 $0xFFFFFFFF;
	s19 =	simm.s32 $0xFFFFC500;
	[tilespmem:$0x70] =	vst v1;
	s29 =	smulhi.u32 $0x88888889, s9  }
0x65: {  	s20 =	simm.s32 $0xFFFFFFFE;
	s21 =	simm.s32 $0xF;
	s25 =	simm.s32 $0x0;
	[tilespmem:$0x80] =	vst v1  }
0x66: {  	s24 =	simm.s32 $0x0;
	s6 =	sadd.s32 $0x4E4C00, s0;
	v1 =	vimm.s32 $0x0;
	[tilespmem:$0xB0] =	vst v0;
	s10 =	sshrl.u32 s29, $0xC  }
0x67: {  	s15 =	sshllo.u32 s15, $0x1;
	s13 =	sor.u32 $0x80, s3;
	[tilespmem:$0x90] =	vst v1;
	s11 =	smul.u32 $0x1E00, s10  }
0x68: {  	s14 =	sor.u32 $0x81, s3;
	[tilespmem:$0xA0] =	vst v1;
	[sflag:s7] =	ssyncpa.u1 $0x0;
	s7 =	simm.s32 $0x7  }
.Ltmp5:
0x69: {  	[sflag:s7] =	ssyncpa.u1 $0x0;
	p0 =	sne.s32 s9, s11;
	(pc) =	sbr.rel .LBB3_1-.Ltmp5, $4  }
0x6a: {  	[sflag:s8] =	ssyncpa.u1 $0x0;
	s23 =	smov.u32 s4;
	s2 =	simm.s32 @!p0 $0x0  }
0x6b: {  	s1 =	sadd.s32 $0x4F8000, s0;
	s0 =	sadd.s32 $0x4EE200, s0;
	s10 =	sadd.s32 s2, s10  }
0x6c: {  	vm0 =	vmmov $0xffff;
	v2 =	vlaneseq.u32;
	vm1 =	vmxor vm1, vm1;
	[sflag:s30] =	ssyncpa.u1 $0x0;
	[dreg:$0x2] =	wrdreg s0;
	s31 =	sadd.s32 $0x1, s10  }
0x6d: {  	vm2 =	vmmov $0x1;
	v3 =	vimm.f32 $0.0e+00;
	vm3 =	vcmask $0x3F3C;
	p0 =	por $0x0, $0x0;
	s12 =	sadd.s32 $0x2, s10;
	[dreg:$0x3] =	wrdreg s31  }
.LBB3_9:
0x6e: {  	p1 =	slt.u32 s24, $0x3  }
0x6f: {  	s0 =	simm.s32 @!p1 $0x2  }
0x70: {  	_ =	swait.ge @!p1 [sflag:s0], $0x1E00  }
0x71: {  	[sflag:s0] =	ssyncset.done @!p1 $0x0  }
0x72: {  	[sflag:s0] =	ssyncadd.s32 @!p1 $0xFFFFE200;
	s0 =	simm.s32 @!p1 $0x9  }
0x73: {  	_ =	swait.ge @!p1 [sflag:s0], $0x10  }
0x74: {  	[sflag:s0] =	ssyncset.done @!p1 $0x0  }
0x75: {  	[sflag:s0] =	ssyncadd.s32 @!p1 $0xFFFFFFF0;
	p1 =	sne.s32 s24, s12  }
.Ltmp6:
0x76: {  	s2 =	sadd.s32 $0x1E00, s23;
	(pc) =	sbr.rel @!p1 .LBB3_10-.Ltmp6, $4  }
0x77: {  	s9 =	smov.u32 s4;
	s31 =	sadd.s32 $0x1, s24;
	s17 =	sadd.s32 $0x1E00, s17  }
0x78: {  	s18 =	sadd.s32 $0x1, s18;
	s25 =	smov.u32 s23;
	p2 =	slt.s32 s2, s5  }
0x79: {  	p0 =	por !p0, !p0;
	s19 =	sadd.s32 $0x1E00, s19;
	s9 =	smov.u32 @p2 s2  }
0x7a: {  	s20 =	sadd.s32 $0x1, s20;
	s23 =	smov.u32 s9;
	s24 =	smov.u32 s31  }
.LBB3_1:
0x7b: {  	p1 =	sge.u32 s24, s10  }
0x7c: {  	s0 =	smulhi.u32 @!p1 $0xAAAAAAAB, s24;
	_ =	sdelay $0x1  }
0x7d: {  	s0 =	sshrl.u32 @!p1 s0, $0x1  }
0x7e: {  	s0 =	smul.u32 @!p1 $0x3, s0;
	_ =	sdelay $0x1  }
0x7f: {  	s0 =	ssub.s32 @!p1 s24, s0  }
0x80: {  	s0 =	smul.u32 @!p1 $0x7800, s0;
	_ =	sdelay $0x1  }
0x81: {  	s2 =	sshrl.u32 @!p1 s23, $0x3;
	s0 =	sshrl.u32 @!p1 s0, $0x2  }
0x82: {  	s9 =	sand.u32 @!p1 $0x7, s23;
	s2 =	sadd.s32 @!p1 s6, s2;
	s0 =	sor.u32 @!p1 $0x100, s0  }
0x83: {  	[tilespmem:s0], [sflag:$0x7] =	stream.linear.gather @!p1 [hbm4b:s2+s9], $0x1E00, $0x38;
	[tilespmem:$0x10F20] =	vst v63  }
0x84: {  	s0 =	sadd.s32 $0xFFFFFFFF, s24  }
0x85: {  	p1 =	sge.u32 s0, s10  }
.Ltmp7:
0x86: {  	_ = 	snop;
	(pc) =	sbr.rel @p1 .LBB3_5-.Ltmp7, $1  }
0x87: {  	_ =	sdelay $0x3  }
0x88: {  	s2 =	smulhi.u32 $0xAAAAAAAB, s0;
	_ =	sdelay $0x1  }
0x89: {  	s2 =	sshrl.u32 s2, $0x1  }
0x8a: {  	s2 =	smul.u32 $0x3, s2;
	_ =	sdelay $0x1  }
0x8b: {  	s2 =	ssub.s32 s0, s2  }
0x8c: {  	s2 =	smul.u32 $0x7800, s2;
	_ =	sdelay $0x1  }
0x8d: {  	_ =	swait.ge [sflag:s7], $0x1E00;
	s2 =	sshrl.u32 s2, $0x2  }
0x8e: {  	[sflag:s7] =	ssyncset.done $0x0;
	s2 =	sor.u32 $0x100, s2  }
0x8f: {  	[sflag:s7] =	ssyncadd.s32 $0xFFFFE200;
	(ifvalue) =	ssetifvalue $0xFFFFFFFF;
	v4 =	vld.msk [tilespmem:s2+$0x0 ss:$0x1], $0xffff;
	_ =	sdelay $0x2  }
0x90: {  	s29 =	smulhi.u32 $0xAAAAAAAB, s18;
	p1 =	sne.s32 s24, $0x1  }
0x91: {  	v5 =	vimm.s32 @!p1 $0x0  }
0x92: {  	s2 =	sshrl.u32 s29, $0x1;
	v5 =	vperm.xlane @!p1 v4, v5  }
0x93: {  	s9 =	sshll.u32 s24, $0x4;
	s2 =	smul.u32 $0xFFFE9800, s2;
	vm4 =	vlt.u32 v4, $0x4000  }
0x94: {  	s9 =	sand.u32 $0x10, s9;
	v4 =	vnsel vm4, $0xFFFFFFFE, v4;
	vm4 =	vlt.u32 @!p1 v5, $0x4000  }
0x95: {  	s2 =	sshra.s32 s2, $0x2;
	[tilespmem:s9+$0x60] =	vst v4;
	v4 =	vnsel @!p1 vm4, $0xFFFFFFFE, v5  }
0x96: {  	s30 =	sadd.s32 s2, s17;
	[tilespmem:$0x80] =	vst @!p1 v4  }
0x97: {  	v4 =	vld.msk [tilespmem:s30+$0x0 ss:$0x1], $0xffff;
	_ =	sdelay $0x4  }
0x98: {  	(xrf1) =	vunique.msk.u32 $0xffff, v4;
	_ =	sdelay $0xd  }
0x99: {  	v5 =	vimm.s32 $0xFFFFFFFF;
	v6, _, _ =	vpop (xrf1)  }
0x9a: {  	vm5 =	vne.s32 v4, v5;
	vm4 =	veq.s32 v6, v2  }
0x9b: {  	vm6 =	vlt.u32 v4, $0x4000;
	vm4 =	vmand vm5, vm4  }
0x9c: {  	vm4 =	vmand vm6, vm4  }
0x9d: {  	v5 =	vnsel vm4, $0xFFFFFFFF, v4  }
0x9e: {  	s31 =	sand.u32 $0x1, s0  }
0x9f: {  	s26 =	simm.s32 $0x1E00;
	p1 =	seq.s32 s31, $0x1  }
0xa0: {  	s26 =	simm.s32 @!p1 $0x0  }
0xa1: {  	s28 =	sadd.s32 $0x78F0, s26;
	(ifvalue) =	ssetifvalue $0xFFFFFFFF  }
0xa2: {  	v4 =	vperm.xlane v4, v1;
	[tilespmem:s28], [sflag:$0x8] =	stream.indirect_vreg.gather [hbm4b:s1+s16], $0x1, v5, vm0, $0x4038;
	v5 =	vnsel vm6, $0xFFFFFFFE, v5;
	[tilespmem:$0x10F20] =	vst v63  }
0xa3: {  	s0 =	simm.s32 $0x0;
	s2 =	sadd.s32 $0xFFFFFFF0, s30;
	[tilespmem:s30+$0x0] =	vst v5  }
.LBB3_3:
0xa4: {  	v5 =	vld.msk [tilespmem:s2+$0x0 ss:$0x1], $0xffff;
	s0 =	sadd.s32 $0x10, s0;
	v6 =	vmov v4;
	s9 =	smov.u32 s2  }
0xa5: {  	p1 =	slt.u32 s0, $0x1DF0;
	_ =	sdelay $0x4  }
0xa6: {  	v4 =	vperm.xlane v5, v1;
	(xrf1) =	vunique.msk.u32 $0xffff, v5;
	_ =	sdelay $0xd  }
0xa7: {  	v7, _, _ =	vpop (xrf1)  }
0xa8: {  	vm5 =	vne.s32 v5, v6;
	vm4 =	veq.s32 v7, v2  }
0xa9: {  	vm6 =	vlt.u32 v5, $0x4000;
	vm4 =	vmand vm5, vm4  }
0xaa: {  	vm4 =	vmand vm6, vm4  }
0xab: {  	v5 =	vnsel vm4, $0xFFFFFFFF, v5  }
.Ltmp8:
0xac: {  	v6 =	vnsel vm6, $0xFFFFFFFE, v5;
	(pc) =	sbr.rel @p1 .LBB3_3-.Ltmp8, $3  }
0xad: {  	_ =	sdelay $0x1  }
0xae: {  	s2 =	sadd.s32 $0xFFFFFFF0, s2;
	s28 =	sadd.s32 $0xFFFFFFF0, s28;
	(ifvalue) =	ssetifvalue $0xFFFFFFFF  }
0xaf: {  	[tilespmem:s28], [sflag:$0x8] =	stream.indirect_vreg.gather [hbm4b:s1+s16], $0x1, v5, vm0, $0x4038;
	[tilespmem:s9+$0x0] =	vst v6  }
0xb0: {  	s0 =	sshrl.u32 s25, $0x3;
	s2 =	rddreg [dreg:$0x2]  }
0xb1: {  	s31 =	sadd.s32 $0x9700, s26;
	s0 =	sadd.s32 s2, s0  }
0xb2: {  	[tilespmem:s31], [sflag:$0x8] =	stream.linear.gather [hbm:s0], $0x1E00, $0x38;
	[tilespmem:$0x10F20] =	vst v63  }
.LBB3_5:
0xb3: {  	p1 =	slt.u32 s24, $0x2  }
0xb4: {  	p2 =	sge.u32 @!p1 s24, s12  }
0xb5: {  	p1 =	por p1, p2  }
.Ltmp9:
0xb6: {  	_ = 	snop;
	(pc) =	sbr.rel @p1 .LBB3_9-.Ltmp9, $1  }
0xb7: {  	_ =	sdelay $0x3  }
0xb8: {  	s0 =	sadd.s32 $0xFFFFFFFE, s24  }
0xb9: {  	s2 =	smulhi.u32 $0xAAAAAAAB, s0;
	_ =	sdelay $0x1  }
0xba: {  	s2 =	sshrl.u32 s2, $0x1  }
0xbb: {  	s2 =	smul.u32 $0x3, s2;
	_ =	sdelay $0x1  }
0xbc: {  	_ =	swait.ge [sflag:s8], $0x3C00;
	s0 =	ssub.s32 s0, s2  }
0xbd: {  	s9 =	rddreg [dreg:$0x3];
	s0 =	smul.u32 $0x1E00, s0  }
0xbe: {  	[sflag:s8] =	ssyncset.done $0x0;
	p1 =	sne.s32 s24, s9  }
0xbf: {  	[sflag:s8] =	ssyncadd.s32 $0xFFFFC400;
	s2 =	sadd.s32 @!p1 $0x1EFF, s0  }
0xc0: {  	[spmem:s14] =	stream.linear.scatter @!p1 [tilespmem:s2], [sflag:$0x1], $0x1, $0x38;
	[tilespmem:$0x10F20] =	vst v63  }
0xc1: {  	s2 =	simm.s32 @!p1 $0x1  }
0xc2: {  	_ =	swait.ge @!p1 [sflag:s2], $0x1  }
0xc3: {  	s9 =	sshll.u32 s24, $0x4;
	[sflag:s2] =	ssyncset.done @!p1 $0x0  }
0xc4: {  	s25 =	sand.u32 $0x10, s9;
	[sflag:s2] =	ssyncadd.s32 @!p1 $0xFFFFFFFF  }
0xc5: {  	s2 =	sxor.u32 $0x10, s25;
	v5 =	vld [tilespmem:s25+$0x10]  }
0xc6: {  	v6 =	vld [tilespmem:s2+$0x60]  }
0xc7: {  	v4 =	vld [tilespmem:$0x80];
	_ =	sdelay $0x2  }
0xc8: {  	(v2sf) =	vpush v5, $0x0  }
0xc9: {  	(v2sf) =	vpush v6, $0x0  }
0xca: {  	(v2sf) =	vpush v4, $0x0;
	_ =	sdelay $0xc  }
0xcb: {  	s11 =	spop (v2sf)  }
0xcc: {  	s22 =	spop (v2sf)  }
0xcd: {  	s28 =	spop (v2sf)  }
0xce: {  	p2 =	seq.s32 s11, s22;
	p3 =	seq.s32 s28, s11  }
0xcf: {  	p3 =	por p2, p3  }
0xd0: {  	s26 =	sand.u32 $0x1, s24;
	v5 =	vpsel p3, $0xFFFFFFFF, v5  }
0xd1: {  	s29 =	smul.u32 $0x1E00, s26;
	[tilespmem:s25+$0x10] =	vst.msk $0x1, v5  }
0xd2: {  	v5 =	vld [tilespmem:$0x30]  }
0xd3: {  	v6 =	vld [tilespmem:s29+$0x9700]  }
0xd4: {  	v7 =	vld [tilespmem:s25+$0x40];
	_ =	sdelay $0x2  }
0xd5: {  	vm4 =	vmmov vm1  }
0xd6: {  	vm5 =	vmmov vm2;
	s9 =	sshll.u32 s26, $0x4;
	vm4 =	vmmov @p2 vm2;
	v6 =	vmax.f32 v5, v6  }
0xd7: {  	s26 =	sor.u32 $0x10F00, s9;
	vm5 =	vmmov @p3 vm1;
	v5 =	vmax.f32 v5, v7;
	[tilespmem:s29+$0x9700] =	vst.msk vm4, v6  }
0xd8: {  	[tilespmem:s26+$0x0] =	vst.msk vm5, v5  }
0xd9: {  	v5 =	vld [tilespmem:s29+$0x78F0];
	_ =	sdelay $0x4  }
0xda: {  	v5 =	vshift.insert v5, v3, s21  }
0xdb: {  	s11 =	sor.u32 $0x40, s2  }
0xdc: {  	v6 =	vimm.f32 $-Inf;
	[tilespmem:s11+$0x0] =	vst.msk $0x1, v5  }
0xdd: {  	[tilespmem:s29+$0x78FF] =	vst.msk $0x1, v6  }
0xde: {  	v5 =	vld [tilespmem:s0+$0x1EF0]  }
0xdf: {  	s22 =	smulhi.u32 $0xAAAAAAAB, s20;
	_ =	sdelay $0x1  }
0xe0: {  	s9 =	simm.s32 $0x1;
	s0 =	sshrl.u32 s22, $0x1  }
0xe1: {  	s9 =	simm.s32 @!p0 $0x0;
	s0 =	smul.u32 $0xFFFE9800, s0  }
0xe2: {  	s9 =	smul.u32 $0x7800, s9;
	v5 =	vshift.insert v5, v1, s21  }
0xe3: {  	s0 =	sshra.s32 s0, $0x2  }
0xe4: {  	s9 =	sshrl.u32 s9, $0x2;
	s22 =	sadd.s32 s0, s19;
	[tilespmem:s2+$0x10] =	vst.msk $0x1, v5  }
0xe5: {  	s2 =	sadd.s32 $0x9700, s9;
	v7 =	vld [tilespmem:s22+$0x0]  }
0xe6: {  	v8 =	vld [tilespmem:s2+$0x0];
	_ =	sdelay $0x4  }
0xe7: {  	vm4 =	vne.s32 v7, $0xFFFFFFFF;
	v6 =	vmax.f32 v8, v6  }
0xe8: {  	(xrf0) =	vmax.seg.scan.f32 vm4, v6  }
0xe9: {  	s11 =	sadd.s32 $0x5B00, s9;
	v8 =	vld [tilespmem:$0xA0]  }
0xea: {  	v9 =	vld [tilespmem:s11+$0x0];
	_ =	sdelay $0x1  }
0xeb: {  	v6 =	vperm.xlane v5, v1;
	_ =	sdelay $0x1  }
0xec: {  	vm6 =	veq.s32 v7, v4;
	vm7 =	veq.s32 v7, v6;
	vm5 =	veq.s32 v8, $0x1;
	v8, _, _ =	vpop (xrf0)  }
0xed: {  	vm8 =	vgt.u32 v7, $0xFFFFFFFD;
	vm7 =	vmor vm7, vm6;
	v9 =	vmax.f32 v8, v9  }
0xee: {  	s30 =	sadd.s32 $0xD300, s9;
	v10 =	vld [tilespmem:$0x90];
	vm7 =	vmor vm7, vm8;
	v9 =	vsel vm6, v8, v9  }
0xef: {  	[tilespmem:s30+$0x0] =	vst v9;
	v9 =	vsel vm7, $0xFFFFFFFF, v7;
	_ =	sdelay $0x1  }
0xf0: {  	vm9 =	vmand vm4, vm3  }
0xf1: {  	s31 =	simm.s32 $0x0;
	s9 =	sadd.s32 $0x10, s11;
	s0 =	sadd.s32 $0x10, s2;
	v11 =	vsel vm9, $0xFF800000, v8  }
0xf2: {  	s2 =	sadd.s32 $0x10, s22;
	s22 =	sadd.s32 $0x10, s30;
	vm4 =	vmor vm5, vm6;
	v7 =	vsel vm6, v8, v10;
	v8 =	vshift.insert v11, v0, s21;
	(ifvalue) =	ssetifvalue $0xFFFFFFFF  }
.LBB3_7:
0xf3: {  	[hbm4b:s1+s16] =	stream.indirect_vreg.scatter [tilespmem:s30], [sflag:$0x2], $0x1, v9, vm0, $0x4038;
	[tilespmem:$0x10F20] =	vst v63  }
0xf4: {  	s31 =	sadd.s32 $0x10, s31;
	s30 =	smov.u32 s22;
	v9 =	vld [tilespmem:s2+$0x0]  }
0xf5: {  	p2 =	slt.u32 s31, $0x1DF0;
	v10 =	vld [tilespmem:s0+$0x0];
	_ =	sdelay $0x4  }
0xf6: {  	vm5 =	vne.s32 v9, $0xFFFFFFFF;
	v8 =	vmax.f32 v10, v8  }
0xf7: {  	(xrf0) =	vmax.seg.scan.f32 vm5, v8;
	_ =	sdelay $0x1  }
0xf8: {  	v8 =	vld [tilespmem:s9+$0x0]  }
0xf9: {  	vm6 =	veq.s32 v9, v4;
	vm7 =	veq.s32 v9, v6  }
0xfa: {  	vm8 =	vgt.u32 v9, $0xFFFFFFFD;
	vm4 =	vmor vm4, vm6;
	vm7 =	vmor vm7, vm6  }
0xfb: {  	vm7 =	vmor vm7, vm8  }
.Ltmp10:
0xfc: {  	vm5 =	vmand vm5, vm3;
	v9 =	vsel vm7, $0xFFFFFFFF, v9;
	v10, _, _ =	vpop (xrf0);
	(pc) =	sbr.rel @p2 .LBB3_7-.Ltmp10, $4  }
0xfd: {  	v7 =	vsel vm6, v10, v7;
	v8 =	vmax.f32 v10, v8;
	v11 =	vsel vm5, $0xFF800000, v10  }
0xfe: {  	v10 =	vsel vm6, v10, v8;
	v8 =	vshift.insert v11, v0, s21  }
0xff: {  	s2 =	sadd.s32 $0x10, s2;
	s0 =	sadd.s32 $0x10, s0;
	[tilespmem:s22+$0x0] =	vst v10  }
0x100: {  	s9 =	sadd.s32 $0x10, s9;
	s22 =	sadd.s32 $0x10, s22;
	(ifvalue) =	ssetifvalue $0xFFFFFFFF  }
0x101: {  	_ =	sdelay $0x3  }
0x102: {  	[hbm4b:s1+s16] =	stream.indirect_vreg.scatter [tilespmem:s30], [sflag:$0x2], $0x1, v9, vm0, $0x4038;
	[tilespmem:$0x10F20] =	vst v63  }
0x103: {  	v4 =	vld [tilespmem:s29+$0xF0F0];
	_ =	sdelay $0x4  }
0x104: {  	v4 =	vshift.insert v4, v3, s21  }
0x105: {  	s0 =	simm.s32 $0x30  }
0x106: {  	[tilespmem:s0+$0x0] =	vst.msk $0x1, v4  }
0x107: {  	v4 =	vsel vm4, $0x1, v1;
	[tilespmem:$0x90] =	vst v7  }
0x108: {  	s0 =	sadd.s32 @!p1 $0xF0FF, s29;
	[tilespmem:$0xA0] =	vst v4  }
0x109: {  	[spmem:s15] =	stream.linear.scatter @!p1 [tilespmem:s0], [sflag:$0x1], $0x1, $0x38;
	[tilespmem:$0x10F20] =	vst v63  }
0x10a: {  	s0 =	simm.s32 @!p1 $0x1  }
0x10b: {  	v4 =	vmctz.xlane @!p1 vm4;
	_ =	swait.ge @!p1 [sflag:s0], $0x1  }
0x10c: {  	(v2sf) =	vpush @!p1 v5, $0x0  }
0x10d: {  	(v2sf) =	vpush @!p1 v4, $0x0;
	_ =	sdelay $0xd  }
0x10e: {  	s2 =	spop @!p1 (v2sf)  }
0x10f: {  	s9 =	spop @!p1 (v2sf)  }
0x110: {  	p2 =	sne.s32 @!p1 s28, s2;
	p3 =	slt.s32 @!p1 s9, $0xF  }
0x111: {  	[sflag:s0] =	ssyncset.done @!p1 $0x0;
	p2 =	por p2, p1;
	p3 =	por !p3, p1  }
0x112: {  	[sflag:s0] =	ssyncadd.s32 @!p1 $0xFFFFFFFF;
	v4 =	vimm.s32 @!p2 $0xFFFFFFFF;
	s9 =	simm.s32 @p3 $0xF  }
0x113: {  	[tilespmem:$0x80] =	vst @!p2 v4;
	s2 =	sadd.s32 @!p1 $0x90, s9  }
0x114: {  	[spmem:s3] =	stream.linear.scatter @!p1 [tilespmem:s2], [sflag:$0x1], $0x1, $0x38;
	[tilespmem:$0x10F20] =	vst v63  }
0x115: {  	_ =	swait.ge @!p1 [sflag:s0], $0x1  }
0x116: {  	[sflag:s0] =	ssyncset.done @!p1 $0x0  }
0x117: {  	s2 =	simm.s32 @!p1 $0x80;
	[sflag:s0] =	ssyncadd.s32 @!p1 $0xFFFFFFFF  }
0x118: {  	[spmem:s13] =	stream.linear.scatter @!p1 [tilespmem:s2], [sflag:$0x1], $0x1, $0x38;
	[tilespmem:$0x10F20] =	vst v63  }
0x119: {  	_ =	swait.ge @!p1 [sflag:s0], $0x1  }
0x11a: {  	[sflag:s0] =	ssyncset.done @!p1 $0x0  }
0x11b: {  	[sflag:s0] =	ssyncadd.s32 @!p1 $0xFFFFFFFF;
	(ifvalue) =	ssetifvalue $0xFFFFFFFF;
	v4 =	vld [tilespmem:s25+$0x10];
	_ =	sdelay $0x3  }
.Ltmp11:
0x11c: {  	_ = 	snop;
	(pc) =	sbr.rel .LBB3_9-.Ltmp11, $3  }
0x11d: {  	_ =	sdelay $0x1  }
0x11e: {  	(ifvalue) =	ssetifvalue $0xFFFFFFFF  }
0x11f: {  	[hbm4b:s1+s16] =	stream.indirect_vreg.scatter [tilespmem:s26], [sflag:$0x9], $0x1, v4, vm0, $0x4038;
	[tilespmem:$0x10F20] =	vst v63  }
.LBB3_10:
0x120: {  	_ =	sfence.sel $0x180000  }
0x121: {  	s0 =	simm.s32 $0x7;
	[bflag:$0x0] =	sbarrier.arrive $0xFFFF  }
0x122: {  	s26 =	simm.s32 $0x8;
	[sflag:s0] =	ssyncpa.u1 $0x1  }
0x123: {  	s28 =	simm.s32 $0x9;
	[sflag:s26] =	ssyncpa.u1 $0x1  }
0x124: {  	[sflag:s28] =	ssyncpa.u1 $0x1  }
0x125: {  	_ =	sfence.stream.spmem  }
0x126: {  	s29 =	simm.s32 $0x3;
	[bflag:$0x0] =	sbarrier.arrive $0xFFFF  }
0x127: {  	s30 =	simm.s32 $0x4;
	[sflag:s29] =	ssyncpa.u1 $0x1  }
0x128: {  	s31 =	simm.s32 $0x3C;
	s2 =	stileid.u32;
	[sflag:s30] =	ssyncpa.u1 $0x1  }
0x129: {  	p0 =	sne.s32 s2, $0x0;
	[sflag:s31] =	ssyncpa.u1 $0x1  }
0x12a: {  	s0 =	simm.s32 @p0 $0x1;
	_ =	sfence @p0  }
0x12b: {  	[sflag:s0] =	ssyncpa.u1 @p0 $0x1;
	s0 =	simm.s32 @p0 $0x2  }
0x12c: {  	[sflag:s0] =	ssyncpa.u1 @p0 $0x1  }
0x12d: {  	_ =	strace @p0 $0x9000004A  }
0x12e: {  	[bflag:$0x2] =	sbarrier.arrive @p0 $0xFFFF  }
0x12f: {  	_ =	shalt @p0  }
.LBB3_11:
0x130: {  	_ =	sfence.stream.spmem;
	s0 =	simm.s32 $0x5  }
0x131: {  	s2 =	simm.s32 $0x80;
	s3 =	simm.s32 $0xC0;
	[sflag:s0] =	ssyncpa.u1 $0x0  }
0x132: {  	[tilespmem:s3], [sflag:$0x5] =	stream.linear.gather [spmem:s2], $0x20, $0x38;
	[tilespmem:$0x10F20] =	vst v63  }
0x133: {  	s30 =	simm.s32 $0xE0;
	s2 =	simm.s32 $0x0  }
0x134: {  	[tilespmem:s30], [sflag:$0x5] =	stream.linear.gather [spmem:s2], $0x20, $0x38;
	[tilespmem:$0x10F20] =	vst v63  }
.Ltmp12:
0x135: {  	_ = 	snop;
	(pc) =	sbr.rel .LBB3_12-.Ltmp12, $4  }
0x136: {  	_ =	swait.ge [sflag:s0], $0x40  }
0x137: {  	[sflag:s0] =	ssyncset.done $0x0  }
0x138: {  	s31 =	simm.s32 $0x6;
	[sflag:s0] =	ssyncadd.s32 $0xFFFFFFC0  }
0x139: {  	s3 =	simm.s32 $0x0;
	[sflag:s31] =	ssyncpa.u1 $0x0  }
.LBB3_17:
0x13a: {  	p0 =	sgt.u32 s4, $0x3FFF  }
0x13b: {  	s0 =	sshrl.u32 @!p0 s4, $0x3  }
0x13c: {  	s4 =	sand.u32 @!p0 $0x7, s4;
	s5 =	simm.s32 @!p0 $0xB0;
	s0 =	sadd.s32 @!p0 s1, s0  }
0x13d: {  	[tilespmem:s5], [sflag:$0x6] =	stream.linear.gather @!p0 [hbm4b:s0+s4], $0x1, $0x38;
	[tilespmem:$0x10F20] =	vst v63  }
0x13e: {  	s0 =	simm.s32 @!p0 $0x6  }
0x13f: {  	_ =	swait.ge @!p0 [sflag:s0], $0x1  }
0x140: {  	[sflag:s0] =	ssyncset.done @!p0 $0x0  }
0x141: {  	[sflag:s0] =	ssyncadd.s32 @!p0 $0xFFFFFFFF  }
0x142: {  	v1 =	vld.msk @!p0 [tilespmem:$0xB0], $0x1  }
0x143: {  	v2 =	vld.msk @!p0 [tilespmem:s3+$0xE0], $0x1;
	_ =	sdelay $0x4  }
0x144: {  	v1 =	vmax.f32 @!p0 v2, v1  }
0x145: {  	[tilespmem:s3+$0xE0] =	vst.msk @!p0 $0x1, v1  }
0x146: {  	[tilespmem:s2+$0xC0] =	vst.msk $0x1, v0  }
0x147: {  	v0 =	vld.msk [tilespmem:s3+$0xE0], $0x1;
	_ =	sdelay $0x4  }
0x148: {  	[tilespmem:s2+$0xE0] =	vst.msk $0x1, v0;
	s2 =	sadd.s32 $0x1, s2  }
.LBB3_19:
0x149: {  	s3 =	sadd.s32 $0x1, s3  }
0x14a: {  	p0 =	sne.s32 s3, $0x20  }
.Ltmp13:
0x14b: {  	_ = 	snop;
	(pc) =	sbr.rel @!p0 .LBB3_20-.Ltmp13, $1  }
0x14c: {  	_ =	sdelay $0x3  }
.LBB3_12:
0x14d: {  	v0 =	vld.msk [tilespmem:s3+$0xC0], $0x1;
	_ =	sdelay $0x4  }
0x14e: {  	(v2sf) =	vpush v0, $0x0;
	_ =	sdelay $0xe  }
0x14f: {  	s4 =	spop (v2sf)  }
0x150: {  	p0 =	seq.s32 s4, $0xFFFFFFFF  }
.Ltmp14:
0x151: {  	_ = 	snop;
	(pc) =	sbr.rel @p0 .LBB3_19-.Ltmp14, $1  }
0x152: {  	_ =	sdelay $0x3  }
0x153: {  	p0 =	slt.s32 s2, $0x1  }
.Ltmp15:
0x154: {  	_ = 	snop;
	(pc) =	sbr.rel @p0 .LBB3_17-.Ltmp15, $1  }
0x155: {  	_ =	sdelay $0x3  }
0x156: {  	s0 =	simm.s32 $0xC0;
	p0 =	por $0x0, $0x0  }
0x157: {  	v1 =	vld.msk @!p0 [tilespmem:s0+$0x0], $0x1;
	_ =	sdelay $0x4  }
0x158: {  	(v2sf) =	vpush @!p0 v1, $0x0;
	_ =	sdelay $0xd  }
0x159: {  	p2 =	sne.s32 s2, $0x1  }
.Ltmp16:
0x15a: {  	s5 =	spop @!p0 (v2sf);
	(pc) =	sbr.rel @!p2 .LBB3_16-.Ltmp16, $4  }
0x15b: {  	p1 =	seq.s32 @!p0 s4, s5  }
0x15c: {  	s5 =	simm.s32 $0x0;
	p1 =	por !p1, p0  }
0x15d: {  	s7 =	simm.s32 $0xFFFFFFFF;
	s5 =	simm.s32 @p1 $0xFFFFFFFF  }
0x15e: {  	s6 =	simm.s32 $0x1;
	s5 =	smov.u32 @p0 s7  }
.LBB3_15:
0x15f: {  	s7 =	smov.u32 s5;
	p0 =	sne.s32 s5, $0xFFFFFFFF  }
0x160: {  	s0 =	sadd.s32 $0x1, s0;
	s5 =	smov.u32 s6;
	s6 =	sadd.s32 $0x1, s6  }
0x161: {  	p1 =	sne.s32 s2, s6;
	v1 =	vld.msk @!p0 [tilespmem:s0+$0x0], $0x1;
	_ =	sdelay $0x4  }
0x162: {  	(v2sf) =	vpush @!p0 v1, $0x0;
	_ =	sdelay $0xe  }
.Ltmp17:
0x163: {  	s8 =	spop @!p0 (v2sf);
	(pc) =	sbr.rel @p1 .LBB3_15-.Ltmp17, $4  }
0x164: {  	p2 =	seq.s32 @!p0 s4, s8  }
0x165: {  	p2 =	por !p2, p0  }
0x166: {  	s5 =	simm.s32 @p2 $0xFFFFFFFF  }
0x167: {  	s5 =	smov.u32 @p0 s7  }
.LBB3_16:
0x168: {  	p0 =	sne.s32 s5, $0xFFFFFFFF  }
.Ltmp18:
0x169: {  	_ = 	snop;
	(pc) =	sbr.rel @!p0 .LBB3_17-.Ltmp18, $1  }
0x16a: {  	_ =	sdelay $0x3  }
0x16b: {  	v0 =	vld.msk [tilespmem:s3+$0xE0], $0x1  }
0x16c: {  	v1 =	vld.msk [tilespmem:s5+$0xE0], $0x1;
	_ =	sdelay $0x1  }
.Ltmp19:
0x16d: {  	_ = 	snop;
	(pc) =	sbr.rel .LBB3_19-.Ltmp19, $3  }
0x16e: {  	_ =	sdelay $0x1  }
0x16f: {  	v0 =	vmax.f32 v1, v0  }
0x170: {  	[tilespmem:s5+$0xE0] =	vst.msk $0x1, v0  }
.LBB3_20:
0x171: {  	p0 =	slt.s32 s2, $0x1  }
.Ltmp20:
0x172: {  	_ = 	snop;
	(pc) =	sbr.rel @p0 .LBB3_24-.Ltmp20, $3  }
0x173: {  	_ =	sdelay $0x1  }
0x174: {  	s0 =	simm.s32 $0x6  }
0x175: {  	s3 =	simm.s32 $0x0;
	[sflag:s0] =	ssyncpa.u1 $0x1  }
0x176: {  	s0 =	simm.s32 $0xC0  }
0x177: {  	v0 =	vld.msk [tilespmem:s0+$0x0], $0x1;
	_ =	sdelay $0x4  }
0x178: {  	(v2sf) =	vpush v0, $0x0;
	_ =	sdelay $0xe  }
0x179: {  	s2 =	sadd.s32 $0xFFFFFFFF, s2;
	s4 =	spop (v2sf)  }
0x17a: {  	p1 =	sne.s32 s2, $0x0;
	p0 =	sgt.u32 s4, $0x3FFF  }
.Ltmp21:
0x17b: {  	s5 =	sshrl.u32 @!p0 s4, $0x3;
	(pc) =	sbr.rel @!p1 .LBB3_23-.Ltmp21, $4  }
0x17c: {  	s0 =	simm.s32 $0xE0;
	s4 =	sand.u32 @!p0 $0x7, s4;
	s5 =	sadd.s32 @!p0 s1, s5  }
0x17d: {  	[hbm4b:s5+s4] =	stream.linear.scatter @!p0 [tilespmem:s0], [sflag:$0x5], $0x1, $0x38;
	[tilespmem:$0x10F20] =	vst v63  }
0x17e: {  	s5 =	simm.s32 $0x0  }
0x17f: {  	s4 =	simm.s32 $0xC1;
	s5 =	simm.s32 @!p0 $0x4  }
.LBB3_22:
0x180: {  	v0 =	vld.msk [tilespmem:s4+$0x0], $0x1;
	s2 =	sadd.s32 $0xFFFFFFFF, s2;
	s3 =	sadd.s32 s3, s5  }
0x181: {  	p0 =	sne.s32 s2, $0x0;
	_ =	sdelay $0x3  }
0x182: {  	(v2sf) =	vpush v0, $0x0;
	_ =	sdelay $0xe  }
.Ltmp22:
0x183: {  	s6 =	spop (v2sf);
	(pc) =	sbr.rel @p0 .LBB3_22-.Ltmp22, $4  }
0x184: {  	s5 =	simm.s32 $0x0;
	p1 =	sgt.u32 s6, $0x3FFF  }
0x185: {  	s0 =	sadd.s32 $0x1, s0;
	s5 =	simm.s32 @!p1 $0x4;
	s7 =	sshrl.u32 @!p1 s6, $0x3  }
0x186: {  	s4 =	sadd.s32 $0x1, s4;
	s6 =	sand.u32 @!p1 $0x7, s6;
	s7 =	sadd.s32 @!p1 s1, s7  }
0x187: {  	[hbm4b:s7+s6] =	stream.linear.scatter @!p1 [tilespmem:s0], [sflag:$0x5], $0x1, $0x38;
	[tilespmem:$0x10F20] =	vst v63  }
.LBB3_23:
0x188: {  	s0 =	sadd.s32 s3, s5  }
0x189: {  	s3 =	sshrl.u32 s0, $0x2  }
.LBB3_24:
0x18a: {  	s0 =	simm.s32 $0x5  }
0x18b: {  	_ =	swait.ge [sflag:s0], s3  }
0x18c: {  	s1 =	ssub.s32 $0x0, s3;
	[sflag:s0] =	ssyncset.done $0x0  }
0x18d: {  	[sflag:s0] =	ssyncadd.s32 s1  }
0x18e: {  	[sflag:s0] =	ssyncpa.u1 $0x1  }
0x18f: {  	s29 =	simm.s32 $0x1;
	_ =	sfence  }
0x190: {  	s30 =	simm.s32 $0x2;
	[sflag:s29] =	ssyncpa.u1 $0x1  }
0x191: {  	[sflag:s30] =	ssyncpa.u1 $0x1  }
0x192: {  	_ =	strace $0x9000004A  }
0x193: {  	[bflag:$0x2] =	sbarrier.arrive $0xFFFF  }
0x194: {  	s31 =	rddreg [dreg:$0x1]  }
0x195: {  	s0 =	sadd.s32 $0x100000, s31  }
0x196: {  	[sflag:s0] =	ssyncadd.tile.s32 $0x1;
	_ =	shalt  }
.Lfunc_end3:
_tile_overlayer_lowered:
.L_overlay_start_3:
0x197: {  	(tag) =	ssettag $0x3  }
0x198: {  	s0 =	rddreg [dreg:$0x0];
	s2 =	stileid.u32  }
0x199: {  	s1 =	rddreg [dreg:$0x1];
	p0 =	sne.s32 s2, $0x0  }
0x19a: {  	s3 =	rddreg [dreg:$0x2];
	[bflag:$0x3] =	sbarrier.arrive $0xFFFF;
	s2 =	simm.s32 @!p0 $0x1C01  }
0x19b: {  	[timem:s3], [sflag:s2] =	dma.local @!p0 [hbm:s0], s1  }
0x19c: {  	s0 =	simm.s32 @!p0 $0x1  }
0x19d: {  	_ =	swait.ge @!p0 [sflag:s0], s1  }
0x19e: {  	s1 =	ssub.s32 @!p0 $0x0, s1;
	[sflag:s0] =	ssyncset.done @!p0 $0x0  }
0x19f: {  	[sflag:s0] =	ssyncadd.s32 @!p0 s1  }
0x1a0: {  	[bflag:$0x3] =	sbarrier.arrive $0xFFFF  }
0x1a1: {  	_ =	shalt  }

</sc_bundles>
